<compile_context>
chip_gen: v7x
topology: tpu7x:2x2x1
jax: 0.10.2.dev20260603
libtpu: 0.0.44.dev20260713+nightly
codegen_flags: <defaults>
</compile_context>

<pallas_src>
import functools

import jax
import jax.numpy as jnp
from jax import lax
from jax.experimental import pallas as pl
from jax.experimental.pallas import tpu as pltpu
from jax.experimental.pallas import tpu_sc as plsc

N = 10000
D = 128
E = 320000
NL = 65536
NC, NS = 2, 16
NW = NC * NS
CH = 128
NCHUNK = 80
E_PAD = NW * NCHUNK * CH
NSTG = 2
ACPS = NCHUNK // NSTG
APPS = ACPS // 2
ACC_PAD = 10240
RPT = ACC_PAD // NS
ZR = 128
CNT_PAD = 10240
CPT = CNT_PAD // NS
LPW = NL // NW
ZW = 16

_mesh = plsc.VectorSubcoreMesh(core_axis_name="c", subcore_axis_name="s")


def _zero_f32(ref, nwords):
    def body(i, _):
        ref[pl.ds(i * 16, 16)] = jnp.zeros((16,), jnp.float32)
        return 0
    lax.fori_loop(0, nwords // 16, body, 0)


def _agg_body(with_counts, x_hbm, src_hbm, dst_hbm, acc_out, cnt_out,
              idx_s, idx_d, rows_a, rows_b, ones_v, zcnt_v,
              acc_sh, cnt_sh, gsa, gsb, ssa, ssb, csa, csb):
    cid = lax.axis_index("c")
    sid = lax.axis_index("s")
    gwid = cid * NS + sid

    def zrow_fill(i, _):
        rows_a[i // (D // 16), pl.ds((i % (D // 16)) * 16, 16)] = (
            jnp.zeros((16,), jnp.float32))
        return 0
    lax.fori_loop(0, ZR * (D // 16), zrow_fill, 0)

    def zacc(j, _):
        pltpu.sync_copy(rows_a, acc_sh.at[pl.ds(sid * RPT + j * ZR, ZR)])
        return 0
    lax.fori_loop(0, RPT // ZR, zacc, 0)

    if with_counts:
        def ones_fill(i, _):
            ones_v[pl.ds(i * 16, 16)] = jnp.ones((16,), jnp.float32)
            return 0
        lax.fori_loop(0, CH // 16, ones_fill, 0)
        _zero_f32(zcnt_v, CPT)
        pltpu.sync_copy(zcnt_v, cnt_sh.at[pl.ds(sid * CPT, CPT)])

    plsc.subcore_barrier()

    for st in range(NSTG):
        pltpu.sync_copy(src_hbm.at[gwid, pl.ds(st * ACPS, ACPS)], idx_s)
        pltpu.sync_copy(dst_hbm.at[gwid, pl.ds(st * ACPS, ACPS)], idx_d)
        pltpu.async_copy(x_hbm.at[idx_s.at[0]], rows_a, gsa)

        def pair(k2, _):
            ka = 2 * k2
            kb = ka + 1
            pltpu.make_async_copy(x_hbm.at[idx_s.at[ka]], rows_a, gsa).wait()
            gb = pltpu.async_copy(x_hbm.at[idx_s.at[kb]], rows_b, gsb)
            sa = pltpu.async_copy(rows_a, acc_sh.at[idx_d.at[ka]], ssa,
                                  add=True)
            if with_counts:
                ca = pltpu.async_copy(ones_v, cnt_sh.at[idx_d.at[ka]], csa,
                                      add=True)
            gb.wait()
            sa.wait()
            if with_counts:
                ca.wait()

            @pl.when(k2 < APPS - 1)
            def _():
                pltpu.async_copy(x_hbm.at[idx_s.at[ka + 2]], rows_a, gsa)
            sb = pltpu.async_copy(rows_b, acc_sh.at[idx_d.at[kb]], ssb,
                                  add=True)
            if with_counts:
                cb = pltpu.async_copy(ones_v, cnt_sh.at[idx_d.at[kb]], csb,
                                      add=True)
            sb.wait()
            if with_counts:
                cb.wait()
            return 0
        lax.fori_loop(0, APPS, pair, 0)

    plsc.subcore_barrier()

    def cout(j, _):
        r = pl.multiple_of(sid * RPT + j * ZR, 8)
        pltpu.sync_copy(acc_sh.at[pl.ds(r, ZR)], acc_out.at[cid, pl.ds(r, ZR)])
        return 0
    lax.fori_loop(0, RPT // ZR, cout, 0)
    if with_counts:
        pltpu.sync_copy(cnt_sh.at[pl.ds(sid * CPT, CPT)],
                        cnt_out.at[cid, pl.ds(sid * CPT, CPT)])


def _make_agg(with_counts):
    out_type = (jax.ShapeDtypeStruct((NC, ACC_PAD, D), jnp.float32),)
    if with_counts:
        out_type = out_type + (jax.ShapeDtypeStruct((NC, CNT_PAD), jnp.float32),)
    scratch = (
        [pltpu.VMEM((ACPS, CH), jnp.int32),
         pltpu.VMEM((ACPS, CH), jnp.int32)]
        + [pltpu.VMEM((CH, D), jnp.float32)] * 2
        + [pltpu.VMEM((CH,), jnp.float32),
           pltpu.VMEM((CPT,), jnp.float32),
           pltpu.VMEM_SHARED((ACC_PAD, D), jnp.float32),
           pltpu.VMEM_SHARED((CNT_PAD,), jnp.float32)]
        + [pltpu.SemaphoreType.DMA] * 6
    )
    body = functools.partial(_agg_body, with_counts)
    return pl.kernel(body, out_type=out_type, mesh=_mesh, scratch_types=scratch)


_agg_with_counts = _make_agg(True)


def _aggs_body(z_hbm, src_hbm, dst_hbm, acc_out,
               idx_s, idx_d, r0, r1, r2, r3,
               acc_sh, g0, g1, g2, g3, s0, s1, s2, s3):
    cid = lax.axis_index("c")
    sid = lax.axis_index("s")
    gwid = cid * NS + sid
    rows = (r0, r1, r2, r3)
    gs = (g0, g1, g2, g3)
    ss = (s0, s1, s2, s3)

    pltpu.sync_copy(src_hbm.at[gwid], idx_s)
    pltpu.sync_copy(dst_hbm.at[gwid], idx_d)

    def zrow_fill(i, _):
        r0[i, :] = jnp.zeros((ZW,), jnp.float32)
        return 0
    lax.fori_loop(0, CH, zrow_fill, 0)

    def zacc(j, _):
        pltpu.sync_copy(r0, acc_sh.at[pl.ds(sid * RPT + j * CH, CH)])
        return 0
    lax.fori_loop(0, RPT // CH, zacc, 0)
    plsc.subcore_barrier()

    for j in range(3):
        pltpu.async_copy(z_hbm.at[idx_s.at[j]], rows[j], gs[j])

    def quad(k4, _):
        for j in range(4):
            c = 4 * k4 + j
            pltpu.make_async_copy(z_hbm.at[idx_s.at[c]], rows[j],
                                  gs[j]).wait()
            pltpu.async_copy(rows[j], acc_sh.at[idx_d.at[c]], ss[j],
                             add=True)
            jp = (j + 3) % 4
            cp = c + 3

            @pl.when(cp < NCHUNK)
            def _():
                @pl.when(c > 0)
                def _():
                    pltpu.make_async_copy(
                        rows[jp], acc_sh.at[idx_d.at[0]], ss[jp]).wait()
                pltpu.async_copy(z_hbm.at[idx_s.at[cp]], rows[jp], gs[jp])
        return 0
    lax.fori_loop(0, NCHUNK // 4, quad, 0)
    for j in range(4):
        pltpu.make_async_copy(rows[j], acc_sh.at[idx_d.at[0]], ss[j]).wait()

    plsc.subcore_barrier()
    pltpu.sync_copy(acc_sh.at[pl.ds(sid * RPT, RPT)],
                    acc_out.at[cid, pl.ds(sid * RPT, RPT)])


_agg_scalar = pl.kernel(
    _aggs_body,
    out_type=jax.ShapeDtypeStruct((NC, ACC_PAD, ZW), jnp.float32),
    mesh=_mesh,
    compiler_params=pltpu.CompilerParams(use_tc_tiling_on_sc=False),
    scratch_types=[
        pltpu.VMEM((NCHUNK, CH), jnp.int32),
        pltpu.VMEM((NCHUNK, CH), jnp.int32),
        pltpu.VMEM((CH, ZW), jnp.float32),
        pltpu.VMEM((CH, ZW), jnp.float32),
        pltpu.VMEM((CH, ZW), jnp.float32),
        pltpu.VMEM((CH, ZW), jnp.float32),
        pltpu.VMEM_SHARED((ACC_PAD, ZW), jnp.float32),
        pltpu.SemaphoreType.DMA,
        pltpu.SemaphoreType.DMA,
        pltpu.SemaphoreType.DMA,
        pltpu.SemaphoreType.DMA,
        pltpu.SemaphoreType.DMA,
        pltpu.SemaphoreType.DMA,
        pltpu.SemaphoreType.DMA,
        pltpu.SemaphoreType.DMA,
    ],
)


def _layer1_tc(acc_ref, cnt0_ref, cnt1_ref, x_ref, wl_ref, wr_ref, bl_ref,
               wl2_ref, wab_ref, h_ref, z_ref):
    cnt = jnp.maximum(cnt0_ref[...] + cnt1_ref[...], 1.0)
    mean = (acc_ref[0] + acc_ref[1]) / cnt
    h = (lax.dot_general(mean, wl_ref[...], (((1,), (1,)), ((), ())),
                         preferred_element_type=jnp.float32)
         + lax.dot_general(x_ref[...], wr_ref[...], (((1,), (1,)), ((), ())),
                           preferred_element_type=jnp.float32)
         + bl_ref[...])
    h = jnp.maximum(h, 0.0)
    h_ref[...] = h
    w2 = lax.dot_general(wl2_ref[...], wab_ref[...], (((0,), (0,)), ((), ())),
                         preferred_element_type=jnp.float32)
    z_ref[...] = jnp.dot(h, w2, preferred_element_type=jnp.float32)


def _layer2_tc(zacc_ref, cnt0_ref, cnt1_ref, h_ref, wr2_ref, wab_ref,
               bl2_ref, blin_ref, p_ref, q_ref):
    cnt = jnp.maximum(cnt0_ref[...] + cnt1_ref[...], 1.0)
    mean_z = (zacc_ref[0] + zacc_ref[1]) / cnt
    u = lax.dot_general(wr2_ref[...], wab_ref[...], (((0,), (0,)), ((), ())),
                        preferred_element_type=jnp.float32)
    t = jnp.dot(h_ref[...], u, preferred_element_type=jnp.float32)
    cvec = lax.dot_general(bl2_ref[...], wab_ref[...],
                           (((1,), (0,)), ((), ())),
                           preferred_element_type=jnp.float32)
    s = mean_z + t + cvec
    p_ref[...] = s[:, 0:1] + blin_ref[...]
    q_ref[...] = s[:, 1:2]


_BR = 1000


def _score_body(p_hbm, q_hbm, s_hbm, d_hbm, out_hbm, p_v, q_v, si_v, di_v, o_v):
    cid = lax.axis_index("c")
    sid = lax.axis_index("s")
    wid = cid * NS + sid
    base = pl.multiple_of(wid * LPW, 8)
    pltpu.sync_copy(p_hbm, p_v)
    pltpu.sync_copy(q_hbm, q_v)
    pltpu.sync_copy(s_hbm.at[pl.ds(base, LPW)], si_v)
    pltpu.sync_copy(d_hbm.at[pl.ds(base, LPW)], di_v)

    def step(j, _):
        sv = si_v[pl.ds(j * 16, 16)]
        dv = di_v[pl.ds(j * 16, 16)]
        o_v[pl.ds(j * 16, 16)] = (plsc.load_gather(p_v, [sv])
                                  + plsc.load_gather(q_v, [dv]))
        return 0
    lax.fori_loop(0, LPW // 16, step, 0)
    pltpu.sync_copy(o_v, out_hbm.at[pl.ds(base, LPW)])


_score = pl.kernel(
    _score_body,
    out_type=jax.ShapeDtypeStruct((NL,), jnp.float32),
    mesh=_mesh,
    compiler_params=pltpu.CompilerParams(needs_layout_passes=False),
    scratch_types=[
        pltpu.VMEM((N,), jnp.float32),
        pltpu.VMEM((N,), jnp.float32),
        pltpu.VMEM((LPW,), jnp.int32),
        pltpu.VMEM((LPW,), jnp.int32),
        pltpu.VMEM((LPW,), jnp.float32),
    ],
)


_cnt_spec = pl.BlockSpec((_BR, 1), lambda i: (i, 0))
_row_spec = pl.BlockSpec((_BR, D), lambda i: (i, 0))
_w_spec = pl.BlockSpec((D, D), lambda i: (0, 0))
_b_spec = pl.BlockSpec((1, D), lambda i: (0, 0))
_wab_spec = pl.BlockSpec((D, ZW), lambda i: (0, 0))
_z_spec = pl.BlockSpec((_BR, ZW), lambda i: (i, 0))
_pq_spec = pl.BlockSpec((_BR, 1), lambda i: (i, 0))


def _tc_layer1(acc, cnt0, cnt1, x, Wl, Wr, bl, Wl2, wab):
    return pl.pallas_call(
        _layer1_tc,
        grid=(N // _BR,),
        in_specs=[pl.BlockSpec((NC, _BR, D), lambda i: (0, i, 0)),
                  _cnt_spec, _cnt_spec, _row_spec, _w_spec, _w_spec,
                  _b_spec, _w_spec, _wab_spec],
        out_specs=(_row_spec, _z_spec),
        out_shape=(jax.ShapeDtypeStruct((N, D), jnp.float32),
                   jax.ShapeDtypeStruct((N, ZW), jnp.float32)),
    )(acc, cnt0, cnt1, x, Wl, Wr, bl.reshape(1, D), Wl2, wab)


def _tc_layer2(zacc, cnt0, cnt1, h1, Wr2, wab, bl2, blin):
    return pl.pallas_call(
        _layer2_tc,
        grid=(N // _BR,),
        in_specs=[pl.BlockSpec((NC, _BR, ZW), lambda i: (0, i, 0)),
                  _cnt_spec, _cnt_spec, _row_spec, _w_spec, _wab_spec,
                  _b_spec, pl.BlockSpec((1, 1), lambda i: (0, 0))],
        out_specs=(_pq_spec, _pq_spec),
        out_shape=(jax.ShapeDtypeStruct((N, 1), jnp.float32),
                   jax.ShapeDtypeStruct((N, 1), jnp.float32)),
    )(zacc, cnt0, cnt1, h1, Wr2, wab, bl2.reshape(1, D), blin.reshape(1, 1))


def kernel(edge_index, edge_label_index, emb, Wl1, bl1, Wr1, Wl2, bl2, Wr2,
           Wlin, blin):
    npad = E_PAD - E
    pad_src = (jnp.arange(npad, dtype=jnp.int32) * 37) % N
    pad_dst = N + (jnp.arange(npad, dtype=jnp.int32) % (ACC_PAD - N))
    srcf = jnp.concatenate([edge_index[0], pad_src])
    dstf = jnp.concatenate([edge_index[1], pad_dst])
    wab = jnp.zeros((D, ZW), jnp.float32)
    wab = wab.at[:, 0].set(Wlin[0, :D]).at[:, 1].set(Wlin[0, D:])

    acc1, cnt = _agg_with_counts(emb, srcf.reshape(NW, NCHUNK, CH),
                                 dstf.reshape(NW, NCHUNK, CH))
    cnt0 = cnt[0, :N].reshape(N, 1)
    cnt1 = cnt[1, :N].reshape(N, 1)
    h1, z = _tc_layer1(acc1, cnt0, cnt1, emb, Wl1, Wr1, bl1, Wl2, wab)

    zacc = _agg_scalar(z, srcf.reshape(NW, NCHUNK, CH),
                       dstf.reshape(NW, NCHUNK, CH))
    p, q = _tc_layer2(zacc, cnt0, cnt1, h1, Wr2, wab, bl2, blin)

    out = _score(p.reshape(N), q.reshape(N),
                 edge_label_index[0], edge_label_index[1])
    return out

# --- scband reference (transcript-rebuilt; emitter-appended) ---
"""Pipeline reference for scband-graph-sage-8246337208621 (READ-ONLY COPY).

The authoritative reference and input builder live on the scoring server;
editing this copy changes nothing except your own understanding.
"""

import jax, jax.numpy as jnp
import numpy as np

N_NODES = 10000
EMBED_DIM = 128
HIDDEN_DIM = 128
N_EDGES = 320000
N_LABEL = 65536


def setup_inputs(seed: int = 0) -> dict:
    key = jax.random.key(seed)
    ks = jax.random.split(key, 12)
    edge_index = jax.random.randint(ks[0], (2, N_EDGES), 0, N_NODES, dtype=jnp.int64 if jax.config.jax_enable_x64 else jnp.int32).astype(jnp.int32)
    edge_label_index = jax.random.randint(ks[1], (2, N_LABEL), 0, N_NODES).astype(jnp.int32)
    s_in = 1.0 / np.sqrt(EMBED_DIM)
    s_h = 1.0 / np.sqrt(HIDDEN_DIM)
    emb = jax.random.normal(ks[2], (N_NODES, EMBED_DIM), dtype=jnp.float32)
    Wl1 = jax.random.uniform(ks[3], (HIDDEN_DIM, EMBED_DIM), minval=-s_in, maxval=s_in, dtype=jnp.float32)
    bl1 = jnp.zeros((HIDDEN_DIM,), dtype=jnp.float32)
    Wr1 = jax.random.uniform(ks[4], (HIDDEN_DIM, EMBED_DIM), minval=-s_in, maxval=s_in, dtype=jnp.float32)
    Wl2 = jax.random.uniform(ks[5], (HIDDEN_DIM, HIDDEN_DIM), minval=-s_h, maxval=s_h, dtype=jnp.float32)
    bl2 = jnp.zeros((HIDDEN_DIM,), dtype=jnp.float32)
    Wr2 = jax.random.uniform(ks[6], (HIDDEN_DIM, HIDDEN_DIM), minval=-s_h, maxval=s_h, dtype=jnp.float32)
    s_lin = 1.0 / np.sqrt(2 * HIDDEN_DIM)
    Wlin = jax.random.uniform(ks[7], (1, 2 * HIDDEN_DIM), minval=-s_lin, maxval=s_lin, dtype=jnp.float32)
    blin = jnp.zeros((1,), dtype=jnp.float32)
    return {"edge_index": edge_index, "edge_label_index": edge_label_index, "emb": emb,
            "Wl1": Wl1, "bl1": bl1, "Wr1": Wr1, "Wl2": Wl2, "bl2": bl2, "Wr2": Wr2,
            "Wlin": Wlin, "blin": blin}


def sage_conv(x, edge_index, Wl, bl, Wr, num_nodes):
    # PyG SAGEConv with mean aggregation: out = lin_l(mean_{j in N(i)} x_j) + lin_r(x_i)
    src = edge_index[0]
    dst = edge_index[1]
    msgs = jnp.take(x, src, axis=0)
    summed = jax.ops.segment_sum(msgs, dst, num_segments=num_nodes)
    cnt = jax.ops.segment_sum(jnp.ones((edge_index.shape[1], 1), dtype=x.dtype), dst, num_segments=num_nodes)
    mean = summed / jnp.maximum(cnt, 1.0)
    return mean @ Wl.T + bl + x @ Wr.T


def reference(edge_index, edge_label_index, emb, Wl1, bl1, Wr1, Wl2, bl2, Wr2, Wlin, blin):
    x = emb
    h = jax.nn.relu(sage_conv(x, edge_index, Wl1, bl1, Wr1, N_NODES))
    h = sage_conv(h, edge_index, Wl2, bl2, Wr2, N_NODES)
    s = edge_label_index[0]
    d = edge_label_index[1]
    e = jnp.concatenate([jnp.take(h, s, axis=0), jnp.take(h, d, axis=0)], axis=1)
    return (e @ Wlin.T + blin).reshape(-1)

if __name__ == "__main__":
    import jax
    _d = setup_inputs()
    print(jax.jit(kernel)(*tuple(_d.values())))

</pallas_src>

<mosaic_0001>
#map = affine_map<(d0, d1) -> (0, 0)>
#map1 = affine_map<(d0, d1) -> (0, 0, 0)>
module attributes {stable_mosaic.version = 14 : i64} {
  func.func @_agg_body(%arg0: i32, %arg1: i32, %arg2: memref<10000x128xf32, #tpu.memory_space<hbm>>, %arg3: memref<32x80x128xi32, #tpu.memory_space<hbm>>, %arg4: memref<32x80x128xi32, #tpu.memory_space<hbm>>, %arg5: memref<2x10240x128xf32, #tpu.memory_space<hbm>>, %arg6: memref<2x10240xf32, #tpu.memory_space<hbm>>, %arg7: memref<40x128xi32, #tpu.memory_space<vmem>>, %arg8: memref<40x128xi32, #tpu.memory_space<vmem>>, %arg9: memref<128x128xf32, #tpu.memory_space<vmem>>, %arg10: memref<128x128xf32, #tpu.memory_space<vmem>>, %arg11: memref<128xf32, #tpu.memory_space<vmem>>, %arg12: memref<640xf32, #tpu.memory_space<vmem>>, %arg13: memref<10240x128xf32, #tpu.memory_space<vmem_shared>>, %arg14: memref<10240xf32, #tpu.memory_space<vmem_shared>>, %arg15: memref<!tpu.dma_semaphore, #tpu.memory_space<semaphore_mem>>, %arg16: memref<!tpu.dma_semaphore, #tpu.memory_space<semaphore_mem>>, %arg17: memref<!tpu.dma_semaphore, #tpu.memory_space<semaphore_mem>>, %arg18: memref<!tpu.dma_semaphore, #tpu.memory_space<semaphore_mem>>, %arg19: memref<!tpu.dma_semaphore, #tpu.memory_space<semaphore_mem>>, %arg20: memref<!tpu.dma_semaphore, #tpu.memory_space<semaphore_mem>>) attributes {dimension_semantics = [#tpu.dimension_semantics<core_parallel>, #tpu.dimension_semantics<subcore_parallel>], iteration_bounds = array<i64: 2, 16>, scalar_prefetch = 0 : i64, scratch_operands = 14 : i64, tpu.core_type = #tpu.core_type<sc_vector_subcore>, window_params = [{transform_indices = #map}, {transform_indices = #map1}, {transform_indices = #map1}, {transform_indices = #map1}, {transform_indices = #map}]} {
    %mul3A = arith.constant 16 : i32
    %mul3A_0 = arith.muli %arg0, %mul3A : i32
    %add3A = arith.addi %mul3A_0, %arg1 : i32
    %scan3A = arith.constant 0 : i32
    %scan3A_1 = arith.constant 0 : i32
    %scan3A_2 = arith.constant 1024 : i32
    %scan3A_3 = arith.addi %scan3A_1, %scan3A_2 : i32
    %scan3A_4 = arith.constant 1 : i32
    %scan3A_5 = scf.for %scan3A_69 = %scan3A_1 to %scan3A_3 step %scan3A_4 iter_args(%scan3A_70 = %scan3A) -> (i32)  : i32 {
      %broadcast_in_dim3A = arith.constant 0.000000e+00 : f32
      %broadcast_in_dim3A_71 = vector.broadcast %broadcast_in_dim3A : f32 to vector<16xf32>
      %jit3A = arith.constant 8 : i32
      %div3A = arith.divsi %scan3A_69, %jit3A : i32
      %sign3A = arith.constant 0 : i32
      %sign3A_72 = arith.cmpi sgt, %scan3A_69, %sign3A : i32
      %sign3A_73 = arith.extui %sign3A_72 : i1 to i32
      %sign3A_74 = arith.constant 0 : i32
      %sign3A_75 = arith.cmpi slt, %scan3A_69, %sign3A_74 : i32
      %sign3A_76 = arith.extui %sign3A_75 : i1 to i32
      %sign3A_77 = arith.subi %sign3A_73, %sign3A_76 : i32
      %sign3A_78 = arith.constant 0 : i32
      %sign3A_79 = arith.cmpi sgt, %jit3A, %sign3A_78 : i32
      %sign3A_80 = arith.extui %sign3A_79 : i1 to i32
      %sign3A_81 = arith.constant 0 : i32
      %sign3A_82 = arith.cmpi slt, %jit3A, %sign3A_81 : i32
      %sign3A_83 = arith.extui %sign3A_82 : i1 to i32
      %sign3A_84 = arith.subi %sign3A_80, %sign3A_83 : i32
      %ne3A = arith.cmpi ne, %sign3A_77, %sign3A_84 : i32
      %rem3A = arith.remsi %scan3A_69, %jit3A : i32
      %ne3A_85 = arith.constant 0 : i32
      %ne3A_86 = arith.cmpi ne, %rem3A, %ne3A_85 : i32
      %and3A = arith.andi %ne3A, %ne3A_86 : i1
      %sub3A = arith.constant 1 : i32
      %sub3A_87 = arith.subi %div3A, %sub3A : i32
      %select_n3A = arith.select %and3A, %sub3A_87, %div3A : i32
      %jit3A_88 = arith.constant 8 : i32
      %eq3A = arith.constant 0 : i32
      %eq3A_89 = arith.cmpi eq, %jit3A_88, %eq3A : i32
      %jit3A_90 = arith.constant 1 : i32
      %select_n3A_91 = arith.select %eq3A_89, %jit3A_90, %jit3A_88 : i32
      %rem3A_92 = arith.remsi %scan3A_69, %select_n3A_91 : i32
      %ne3A_93 = arith.constant 0 : i32
      %ne3A_94 = arith.cmpi ne, %rem3A_92, %ne3A_93 : i32
      %lt3A = arith.constant 0 : i32
      %lt3A_95 = arith.cmpi slt, %rem3A_92, %lt3A : i32
      %lt3A_96 = arith.constant 0 : i32
      %lt3A_97 = arith.cmpi slt, %select_n3A_91, %lt3A_96 : i32
      %ne3A_98 = arith.xori %lt3A_95, %lt3A_97 : i1
      %and3A_99 = arith.andi %ne3A_98, %ne3A_94 : i1
      %add3A_100 = arith.addi %rem3A_92, %select_n3A_91 : i32
      %select_n3A_101 = arith.select %and3A_99, %add3A_100, %rem3A_92 : i32
      %mul3A_102 = arith.constant 16 : i32
      %mul3A_103 = arith.muli %select_n3A_101, %mul3A_102 : i32
      %swap3A = arith.index_cast %select_n3A : i32 to index
      %swap3A_104 = arith.index_cast %mul3A_103 : i32 to index
      %swap3A_105 = tpu.vector_load %arg9[%swap3A, %swap3A_104] {strides = array<i32>} : memref<128x128xf32, #tpu.memory_space<vmem>>, vector<1x16xf32>,
      %swap3A_106 = vector.shape_cast %swap3A_105 : vector<1x16xf32> to vector<16xf32>
      %swap3A_107 = vector.shape_cast %broadcast_in_dim3A_71 : vector<16xf32> to vector<1x16xf32>
      tpu.vector_store %arg9[%swap3A, %swap3A_104], %swap3A_107 {strides = array<i32>} : memref<128x128xf32, #tpu.memory_space<vmem>>, vector<1x16xf32>,
      %scan3A_108 = arith.constant 0 : i32
      scf.yield %scan3A_108 : i32
    }
    %scan3A_6 = arith.constant 1024 : i32
    %scan3A_7 = arith.constant 0 : i32
    %scan3A_8 = arith.constant 0 : i32
    %scan3A_9 = arith.constant 5 : i32
    %scan3A_10 = arith.addi %scan3A_8, %scan3A_9 : i32
    %scan3A_11 = arith.constant 1 : i32
    %scan3A_12 = scf.for %scan3A_69 = %scan3A_8 to %scan3A_10 step %scan3A_11 iter_args(%scan3A_70 = %scan3A_7) -> (i32)  : i32 {
      %mul3A_71 = arith.constant 640 : i32
      %mul3A_72 = arith.muli %arg1, %mul3A_71 : i32
      %mul3A_73 = arith.constant 128 : i32
      %mul3A_74 = arith.muli %scan3A_69, %mul3A_73 : i32
      %add3A_75 = arith.addi %mul3A_72, %mul3A_74 : i32
      "tpu.region"() ({
        %run_scoped3A = tpu.sem_alloc : memref<!tpu.dma_semaphore, #tpu.memory_space<semaphore_mem>>
        %dma_start3A_77 = arith.constant 0 : i32
        %dma_start3A_78 = tpu.memref_slice %arg13[%add3A_75, %dma_start3A_77] : memref<10240x128xf32, #tpu.memory_space<vmem_shared>> -> memref<128x128xf32, #tpu.memory_space<vmem_shared>>
        %dma_start3A_79 = arith.constant 0 : i32
        %dma_start3A_80 = tpu.memref_slice %arg13[%add3A_75, %dma_start3A_79] : memref<10240x128xf32, #tpu.memory_space<vmem_shared>> -> memref<128x128xf32, #tpu.memory_space<vmem_shared>>
        tpu.enqueue_dma source(%arg9 : memref<128x128xf32, #tpu.memory_space<vmem>>) target(%dma_start3A_80 : memref<128x128xf32, #tpu.memory_space<vmem_shared>>) target_semaphore(%run_scoped3A : memref<!tpu.dma_semaphore, #tpu.memory_space<semaphore_mem>>)
        %dma_wait3A = arith.constant 0 : i32
        %dma_wait3A_81 = tpu.memref_slice %arg13[%add3A_75, %dma_wait3A] : memref<10240x128xf32, #tpu.memory_space<vmem_shared>> -> memref<128x128xf32, #tpu.memory_space<vmem_shared>>
        %dma_wait3A_82 = arith.constant 0 : i32
        %dma_wait3A_83 = tpu.memref_slice %arg13[%add3A_75, %dma_wait3A_82] : memref<10240x128xf32, #tpu.memory_space<vmem_shared>> -> memref<128x128xf32, #tpu.memory_space<vmem_shared>>
        tpu.wait_dma2 semaphore(%run_scoped3A : memref<!tpu.dma_semaphore, #tpu.memory_space<semaphore_mem>>) src(%arg9 : memref<128x128xf32, #tpu.memory_space<vmem>>) dst(%dma_wait3A_83 : memref<128x128xf32, #tpu.memory_space<vmem_shared>>)
        tpu.yield
      }) : () -> ()
      %scan3A_76 = arith.constant 0 : i32
      scf.yield %scan3A_76 : i32
    }
    %scan3A_13 = arith.constant 5 : i32
    %scan3A_14 = arith.constant 0 : i32
    %scan3A_15 = arith.constant 0 : i32
    %scan3A_16 = arith.constant 8 : i32
    %scan3A_17 = arith.addi %scan3A_15, %scan3A_16 : i32
    %scan3A_18 = arith.constant 1 : i32
    %scan3A_19 = scf.for %scan3A_69 = %scan3A_15 to %scan3A_17 step %scan3A_18 iter_args(%scan3A_70 = %scan3A_14) -> (i32)  : i32 {
      %broadcast_in_dim3A = arith.constant 1.000000e+00 : f32
      %broadcast_in_dim3A_71 = vector.broadcast %broadcast_in_dim3A : f32 to vector<16xf32>
      %mul3A_72 = arith.constant 16 : i32
      %mul3A_73 = arith.muli %scan3A_69, %mul3A_72 : i32
      %swap3A = arith.index_cast %mul3A_73 : i32 to index
      %swap3A_74 = tpu.vector_load %arg11[%swap3A] {strides = array<i32>} : memref<128xf32, #tpu.memory_space<vmem>>, vector<16xf32>,
      %swap3A_75 = vector.shape_cast %swap3A_74 : vector<16xf32> to vector<16xf32>
      %swap3A_76 = vector.shape_cast %broadcast_in_dim3A_71 : vector<16xf32> to vector<16xf32>
      tpu.vector_store %arg11[%swap3A], %swap3A_76 {strides = array<i32>} : memref<128xf32, #tpu.memory_space<vmem>>, vector<16xf32>,
      %scan3A_77 = arith.constant 0 : i32
      scf.yield %scan3A_77 : i32
    }
    %scan3A_20 = arith.constant 8 : i32
    %scan3A_21 = arith.constant 0 : i32
    %scan3A_22 = arith.constant 0 : i32
    %scan3A_23 = arith.constant 40 : i32
    %scan3A_24 = arith.addi %scan3A_22, %scan3A_23 : i32
    %scan3A_25 = arith.constant 1 : i32
    %scan3A_26 = scf.for %scan3A_69 = %scan3A_22 to %scan3A_24 step %scan3A_25 iter_args(%scan3A_70 = %scan3A_21) -> (i32)  : i32 {
      %broadcast_in_dim3A = arith.constant 0.000000e+00 : f32
      %broadcast_in_dim3A_71 = vector.broadcast %broadcast_in_dim3A : f32 to vector<16xf32>
      %mul3A_72 = arith.constant 16 : i32
      %mul3A_73 = arith.muli %scan3A_69, %mul3A_72 : i32
      %swap3A = arith.index_cast %mul3A_73 : i32 to index
      %swap3A_74 = tpu.vector_load %arg12[%swap3A] {strides = array<i32>} : memref<640xf32, #tpu.memory_space<vmem>>, vector<16xf32>,
      %swap3A_75 = vector.shape_cast %swap3A_74 : vector<16xf32> to vector<16xf32>
      %swap3A_76 = vector.shape_cast %broadcast_in_dim3A_71 : vector<16xf32> to vector<16xf32>
      tpu.vector_store %arg12[%swap3A], %swap3A_76 {strides = array<i32>} : memref<640xf32, #tpu.memory_space<vmem>>, vector<16xf32>,
      %scan3A_77 = arith.constant 0 : i32
      scf.yield %scan3A_77 : i32
    }
    %scan3A_27 = arith.constant 40 : i32
    %mul3A_28 = arith.constant 640 : i32
    %mul3A_29 = arith.muli %arg1, %mul3A_28 : i32
    "tpu.region"() ({
      %run_scoped3A = tpu.sem_alloc : memref<!tpu.dma_semaphore, #tpu.memory_space<semaphore_mem>>
      %dma_start3A_69 = tpu.memref_slice %arg14[%mul3A_29] : memref<10240xf32, #tpu.memory_space<vmem_shared>> -> memref<640xf32, #tpu.memory_space<vmem_shared>>
      %dma_start3A_70 = tpu.memref_slice %arg14[%mul3A_29] : memref<10240xf32, #tpu.memory_space<vmem_shared>> -> memref<640xf32, #tpu.memory_space<vmem_shared>>
      tpu.enqueue_dma source(%arg12 : memref<640xf32, #tpu.memory_space<vmem>>) target(%dma_start3A_70 : memref<640xf32, #tpu.memory_space<vmem_shared>>) target_semaphore(%run_scoped3A : memref<!tpu.dma_semaphore, #tpu.memory_space<semaphore_mem>>)
      %dma_wait3A = tpu.memref_slice %arg14[%mul3A_29] : memref<10240xf32, #tpu.memory_space<vmem_shared>> -> memref<640xf32, #tpu.memory_space<vmem_shared>>
      %dma_wait3A_71 = tpu.memref_slice %arg14[%mul3A_29] : memref<10240xf32, #tpu.memory_space<vmem_shared>> -> memref<640xf32, #tpu.memory_space<vmem_shared>>
      tpu.wait_dma2 semaphore(%run_scoped3A : memref<!tpu.dma_semaphore, #tpu.memory_space<semaphore_mem>>) src(%arg12 : memref<640xf32, #tpu.memory_space<vmem>>) dst(%dma_wait3A_71 : memref<640xf32, #tpu.memory_space<vmem_shared>>)
      tpu.yield
    }) : () -> ()
    %barrier3A = arith.constant 0 : index
    tpu.barrier barrier_id(%barrier3A)
    "tpu.region"() ({
      %run_scoped3A = tpu.sem_alloc : memref<!tpu.dma_semaphore, #tpu.memory_space<semaphore_mem>>
      %dma_start3A_69 = arith.constant 0 : i32
      %dma_start3A_70 = arith.constant 0 : i32
      %dma_start3A_71 = tpu.memref_slice %arg3[%add3A, %dma_start3A_69, %dma_start3A_70] : memref<32x80x128xi32, #tpu.memory_space<hbm>> -> memref<1x40x128xi32, #tpu.memory_space<hbm>>
      %dma_start3A_72 = tpu.memref_squeeze %dma_start3A_71 : memref<1x40x128xi32, #tpu.memory_space<hbm>> -> memref<40x128xi32, #tpu.memory_space<hbm>>
      %dma_start3A_73 = arith.constant 0 : i32
      %dma_start3A_74 = arith.constant 0 : i32
      %dma_start3A_75 = tpu.memref_slice %arg3[%add3A, %dma_start3A_73, %dma_start3A_74] : memref<32x80x128xi32, #tpu.memory_space<hbm>> -> memref<1x40x128xi32, #tpu.memory_space<hbm>>
      %dma_start3A_76 = tpu.memref_squeeze %dma_start3A_75 : memref<1x40x128xi32, #tpu.memory_space<hbm>> -> memref<40x128xi32, #tpu.memory_space<hbm>>
      tpu.enqueue_dma source(%dma_start3A_76 : memref<40x128xi32, #tpu.memory_space<hbm>>) target(%arg7 : memref<40x128xi32, #tpu.memory_space<vmem>>) target_semaphore(%run_scoped3A : memref<!tpu.dma_semaphore, #tpu.memory_space<semaphore_mem>>)
      %dma_wait3A = arith.constant 0 : i32
      %dma_wait3A_77 = arith.constant 0 : i32
      %dma_wait3A_78 = tpu.memref_slice %arg3[%add3A, %dma_wait3A, %dma_wait3A_77] : memref<32x80x128xi32, #tpu.memory_space<hbm>> -> memref<1x40x128xi32, #tpu.memory_space<hbm>>
      %dma_wait3A_79 = tpu.memref_squeeze %dma_wait3A_78 : memref<1x40x128xi32, #tpu.memory_space<hbm>> -> memref<40x128xi32, #tpu.memory_space<hbm>>
      %dma_wait3A_80 = arith.constant 0 : i32
      %dma_wait3A_81 = arith.constant 0 : i32
      %dma_wait3A_82 = tpu.memref_slice %arg3[%add3A, %dma_wait3A_80, %dma_wait3A_81] : memref<32x80x128xi32, #tpu.memory_space<hbm>> -> memref<1x40x128xi32, #tpu.memory_space<hbm>>
      %dma_wait3A_83 = tpu.memref_squeeze %dma_wait3A_82 : memref<1x40x128xi32, #tpu.memory_space<hbm>> -> memref<40x128xi32, #tpu.memory_space<hbm>>
      tpu.wait_dma2 semaphore(%run_scoped3A : memref<!tpu.dma_semaphore, #tpu.memory_space<semaphore_mem>>) src(%dma_wait3A_83 : memref<40x128xi32, #tpu.memory_space<hbm>>) dst(%arg7 : memref<40x128xi32, #tpu.memory_space<vmem>>)
      tpu.yield
    }) : () -> ()
    "tpu.region"() ({
      %run_scoped3A = tpu.sem_alloc : memref<!tpu.dma_semaphore, #tpu.memory_space<semaphore_mem>>
      %dma_start3A_69 = arith.constant 0 : i32
      %dma_start3A_70 = arith.constant 0 : i32
      %dma_start3A_71 = tpu.memref_slice %arg4[%add3A, %dma_start3A_69, %dma_start3A_70] : memref<32x80x128xi32, #tpu.memory_space<hbm>> -> memref<1x40x128xi32, #tpu.memory_space<hbm>>
      %dma_start3A_72 = tpu.memref_squeeze %dma_start3A_71 : memref<1x40x128xi32, #tpu.memory_space<hbm>> -> memref<40x128xi32, #tpu.memory_space<hbm>>
      %dma_start3A_73 = arith.constant 0 : i32
      %dma_start3A_74 = arith.constant 0 : i32
      %dma_start3A_75 = tpu.memref_slice %arg4[%add3A, %dma_start3A_73, %dma_start3A_74] : memref<32x80x128xi32, #tpu.memory_space<hbm>> -> memref<1x40x128xi32, #tpu.memory_space<hbm>>
      %dma_start3A_76 = tpu.memref_squeeze %dma_start3A_75 : memref<1x40x128xi32, #tpu.memory_space<hbm>> -> memref<40x128xi32, #tpu.memory_space<hbm>>
      tpu.enqueue_dma source(%dma_start3A_76 : memref<40x128xi32, #tpu.memory_space<hbm>>) target(%arg8 : memref<40x128xi32, #tpu.memory_space<vmem>>) target_semaphore(%run_scoped3A : memref<!tpu.dma_semaphore, #tpu.memory_space<semaphore_mem>>)
      %dma_wait3A = arith.constant 0 : i32
      %dma_wait3A_77 = arith.constant 0 : i32
      %dma_wait3A_78 = tpu.memref_slice %arg4[%add3A, %dma_wait3A, %dma_wait3A_77] : memref<32x80x128xi32, #tpu.memory_space<hbm>> -> memref<1x40x128xi32, #tpu.memory_space<hbm>>
      %dma_wait3A_79 = tpu.memref_squeeze %dma_wait3A_78 : memref<1x40x128xi32, #tpu.memory_space<hbm>> -> memref<40x128xi32, #tpu.memory_space<hbm>>
      %dma_wait3A_80 = arith.constant 0 : i32
      %dma_wait3A_81 = arith.constant 0 : i32
      %dma_wait3A_82 = tpu.memref_slice %arg4[%add3A, %dma_wait3A_80, %dma_wait3A_81] : memref<32x80x128xi32, #tpu.memory_space<hbm>> -> memref<1x40x128xi32, #tpu.memory_space<hbm>>
      %dma_wait3A_83 = tpu.memref_squeeze %dma_wait3A_82 : memref<1x40x128xi32, #tpu.memory_space<hbm>> -> memref<40x128xi32, #tpu.memory_space<hbm>>
      tpu.wait_dma2 semaphore(%run_scoped3A : memref<!tpu.dma_semaphore, #tpu.memory_space<semaphore_mem>>) src(%dma_wait3A_83 : memref<40x128xi32, #tpu.memory_space<hbm>>) dst(%arg8 : memref<40x128xi32, #tpu.memory_space<vmem>>)
      tpu.yield
    }) : () -> ()
    %dma_start3A = arith.constant 0 : i32
    %dma_start3A_30 = arith.constant 0 : i32
    %dma_start3A_31 = tpu.memref_slice %arg7[%dma_start3A, %dma_start3A_30] : memref<40x128xi32, #tpu.memory_space<vmem>> -> memref<1x128xi32, #tpu.memory_space<vmem>>
    %dma_start3A_32 = tpu.memref_squeeze %dma_start3A_31 : memref<1x128xi32, #tpu.memory_space<vmem>> -> memref<128xi32, #tpu.memory_space<vmem>>
    %dma_start3A_33 = arith.constant 0 : i32
    %dma_start3A_34 = arith.constant 0 : i32
    %dma_start3A_35 = tpu.memref_slice %arg2[%dma_start3A_33, %dma_start3A_34] : memref<10000x128xf32, #tpu.memory_space<hbm>> -> memref<10000x128xf32, #tpu.memory_space<hbm>>
    tpu.enqueue_indirect_dma source(%dma_start3A_35 : memref<10000x128xf32, #tpu.memory_space<hbm>>) target(%arg9 : memref<128x128xf32, #tpu.memory_space<vmem>>) offsets(%dma_start3A_32 : memref<128xi32, #tpu.memory_space<vmem>>) semaphore(%arg15 : memref<!tpu.dma_semaphore, #tpu.memory_space<semaphore_mem>>)
    %scan3A_36 = arith.constant 0 : i32
    %scan3A_37 = arith.constant 0 : i32
    %scan3A_38 = arith.constant 20 : i32
    %scan3A_39 = arith.addi %scan3A_37, %scan3A_38 : i32
    %scan3A_40 = arith.constant 1 : i32
    %scan3A_41 = scf.for %scan3A_69 = %scan3A_37 to %scan3A_39 step %scan3A_40 iter_args(%scan3A_70 = %scan3A_36) -> (i32)  : i32 {
      %mul3A_71 = arith.constant 2 : i32
      %mul3A_72 = arith.muli %mul3A_71, %scan3A_69 : i32
      %add3A_73 = arith.constant 1 : i32
      %add3A_74 = arith.addi %mul3A_72, %add3A_73 : i32
      %dma_wait3A = arith.constant 0 : i32
      %dma_wait3A_75 = tpu.memref_slice %arg7[%mul3A_72, %dma_wait3A] : memref<40x128xi32, #tpu.memory_space<vmem>> -> memref<1x128xi32, #tpu.memory_space<vmem>>
      %dma_wait3A_76 = tpu.memref_squeeze %dma_wait3A_75 : memref<1x128xi32, #tpu.memory_space<vmem>> -> memref<128xi32, #tpu.memory_space<vmem>>
      %dma_wait3A_77 = arith.constant 0 : i32
      %dma_wait3A_78 = arith.constant 0 : i32
      %dma_wait3A_79 = tpu.memref_slice %arg2[%dma_wait3A_77, %dma_wait3A_78] : memref<10000x128xf32, #tpu.memory_space<hbm>> -> memref<10000x128xf32, #tpu.memory_space<hbm>>
      tpu.wait_indirect_dma semaphore(%arg15 : memref<!tpu.dma_semaphore, #tpu.memory_space<semaphore_mem>>) src(%dma_wait3A_79 : memref<10000x128xf32, #tpu.memory_space<hbm>>) dst(%arg9 : memref<128x128xf32, #tpu.memory_space<vmem>>)
      %dma_start3A_80 = arith.constant 0 : i32
      %dma_start3A_81 = tpu.memref_slice %arg7[%add3A_74, %dma_start3A_80] : memref<40x128xi32, #tpu.memory_space<vmem>> -> memref<1x128xi32, #tpu.memory_space<vmem>>
      %dma_start3A_82 = tpu.memref_squeeze %dma_start3A_81 : memref<1x128xi32, #tpu.memory_space<vmem>> -> memref<128xi32, #tpu.memory_space<vmem>>
      %dma_start3A_83 = arith.constant 0 : i32
      %dma_start3A_84 = arith.constant 0 : i32
      %dma_start3A_85 = tpu.memref_slice %arg2[%dma_start3A_83, %dma_start3A_84] : memref<10000x128xf32, #tpu.memory_space<hbm>> -> memref<10000x128xf32, #tpu.memory_space<hbm>>
      tpu.enqueue_indirect_dma source(%dma_start3A_85 : memref<10000x128xf32, #tpu.memory_space<hbm>>) target(%arg10 : memref<128x128xf32, #tpu.memory_space<vmem>>) offsets(%dma_start3A_82 : memref<128xi32, #tpu.memory_space<vmem>>) semaphore(%arg16 : memref<!tpu.dma_semaphore, #tpu.memory_space<semaphore_mem>>)
      %dma_start3A_86 = arith.constant 0 : i32
      %dma_start3A_87 = tpu.memref_slice %arg8[%mul3A_72, %dma_start3A_86] : memref<40x128xi32, #tpu.memory_space<vmem>> -> memref<1x128xi32, #tpu.memory_space<vmem>>
      %dma_start3A_88 = tpu.memref_squeeze %dma_start3A_87 : memref<1x128xi32, #tpu.memory_space<vmem>> -> memref<128xi32, #tpu.memory_space<vmem>>
      %dma_start3A_89 = arith.constant 0 : i32
      %dma_start3A_90 = arith.constant 0 : i32
      %dma_start3A_91 = tpu.memref_slice %arg13[%dma_start3A_89, %dma_start3A_90] : memref<10240x128xf32, #tpu.memory_space<vmem_shared>> -> memref<10240x128xf32, #tpu.memory_space<vmem_shared>>
      tpu.enqueue_indirect_dma source(%arg9 : memref<128x128xf32, #tpu.memory_space<vmem>>) target(%dma_start3A_91 : memref<10240x128xf32, #tpu.memory_space<vmem_shared>>) offsets(%dma_start3A_88 : memref<128xi32, #tpu.memory_space<vmem>>) semaphore(%arg17 : memref<!tpu.dma_semaphore, #tpu.memory_space<semaphore_mem>>) {add = true}
      %dma_start3A_92 = arith.constant 0 : i32
      %dma_start3A_93 = tpu.memref_slice %arg8[%mul3A_72, %dma_start3A_92] : memref<40x128xi32, #tpu.memory_space<vmem>> -> memref<1x128xi32, #tpu.memory_space<vmem>>
      %dma_start3A_94 = tpu.memref_squeeze %dma_start3A_93 : memref<1x128xi32, #tpu.memory_space<vmem>> -> memref<128xi32, #tpu.memory_space<vmem>>
      %dma_start3A_95 = arith.constant 0 : i32
      %dma_start3A_96 = tpu.memref_slice %arg14[%dma_start3A_95] : memref<10240xf32, #tpu.memory_space<vmem_shared>> -> memref<10240xf32, #tpu.memory_space<vmem_shared>>
      tpu.enqueue_indirect_dma source(%arg11 : memref<128xf32, #tpu.memory_space<vmem>>) target(%dma_start3A_96 : memref<10240xf32, #tpu.memory_space<vmem_shared>>) offsets(%dma_start3A_94 : memref<128xi32, #tpu.memory_space<vmem>>) semaphore(%arg19 : memref<!tpu.dma_semaphore, #tpu.memory_space<semaphore_mem>>) {add = true}
      %dma_wait3A_97 = arith.constant 0 : i32
      %dma_wait3A_98 = tpu.memref_slice %arg7[%add3A_74, %dma_wait3A_97] : memref<40x128xi32, #tpu.memory_space<vmem>> -> memref<1x128xi32, #tpu.memory_space<vmem>>
      %dma_wait3A_99 = tpu.memref_squeeze %dma_wait3A_98 : memref<1x128xi32, #tpu.memory_space<vmem>> -> memref<128xi32, #tpu.memory_space<vmem>>
      %dma_wait3A_100 = arith.constant 0 : i32
      %dma_wait3A_101 = arith.constant 0 : i32
      %dma_wait3A_102 = tpu.memref_slice %arg2[%dma_wait3A_100, %dma_wait3A_101] : memref<10000x128xf32, #tpu.memory_space<hbm>> -> memref<10000x128xf32, #tpu.memory_space<hbm>>
      tpu.wait_indirect_dma semaphore(%arg16 : memref<!tpu.dma_semaphore, #tpu.memory_space<semaphore_mem>>) src(%dma_wait3A_102 : memref<10000x128xf32, #tpu.memory_space<hbm>>) dst(%arg10 : memref<128x128xf32, #tpu.memory_space<vmem>>)
      %dma_wait3A_103 = arith.constant 0 : i32
      %dma_wait3A_104 = tpu.memref_slice %arg8[%mul3A_72, %dma_wait3A_103] : memref<40x128xi32, #tpu.memory_space<vmem>> -> memref<1x128xi32, #tpu.memory_space<vmem>>
      %dma_wait3A_105 = tpu.memref_squeeze %dma_wait3A_104 : memref<1x128xi32, #tpu.memory_space<vmem>> -> memref<128xi32, #tpu.memory_space<vmem>>
      %dma_wait3A_106 = arith.constant 0 : i32
      %dma_wait3A_107 = arith.constant 0 : i32
      %dma_wait3A_108 = tpu.memref_slice %arg13[%dma_wait3A_106, %dma_wait3A_107] : memref<10240x128xf32, #tpu.memory_space<vmem_shared>> -> memref<10240x128xf32, #tpu.memory_space<vmem_shared>>
      tpu.wait_indirect_dma semaphore(%arg17 : memref<!tpu.dma_semaphore, #tpu.memory_space<semaphore_mem>>) src(%arg9 : memref<128x128xf32, #tpu.memory_space<vmem>>) dst(%dma_wait3A_108 : memref<10240x128xf32, #tpu.memory_space<vmem_shared>>)
      %dma_wait3A_109 = arith.constant 0 : i32
      %dma_wait3A_110 = tpu.memref_slice %arg8[%mul3A_72, %dma_wait3A_109] : memref<40x128xi32, #tpu.memory_space<vmem>> -> memref<1x128xi32, #tpu.memory_space<vmem>>
      %dma_wait3A_111 = tpu.memref_squeeze %dma_wait3A_110 : memref<1x128xi32, #tpu.memory_space<vmem>> -> memref<128xi32, #tpu.memory_space<vmem>>
      %dma_wait3A_112 = arith.constant 0 : i32
      %dma_wait3A_113 = tpu.memref_slice %arg14[%dma_wait3A_112] : memref<10240xf32, #tpu.memory_space<vmem_shared>> -> memref<10240xf32, #tpu.memory_space<vmem_shared>>
      tpu.wait_indirect_dma semaphore(%arg19 : memref<!tpu.dma_semaphore, #tpu.memory_space<semaphore_mem>>) src(%arg11 : memref<128xf32, #tpu.memory_space<vmem>>) dst(%dma_wait3A_113 : memref<10240xf32, #tpu.memory_space<vmem_shared>>)
      %lt3A = arith.constant 19 : i32
      %lt3A_114 = arith.cmpi slt, %scan3A_69, %lt3A : i32
      %convert_element_type3A = arith.extui %lt3A_114 : i1 to i32
      %cond3A = arith.constant 0 : i32
      %cond3A_115 = arith.cmpi ne, %convert_element_type3A, %cond3A : i32
      scf.if %cond3A_115 {
        %add3A_139 = arith.constant 2 : i32
        %add3A_140 = arith.addi %mul3A_72, %add3A_139 : i32
        %dma_start3A_141 = arith.constant 0 : i32
        %dma_start3A_142 = tpu.memref_slice %arg7[%add3A_140, %dma_start3A_141] : memref<40x128xi32, #tpu.memory_space<vmem>> -> memref<1x128xi32, #tpu.memory_space<vmem>>
        %dma_start3A_143 = tpu.memref_squeeze %dma_start3A_142 : memref<1x128xi32, #tpu.memory_space<vmem>> -> memref<128xi32, #tpu.memory_space<vmem>>
        %dma_start3A_144 = arith.constant 0 : i32
        %dma_start3A_145 = arith.constant 0 : i32
        %dma_start3A_146 = tpu.memref_slice %arg2[%dma_start3A_144, %dma_start3A_145] : memref<10000x128xf32, #tpu.memory_space<hbm>> -> memref<10000x128xf32, #tpu.memory_space<hbm>>
        tpu.enqueue_indirect_dma source(%dma_start3A_146 : memref<10000x128xf32, #tpu.memory_space<hbm>>) target(%arg9 : memref<128x128xf32, #tpu.memory_space<vmem>>) offsets(%dma_start3A_143 : memref<128xi32, #tpu.memory_space<vmem>>) semaphore(%arg15 : memref<!tpu.dma_semaphore, #tpu.memory_space<semaphore_mem>>)
      } else {
      }
      %dma_start3A_116 = arith.constant 0 : i32
      %dma_start3A_117 = tpu.memref_slice %arg8[%add3A_74, %dma_start3A_116] : memref<40x128xi32, #tpu.memory_space<vmem>> -> memref<1x128xi32, #tpu.memory_space<vmem>>
      %dma_start3A_118 = tpu.memref_squeeze %dma_start3A_117 : memref<1x128xi32, #tpu.memory_space<vmem>> -> memref<128xi32, #tpu.memory_space<vmem>>
      %dma_start3A_119 = arith.constant 0 : i32
      %dma_start3A_120 = arith.constant 0 : i32
      %dma_start3A_121 = tpu.memref_slice %arg13[%dma_start3A_119, %dma_start3A_120] : memref<10240x128xf32, #tpu.memory_space<vmem_shared>> -> memref<10240x128xf32, #tpu.memory_space<vmem_shared>>
      tpu.enqueue_indirect_dma source(%arg10 : memref<128x128xf32, #tpu.memory_space<vmem>>) target(%dma_start3A_121 : memref<10240x128xf32, #tpu.memory_space<vmem_shared>>) offsets(%dma_start3A_118 : memref<128xi32, #tpu.memory_space<vmem>>) semaphore(%arg18 : memref<!tpu.dma_semaphore, #tpu.memory_space<semaphore_mem>>) {add = true}
      %dma_start3A_122 = arith.constant 0 : i32
      %dma_start3A_123 = tpu.memref_slice %arg8[%add3A_74, %dma_start3A_122] : memref<40x128xi32, #tpu.memory_space<vmem>> -> memref<1x128xi32, #tpu.memory_space<vmem>>
      %dma_start3A_124 = tpu.memref_squeeze %dma_start3A_123 : memref<1x128xi32, #tpu.memory_space<vmem>> -> memref<128xi32, #tpu.memory_space<vmem>>
      %dma_start3A_125 = arith.constant 0 : i32
      %dma_start3A_126 = tpu.memref_slice %arg14[%dma_start3A_125] : memref<10240xf32, #tpu.memory_space<vmem_shared>> -> memref<10240xf32, #tpu.memory_space<vmem_shared>>
      tpu.enqueue_indirect_dma source(%arg11 : memref<128xf32, #tpu.memory_space<vmem>>) target(%dma_start3A_126 : memref<10240xf32, #tpu.memory_space<vmem_shared>>) offsets(%dma_start3A_124 : memref<128xi32, #tpu.memory_space<vmem>>) semaphore(%arg20 : memref<!tpu.dma_semaphore, #tpu.memory_space<semaphore_mem>>) {add = true}
      %dma_wait3A_127 = arith.constant 0 : i32
      %dma_wait3A_128 = tpu.memref_slice %arg8[%add3A_74, %dma_wait3A_127] : memref<40x128xi32, #tpu.memory_space<vmem>> -> memref<1x128xi32, #tpu.memory_space<vmem>>
      %dma_wait3A_129 = tpu.memref_squeeze %dma_wait3A_128 : memref<1x128xi32, #tpu.memory_space<vmem>> -> memref<128xi32, #tpu.memory_space<vmem>>
      %dma_wait3A_130 = arith.constant 0 : i32
      %dma_wait3A_131 = arith.constant 0 : i32
      %dma_wait3A_132 = tpu.memref_slice %arg13[%dma_wait3A_130, %dma_wait3A_131] : memref<10240x128xf32, #tpu.memory_space<vmem_shared>> -> memref<10240x128xf32, #tpu.memory_space<vmem_shared>>
      tpu.wait_indirect_dma semaphore(%arg18 : memref<!tpu.dma_semaphore, #tpu.memory_space<semaphore_mem>>) src(%arg10 : memref<128x128xf32, #tpu.memory_space<vmem>>) dst(%dma_wait3A_132 : memref<10240x128xf32, #tpu.memory_space<vmem_shared>>)
      %dma_wait3A_133 = arith.constant 0 : i32
      %dma_wait3A_134 = tpu.memref_slice %arg8[%add3A_74, %dma_wait3A_133] : memref<40x128xi32, #tpu.memory_space<vmem>> -> memref<1x128xi32, #tpu.memory_space<vmem>>
      %dma_wait3A_135 = tpu.memref_squeeze %dma_wait3A_134 : memref<1x128xi32, #tpu.memory_space<vmem>> -> memref<128xi32, #tpu.memory_space<vmem>>
      %dma_wait3A_136 = arith.constant 0 : i32
      %dma_wait3A_137 = tpu.memref_slice %arg14[%dma_wait3A_136] : memref<10240xf32, #tpu.memory_space<vmem_shared>> -> memref<10240xf32, #tpu.memory_space<vmem_shared>>
      tpu.wait_indirect_dma semaphore(%arg20 : memref<!tpu.dma_semaphore, #tpu.memory_space<semaphore_mem>>) src(%arg11 : memref<128xf32, #tpu.memory_space<vmem>>) dst(%dma_wait3A_137 : memref<10240xf32, #tpu.memory_space<vmem_shared>>)
      %scan3A_138 = arith.constant 0 : i32
      scf.yield %scan3A_138 : i32
    }
    %scan3A_42 = arith.constant 20 : i32
    "tpu.region"() ({
      %run_scoped3A = tpu.sem_alloc : memref<!tpu.dma_semaphore, #tpu.memory_space<semaphore_mem>>
      %dma_start3A_69 = arith.constant 40 : i32
      %dma_start3A_70 = arith.constant 0 : i32
      %dma_start3A_71 = tpu.memref_slice %arg3[%add3A, %dma_start3A_69, %dma_start3A_70] : memref<32x80x128xi32, #tpu.memory_space<hbm>> -> memref<1x40x128xi32, #tpu.memory_space<hbm>>
      %dma_start3A_72 = tpu.memref_squeeze %dma_start3A_71 : memref<1x40x128xi32, #tpu.memory_space<hbm>> -> memref<40x128xi32, #tpu.memory_space<hbm>>
      %dma_start3A_73 = arith.constant 40 : i32
      %dma_start3A_74 = arith.constant 0 : i32
      %dma_start3A_75 = tpu.memref_slice %arg3[%add3A, %dma_start3A_73, %dma_start3A_74] : memref<32x80x128xi32, #tpu.memory_space<hbm>> -> memref<1x40x128xi32, #tpu.memory_space<hbm>>
      %dma_start3A_76 = tpu.memref_squeeze %dma_start3A_75 : memref<1x40x128xi32, #tpu.memory_space<hbm>> -> memref<40x128xi32, #tpu.memory_space<hbm>>
      tpu.enqueue_dma source(%dma_start3A_76 : memref<40x128xi32, #tpu.memory_space<hbm>>) target(%arg7 : memref<40x128xi32, #tpu.memory_space<vmem>>) target_semaphore(%run_scoped3A : memref<!tpu.dma_semaphore, #tpu.memory_space<semaphore_mem>>)
      %dma_wait3A = arith.constant 40 : i32
      %dma_wait3A_77 = arith.constant 0 : i32
      %dma_wait3A_78 = tpu.memref_slice %arg3[%add3A, %dma_wait3A, %dma_wait3A_77] : memref<32x80x128xi32, #tpu.memory_space<hbm>> -> memref<1x40x128xi32, #tpu.memory_space<hbm>>
      %dma_wait3A_79 = tpu.memref_squeeze %dma_wait3A_78 : memref<1x40x128xi32, #tpu.memory_space<hbm>> -> memref<40x128xi32, #tpu.memory_space<hbm>>
      %dma_wait3A_80 = arith.constant 40 : i32
      %dma_wait3A_81 = arith.constant 0 : i32
      %dma_wait3A_82 = tpu.memref_slice %arg3[%add3A, %dma_wait3A_80, %dma_wait3A_81] : memref<32x80x128xi32, #tpu.memory_space<hbm>> -> memref<1x40x128xi32, #tpu.memory_space<hbm>>
      %dma_wait3A_83 = tpu.memref_squeeze %dma_wait3A_82 : memref<1x40x128xi32, #tpu.memory_space<hbm>> -> memref<40x128xi32, #tpu.memory_space<hbm>>
      tpu.wait_dma2 semaphore(%run_scoped3A : memref<!tpu.dma_semaphore, #tpu.memory_space<semaphore_mem>>) src(%dma_wait3A_83 : memref<40x128xi32, #tpu.memory_space<hbm>>) dst(%arg7 : memref<40x128xi32, #tpu.memory_space<vmem>>)
      tpu.yield
    }) : () -> ()
    "tpu.region"() ({
      %run_scoped3A = tpu.sem_alloc : memref<!tpu.dma_semaphore, #tpu.memory_space<semaphore_mem>>
      %dma_start3A_69 = arith.constant 40 : i32
      %dma_start3A_70 = arith.constant 0 : i32
      %dma_start3A_71 = tpu.memref_slice %arg4[%add3A, %dma_start3A_69, %dma_start3A_70] : memref<32x80x128xi32, #tpu.memory_space<hbm>> -> memref<1x40x128xi32, #tpu.memory_space<hbm>>
      %dma_start3A_72 = tpu.memref_squeeze %dma_start3A_71 : memref<1x40x128xi32, #tpu.memory_space<hbm>> -> memref<40x128xi32, #tpu.memory_space<hbm>>
      %dma_start3A_73 = arith.constant 40 : i32
      %dma_start3A_74 = arith.constant 0 : i32
      %dma_start3A_75 = tpu.memref_slice %arg4[%add3A, %dma_start3A_73, %dma_start3A_74] : memref<32x80x128xi32, #tpu.memory_space<hbm>> -> memref<1x40x128xi32, #tpu.memory_space<hbm>>
      %dma_start3A_76 = tpu.memref_squeeze %dma_start3A_75 : memref<1x40x128xi32, #tpu.memory_space<hbm>> -> memref<40x128xi32, #tpu.memory_space<hbm>>
      tpu.enqueue_dma source(%dma_start3A_76 : memref<40x128xi32, #tpu.memory_space<hbm>>) target(%arg8 : memref<40x128xi32, #tpu.memory_space<vmem>>) target_semaphore(%run_scoped3A : memref<!tpu.dma_semaphore, #tpu.memory_space<semaphore_mem>>)
      %dma_wait3A = arith.constant 40 : i32
      %dma_wait3A_77 = arith.constant 0 : i32
      %dma_wait3A_78 = tpu.memref_slice %arg4[%add3A, %dma_wait3A, %dma_wait3A_77] : memref<32x80x128xi32, #tpu.memory_space<hbm>> -> memref<1x40x128xi32, #tpu.memory_space<hbm>>
      %dma_wait3A_79 = tpu.memref_squeeze %dma_wait3A_78 : memref<1x40x128xi32, #tpu.memory_space<hbm>> -> memref<40x128xi32, #tpu.memory_space<hbm>>
      %dma_wait3A_80 = arith.constant 40 : i32
      %dma_wait3A_81 = arith.constant 0 : i32
      %dma_wait3A_82 = tpu.memref_slice %arg4[%add3A, %dma_wait3A_80, %dma_wait3A_81] : memref<32x80x128xi32, #tpu.memory_space<hbm>> -> memref<1x40x128xi32, #tpu.memory_space<hbm>>
      %dma_wait3A_83 = tpu.memref_squeeze %dma_wait3A_82 : memref<1x40x128xi32, #tpu.memory_space<hbm>> -> memref<40x128xi32, #tpu.memory_space<hbm>>
      tpu.wait_dma2 semaphore(%run_scoped3A : memref<!tpu.dma_semaphore, #tpu.memory_space<semaphore_mem>>) src(%dma_wait3A_83 : memref<40x128xi32, #tpu.memory_space<hbm>>) dst(%arg8 : memref<40x128xi32, #tpu.memory_space<vmem>>)
      tpu.yield
    }) : () -> ()
    %dma_start3A_43 = arith.constant 0 : i32
    %dma_start3A_44 = arith.constant 0 : i32
    %dma_start3A_45 = tpu.memref_slice %arg7[%dma_start3A_43, %dma_start3A_44] : memref<40x128xi32, #tpu.memory_space<vmem>> -> memref<1x128xi32, #tpu.memory_space<vmem>>
    %dma_start3A_46 = tpu.memref_squeeze %dma_start3A_45 : memref<1x128xi32, #tpu.memory_space<vmem>> -> memref<128xi32, #tpu.memory_space<vmem>>
    %dma_start3A_47 = arith.constant 0 : i32
    %dma_start3A_48 = arith.constant 0 : i32
    %dma_start3A_49 = tpu.memref_slice %arg2[%dma_start3A_47, %dma_start3A_48] : memref<10000x128xf32, #tpu.memory_space<hbm>> -> memref<10000x128xf32, #tpu.memory_space<hbm>>
    tpu.enqueue_indirect_dma source(%dma_start3A_49 : memref<10000x128xf32, #tpu.memory_space<hbm>>) target(%arg9 : memref<128x128xf32, #tpu.memory_space<vmem>>) offsets(%dma_start3A_46 : memref<128xi32, #tpu.memory_space<vmem>>) semaphore(%arg15 : memref<!tpu.dma_semaphore, #tpu.memory_space<semaphore_mem>>)
    %scan3A_50 = arith.constant 0 : i32
    %scan3A_51 = arith.constant 0 : i32
    %scan3A_52 = arith.constant 20 : i32
    %scan3A_53 = arith.addi %scan3A_51, %scan3A_52 : i32
    %scan3A_54 = arith.constant 1 : i32
    %scan3A_55 = scf.for %scan3A_69 = %scan3A_51 to %scan3A_53 step %scan3A_54 iter_args(%scan3A_70 = %scan3A_50) -> (i32)  : i32 {
      %mul3A_71 = arith.constant 2 : i32
      %mul3A_72 = arith.muli %mul3A_71, %scan3A_69 : i32
      %add3A_73 = arith.constant 1 : i32
      %add3A_74 = arith.addi %mul3A_72, %add3A_73 : i32
      %dma_wait3A = arith.constant 0 : i32
      %dma_wait3A_75 = tpu.memref_slice %arg7[%mul3A_72, %dma_wait3A] : memref<40x128xi32, #tpu.memory_space<vmem>> -> memref<1x128xi32, #tpu.memory_space<vmem>>
      %dma_wait3A_76 = tpu.memref_squeeze %dma_wait3A_75 : memref<1x128xi32, #tpu.memory_space<vmem>> -> memref<128xi32, #tpu.memory_space<vmem>>
      %dma_wait3A_77 = arith.constant 0 : i32
      %dma_wait3A_78 = arith.constant 0 : i32
      %dma_wait3A_79 = tpu.memref_slice %arg2[%dma_wait3A_77, %dma_wait3A_78] : memref<10000x128xf32, #tpu.memory_space<hbm>> -> memref<10000x128xf32, #tpu.memory_space<hbm>>
      tpu.wait_indirect_dma semaphore(%arg15 : memref<!tpu.dma_semaphore, #tpu.memory_space<semaphore_mem>>) src(%dma_wait3A_79 : memref<10000x128xf32, #tpu.memory_space<hbm>>) dst(%arg9 : memref<128x128xf32, #tpu.memory_space<vmem>>)
      %dma_start3A_80 = arith.constant 0 : i32
      %dma_start3A_81 = tpu.memref_slice %arg7[%add3A_74, %dma_start3A_80] : memref<40x128xi32, #tpu.memory_space<vmem>> -> memref<1x128xi32, #tpu.memory_space<vmem>>
      %dma_start3A_82 = tpu.memref_squeeze %dma_start3A_81 : memref<1x128xi32, #tpu.memory_space<vmem>> -> memref<128xi32, #tpu.memory_space<vmem>>
      %dma_start3A_83 = arith.constant 0 : i32
      %dma_start3A_84 = arith.constant 0 : i32
      %dma_start3A_85 = tpu.memref_slice %arg2[%dma_start3A_83, %dma_start3A_84] : memref<10000x128xf32, #tpu.memory_space<hbm>> -> memref<10000x128xf32, #tpu.memory_space<hbm>>
      tpu.enqueue_indirect_dma source(%dma_start3A_85 : memref<10000x128xf32, #tpu.memory_space<hbm>>) target(%arg10 : memref<128x128xf32, #tpu.memory_space<vmem>>) offsets(%dma_start3A_82 : memref<128xi32, #tpu.memory_space<vmem>>) semaphore(%arg16 : memref<!tpu.dma_semaphore, #tpu.memory_space<semaphore_mem>>)
      %dma_start3A_86 = arith.constant 0 : i32
      %dma_start3A_87 = tpu.memref_slice %arg8[%mul3A_72, %dma_start3A_86] : memref<40x128xi32, #tpu.memory_space<vmem>> -> memref<1x128xi32, #tpu.memory_space<vmem>>
      %dma_start3A_88 = tpu.memref_squeeze %dma_start3A_87 : memref<1x128xi32, #tpu.memory_space<vmem>> -> memref<128xi32, #tpu.memory_space<vmem>>
      %dma_start3A_89 = arith.constant 0 : i32
      %dma_start3A_90 = arith.constant 0 : i32
      %dma_start3A_91 = tpu.memref_slice %arg13[%dma_start3A_89, %dma_start3A_90] : memref<10240x128xf32, #tpu.memory_space<vmem_shared>> -> memref<10240x128xf32, #tpu.memory_space<vmem_shared>>
      tpu.enqueue_indirect_dma source(%arg9 : memref<128x128xf32, #tpu.memory_space<vmem>>) target(%dma_start3A_91 : memref<10240x128xf32, #tpu.memory_space<vmem_shared>>) offsets(%dma_start3A_88 : memref<128xi32, #tpu.memory_space<vmem>>) semaphore(%arg17 : memref<!tpu.dma_semaphore, #tpu.memory_space<semaphore_mem>>) {add = true}
      %dma_start3A_92 = arith.constant 0 : i32
      %dma_start3A_93 = tpu.memref_slice %arg8[%mul3A_72, %dma_start3A_92] : memref<40x128xi32, #tpu.memory_space<vmem>> -> memref<1x128xi32, #tpu.memory_space<vmem>>
      %dma_start3A_94 = tpu.memref_squeeze %dma_start3A_93 : memref<1x128xi32, #tpu.memory_space<vmem>> -> memref<128xi32, #tpu.memory_space<vmem>>
      %dma_start3A_95 = arith.constant 0 : i32
      %dma_start3A_96 = tpu.memref_slice %arg14[%dma_start3A_95] : memref<10240xf32, #tpu.memory_space<vmem_shared>> -> memref<10240xf32, #tpu.memory_space<vmem_shared>>
      tpu.enqueue_indirect_dma source(%arg11 : memref<128xf32, #tpu.memory_space<vmem>>) target(%dma_start3A_96 : memref<10240xf32, #tpu.memory_space<vmem_shared>>) offsets(%dma_start3A_94 : memref<128xi32, #tpu.memory_space<vmem>>) semaphore(%arg19 : memref<!tpu.dma_semaphore, #tpu.memory_space<semaphore_mem>>) {add = true}
      %dma_wait3A_97 = arith.constant 0 : i32
      %dma_wait3A_98 = tpu.memref_slice %arg7[%add3A_74, %dma_wait3A_97] : memref<40x128xi32, #tpu.memory_space<vmem>> -> memref<1x128xi32, #tpu.memory_space<vmem>>
      %dma_wait3A_99 = tpu.memref_squeeze %dma_wait3A_98 : memref<1x128xi32, #tpu.memory_space<vmem>> -> memref<128xi32, #tpu.memory_space<vmem>>
      %dma_wait3A_100 = arith.constant 0 : i32
      %dma_wait3A_101 = arith.constant 0 : i32
      %dma_wait3A_102 = tpu.memref_slice %arg2[%dma_wait3A_100, %dma_wait3A_101] : memref<10000x128xf32, #tpu.memory_space<hbm>> -> memref<10000x128xf32, #tpu.memory_space<hbm>>
      tpu.wait_indirect_dma semaphore(%arg16 : memref<!tpu.dma_semaphore, #tpu.memory_space<semaphore_mem>>) src(%dma_wait3A_102 : memref<10000x128xf32, #tpu.memory_space<hbm>>) dst(%arg10 : memref<128x128xf32, #tpu.memory_space<vmem>>)
      %dma_wait3A_103 = arith.constant 0 : i32
      %dma_wait3A_104 = tpu.memref_slice %arg8[%mul3A_72, %dma_wait3A_103] : memref<40x128xi32, #tpu.memory_space<vmem>> -> memref<1x128xi32, #tpu.memory_space<vmem>>
      %dma_wait3A_105 = tpu.memref_squeeze %dma_wait3A_104 : memref<1x128xi32, #tpu.memory_space<vmem>> -> memref<128xi32, #tpu.memory_space<vmem>>
      %dma_wait3A_106 = arith.constant 0 : i32
      %dma_wait3A_107 = arith.constant 0 : i32
      %dma_wait3A_108 = tpu.memref_slice %arg13[%dma_wait3A_106, %dma_wait3A_107] : memref<10240x128xf32, #tpu.memory_space<vmem_shared>> -> memref<10240x128xf32, #tpu.memory_space<vmem_shared>>
      tpu.wait_indirect_dma semaphore(%arg17 : memref<!tpu.dma_semaphore, #tpu.memory_space<semaphore_mem>>) src(%arg9 : memref<128x128xf32, #tpu.memory_space<vmem>>) dst(%dma_wait3A_108 : memref<10240x128xf32, #tpu.memory_space<vmem_shared>>)
      %dma_wait3A_109 = arith.constant 0 : i32
      %dma_wait3A_110 = tpu.memref_slice %arg8[%mul3A_72, %dma_wait3A_109] : memref<40x128xi32, #tpu.memory_space<vmem>> -> memref<1x128xi32, #tpu.memory_space<vmem>>
      %dma_wait3A_111 = tpu.memref_squeeze %dma_wait3A_110 : memref<1x128xi32, #tpu.memory_space<vmem>> -> memref<128xi32, #tpu.memory_space<vmem>>
      %dma_wait3A_112 = arith.constant 0 : i32
      %dma_wait3A_113 = tpu.memref_slice %arg14[%dma_wait3A_112] : memref<10240xf32, #tpu.memory_space<vmem_shared>> -> memref<10240xf32, #tpu.memory_space<vmem_shared>>
      tpu.wait_indirect_dma semaphore(%arg19 : memref<!tpu.dma_semaphore, #tpu.memory_space<semaphore_mem>>) src(%arg11 : memref<128xf32, #tpu.memory_space<vmem>>) dst(%dma_wait3A_113 : memref<10240xf32, #tpu.memory_space<vmem_shared>>)
      %lt3A = arith.constant 19 : i32
      %lt3A_114 = arith.cmpi slt, %scan3A_69, %lt3A : i32
      %convert_element_type3A = arith.extui %lt3A_114 : i1 to i32
      %cond3A = arith.constant 0 : i32
      %cond3A_115 = arith.cmpi ne, %convert_element_type3A, %cond3A : i32
      scf.if %cond3A_115 {
        %add3A_139 = arith.constant 2 : i32
        %add3A_140 = arith.addi %mul3A_72, %add3A_139 : i32
        %dma_start3A_141 = arith.constant 0 : i32
        %dma_start3A_142 = tpu.memref_slice %arg7[%add3A_140, %dma_start3A_141] : memref<40x128xi32, #tpu.memory_space<vmem>> -> memref<1x128xi32, #tpu.memory_space<vmem>>
        %dma_start3A_143 = tpu.memref_squeeze %dma_start3A_142 : memref<1x128xi32, #tpu.memory_space<vmem>> -> memref<128xi32, #tpu.memory_space<vmem>>
        %dma_start3A_144 = arith.constant 0 : i32
        %dma_start3A_145 = arith.constant 0 : i32
        %dma_start3A_146 = tpu.memref_slice %arg2[%dma_start3A_144, %dma_start3A_145] : memref<10000x128xf32, #tpu.memory_space<hbm>> -> memref<10000x128xf32, #tpu.memory_space<hbm>>
        tpu.enqueue_indirect_dma source(%dma_start3A_146 : memref<10000x128xf32, #tpu.memory_space<hbm>>) target(%arg9 : memref<128x128xf32, #tpu.memory_space<vmem>>) offsets(%dma_start3A_143 : memref<128xi32, #tpu.memory_space<vmem>>) semaphore(%arg15 : memref<!tpu.dma_semaphore, #tpu.memory_space<semaphore_mem>>)
      } else {
      }
      %dma_start3A_116 = arith.constant 0 : i32
      %dma_start3A_117 = tpu.memref_slice %arg8[%add3A_74, %dma_start3A_116] : memref<40x128xi32, #tpu.memory_space<vmem>> -> memref<1x128xi32, #tpu.memory_space<vmem>>
      %dma_start3A_118 = tpu.memref_squeeze %dma_start3A_117 : memref<1x128xi32, #tpu.memory_space<vmem>> -> memref<128xi32, #tpu.memory_space<vmem>>
      %dma_start3A_119 = arith.constant 0 : i32
      %dma_start3A_120 = arith.constant 0 : i32
      %dma_start3A_121 = tpu.memref_slice %arg13[%dma_start3A_119, %dma_start3A_120] : memref<10240x128xf32, #tpu.memory_space<vmem_shared>> -> memref<10240x128xf32, #tpu.memory_space<vmem_shared>>
      tpu.enqueue_indirect_dma source(%arg10 : memref<128x128xf32, #tpu.memory_space<vmem>>) target(%dma_start3A_121 : memref<10240x128xf32, #tpu.memory_space<vmem_shared>>) offsets(%dma_start3A_118 : memref<128xi32, #tpu.memory_space<vmem>>) semaphore(%arg18 : memref<!tpu.dma_semaphore, #tpu.memory_space<semaphore_mem>>) {add = true}
      %dma_start3A_122 = arith.constant 0 : i32
      %dma_start3A_123 = tpu.memref_slice %arg8[%add3A_74, %dma_start3A_122] : memref<40x128xi32, #tpu.memory_space<vmem>> -> memref<1x128xi32, #tpu.memory_space<vmem>>
      %dma_start3A_124 = tpu.memref_squeeze %dma_start3A_123 : memref<1x128xi32, #tpu.memory_space<vmem>> -> memref<128xi32, #tpu.memory_space<vmem>>
      %dma_start3A_125 = arith.constant 0 : i32
      %dma_start3A_126 = tpu.memref_slice %arg14[%dma_start3A_125] : memref<10240xf32, #tpu.memory_space<vmem_shared>> -> memref<10240xf32, #tpu.memory_space<vmem_shared>>
      tpu.enqueue_indirect_dma source(%arg11 : memref<128xf32, #tpu.memory_space<vmem>>) target(%dma_start3A_126 : memref<10240xf32, #tpu.memory_space<vmem_shared>>) offsets(%dma_start3A_124 : memref<128xi32, #tpu.memory_space<vmem>>) semaphore(%arg20 : memref<!tpu.dma_semaphore, #tpu.memory_space<semaphore_mem>>) {add = true}
      %dma_wait3A_127 = arith.constant 0 : i32
      %dma_wait3A_128 = tpu.memref_slice %arg8[%add3A_74, %dma_wait3A_127] : memref<40x128xi32, #tpu.memory_space<vmem>> -> memref<1x128xi32, #tpu.memory_space<vmem>>
      %dma_wait3A_129 = tpu.memref_squeeze %dma_wait3A_128 : memref<1x128xi32, #tpu.memory_space<vmem>> -> memref<128xi32, #tpu.memory_space<vmem>>
      %dma_wait3A_130 = arith.constant 0 : i32
      %dma_wait3A_131 = arith.constant 0 : i32
      %dma_wait3A_132 = tpu.memref_slice %arg13[%dma_wait3A_130, %dma_wait3A_131] : memref<10240x128xf32, #tpu.memory_space<vmem_shared>> -> memref<10240x128xf32, #tpu.memory_space<vmem_shared>>
      tpu.wait_indirect_dma semaphore(%arg18 : memref<!tpu.dma_semaphore, #tpu.memory_space<semaphore_mem>>) src(%arg10 : memref<128x128xf32, #tpu.memory_space<vmem>>) dst(%dma_wait3A_132 : memref<10240x128xf32, #tpu.memory_space<vmem_shared>>)
      %dma_wait3A_133 = arith.constant 0 : i32
      %dma_wait3A_134 = tpu.memref_slice %arg8[%add3A_74, %dma_wait3A_133] : memref<40x128xi32, #tpu.memory_space<vmem>> -> memref<1x128xi32, #tpu.memory_space<vmem>>
      %dma_wait3A_135 = tpu.memref_squeeze %dma_wait3A_134 : memref<1x128xi32, #tpu.memory_space<vmem>> -> memref<128xi32, #tpu.memory_space<vmem>>
      %dma_wait3A_136 = arith.constant 0 : i32
      %dma_wait3A_137 = tpu.memref_slice %arg14[%dma_wait3A_136] : memref<10240xf32, #tpu.memory_space<vmem_shared>> -> memref<10240xf32, #tpu.memory_space<vmem_shared>>
      tpu.wait_indirect_dma semaphore(%arg20 : memref<!tpu.dma_semaphore, #tpu.memory_space<semaphore_mem>>) src(%arg11 : memref<128xf32, #tpu.memory_space<vmem>>) dst(%dma_wait3A_137 : memref<10240xf32, #tpu.memory_space<vmem_shared>>)
      %scan3A_138 = arith.constant 0 : i32
      scf.yield %scan3A_138 : i32
    }
    %scan3A_56 = arith.constant 20 : i32
    %barrier3A_57 = arith.constant 0 : index
    tpu.barrier barrier_id(%barrier3A_57)
    %scan3A_58 = arith.constant 0 : i32
    %scan3A_59 = arith.constant 0 : i32
    %scan3A_60 = arith.constant 5 : i32
    %scan3A_61 = arith.addi %scan3A_59, %scan3A_60 : i32
    %scan3A_62 = arith.constant 1 : i32
    %scan3A_63 = scf.for %scan3A_69 = %scan3A_59 to %scan3A_61 step %scan3A_62 iter_args(%scan3A_70 = %scan3A_58) -> (i32)  : i32 {
      %mul3A_71 = arith.constant 640 : i32
      %mul3A_72 = arith.muli %arg1, %mul3A_71 : i32
      %mul3A_73 = arith.constant 128 : i32
      %mul3A_74 = arith.muli %scan3A_69, %mul3A_73 : i32
      %add3A_75 = arith.addi %mul3A_72, %mul3A_74 : i32
      %multiple_of3A = tpu.assume_multiple %add3A_75, 8 : i32
      "tpu.region"() ({
        %run_scoped3A = tpu.sem_alloc : memref<!tpu.dma_semaphore, #tpu.memory_space<semaphore_mem>>
        %dma_start3A_77 = arith.constant 0 : i32
        %dma_start3A_78 = tpu.memref_slice %arg5[%arg0, %multiple_of3A, %dma_start3A_77] : memref<2x10240x128xf32, #tpu.memory_space<hbm>> -> memref<1x128x128xf32, #tpu.memory_space<hbm>>
        %dma_start3A_79 = tpu.memref_squeeze %dma_start3A_78 : memref<1x128x128xf32, #tpu.memory_space<hbm>> -> memref<128x128xf32, #tpu.memory_space<hbm>>
        %dma_start3A_80 = arith.constant 0 : i32
        %dma_start3A_81 = tpu.memref_slice %arg13[%multiple_of3A, %dma_start3A_80] : memref<10240x128xf32, #tpu.memory_space<vmem_shared>> -> memref<128x128xf32, #tpu.memory_space<vmem_shared>>
        tpu.enqueue_dma source(%dma_start3A_81 : memref<128x128xf32, #tpu.memory_space<vmem_shared>>) target(%dma_start3A_79 : memref<128x128xf32, #tpu.memory_space<hbm>>) target_semaphore(%run_scoped3A : memref<!tpu.dma_semaphore, #tpu.memory_space<semaphore_mem>>)
        %dma_wait3A = arith.constant 0 : i32
        %dma_wait3A_82 = tpu.memref_slice %arg5[%arg0, %multiple_of3A, %dma_wait3A] : memref<2x10240x128xf32, #tpu.memory_space<hbm>> -> memref<1x128x128xf32, #tpu.memory_space<hbm>>
        %dma_wait3A_83 = tpu.memref_squeeze %dma_wait3A_82 : memref<1x128x128xf32, #tpu.memory_space<hbm>> -> memref<128x128xf32, #tpu.memory_space<hbm>>
        %dma_wait3A_84 = arith.constant 0 : i32
        %dma_wait3A_85 = tpu.memref_slice %arg13[%multiple_of3A, %dma_wait3A_84] : memref<10240x128xf32, #tpu.memory_space<vmem_shared>> -> memref<128x128xf32, #tpu.memory_space<vmem_shared>>
        tpu.wait_dma2 semaphore(%run_scoped3A : memref<!tpu.dma_semaphore, #tpu.memory_space<semaphore_mem>>) src(%dma_wait3A_85 : memref<128x128xf32, #tpu.memory_space<vmem_shared>>) dst(%dma_wait3A_83 : memref<128x128xf32, #tpu.memory_space<hbm>>)
        tpu.yield
      }) : () -> ()
      %scan3A_76 = arith.constant 0 : i32
      scf.yield %scan3A_76 : i32
    }
    %scan3A_64 = arith.constant 5 : i32
    %mul3A_65 = arith.constant 640 : i32
    %mul3A_66 = arith.muli %arg1, %mul3A_65 : i32
    %mul3A_67 = arith.constant 640 : i32
    %mul3A_68 = arith.muli %arg1, %mul3A_67 : i32
    "tpu.region"() ({
      %run_scoped3A = tpu.sem_alloc : memref<!tpu.dma_semaphore, #tpu.memory_space<semaphore_mem>>
      %dma_start3A_69 = tpu.memref_slice %arg6[%arg0, %mul3A_68] : memref<2x10240xf32, #tpu.memory_space<hbm>> -> memref<1x640xf32, #tpu.memory_space<hbm>>
      %dma_start3A_70 = tpu.memref_squeeze %dma_start3A_69 : memref<1x640xf32, #tpu.memory_space<hbm>> -> memref<640xf32, #tpu.memory_space<hbm>>
      %dma_start3A_71 = tpu.memref_slice %arg14[%mul3A_66] : memref<10240xf32, #tpu.memory_space<vmem_shared>> -> memref<640xf32, #tpu.memory_space<vmem_shared>>
      tpu.enqueue_dma source(%dma_start3A_71 : memref<640xf32, #tpu.memory_space<vmem_shared>>) target(%dma_start3A_70 : memref<640xf32, #tpu.memory_space<hbm>>) target_semaphore(%run_scoped3A : memref<!tpu.dma_semaphore, #tpu.memory_space<semaphore_mem>>)
      %dma_wait3A = tpu.memref_slice %arg6[%arg0, %mul3A_68] : memref<2x10240xf32, #tpu.memory_space<hbm>> -> memref<1x640xf32, #tpu.memory_space<hbm>>
      %dma_wait3A_72 = tpu.memref_squeeze %dma_wait3A : memref<1x640xf32, #tpu.memory_space<hbm>> -> memref<640xf32, #tpu.memory_space<hbm>>
      %dma_wait3A_73 = tpu.memref_slice %arg14[%mul3A_66] : memref<10240xf32, #tpu.memory_space<vmem_shared>> -> memref<640xf32, #tpu.memory_space<vmem_shared>>
      tpu.wait_dma2 semaphore(%run_scoped3A : memref<!tpu.dma_semaphore, #tpu.memory_space<semaphore_mem>>) src(%dma_wait3A_73 : memref<640xf32, #tpu.memory_space<vmem_shared>>) dst(%dma_wait3A_72 : memref<640xf32, #tpu.memory_space<hbm>>)
      tpu.yield
    }) : () -> ()
    return
  }
}

#map = affine_map<(d0, d1) -> (0, 0)>
#map1 = affine_map<(d0, d1) -> (0, 0, 0)>
module attributes {stable_mosaic.version = 14 : i64} {
  func.func @_aggs_body(%arg0: i32, %arg1: i32, %arg2: memref<10000x16xf32, #tpu.memory_space<hbm>>, %arg3: memref<32x80x128xi32, #tpu.memory_space<hbm>>, %arg4: memref<32x80x128xi32, #tpu.memory_space<hbm>>, %arg5: memref<2x10240x16xf32, #tpu.memory_space<hbm>>, %arg6: memref<80x128xi32, #tpu.memory_space<vmem>>, %arg7: memref<80x128xi32, #tpu.memory_space<vmem>>, %arg8: memref<128x16xf32, #tpu.memory_space<vmem>>, %arg9: memref<128x16xf32, #tpu.memory_space<vmem>>, %arg10: memref<128x16xf32, #tpu.memory_space<vmem>>, %arg11: memref<128x16xf32, #tpu.memory_space<vmem>>, %arg12: memref<10240x16xf32, #tpu.memory_space<vmem_shared>>, %arg13: memref<!tpu.dma_semaphore, #tpu.memory_space<semaphore_mem>>, %arg14: memref<!tpu.dma_semaphore, #tpu.memory_space<semaphore_mem>>, %arg15: memref<!tpu.dma_semaphore, #tpu.memory_space<semaphore_mem>>, %arg16: memref<!tpu.dma_semaphore, #tpu.memory_space<semaphore_mem>>, %arg17: memref<!tpu.dma_semaphore, #tpu.memory_space<semaphore_mem>>, %arg18: memref<!tpu.dma_semaphore, #tpu.memory_space<semaphore_mem>>, %arg19: memref<!tpu.dma_semaphore, #tpu.memory_space<semaphore_mem>>, %arg20: memref<!tpu.dma_semaphore, #tpu.memory_space<semaphore_mem>>) attributes {dimension_semantics = [#tpu.dimension_semantics<core_parallel>, #tpu.dimension_semantics<subcore_parallel>], iteration_bounds = array<i64: 2, 16>, scalar_prefetch = 0 : i64, scratch_operands = 15 : i64, tpu.core_type = #tpu.core_type<sc_vector_subcore>, window_params = [{transform_indices = #map}, {transform_indices = #map1}, {transform_indices = #map1}, {transform_indices = #map1}]} {
    %mul3A = arith.constant 16 : i32
    %mul3A_0 = arith.muli %arg0, %mul3A : i32
    %add3A = arith.addi %mul3A_0, %arg1 : i32
    "tpu.region"() ({
      %run_scoped3A = tpu.sem_alloc : memref<!tpu.dma_semaphore, #tpu.memory_space<semaphore_mem>>
      %dma_start3A_73 = arith.constant 0 : i32
      %dma_start3A_74 = arith.constant 0 : i32
      %dma_start3A_75 = tpu.memref_slice %arg3[%add3A, %dma_start3A_73, %dma_start3A_74] : memref<32x80x128xi32, #tpu.memory_space<hbm>> -> memref<1x80x128xi32, #tpu.memory_space<hbm>>
      %dma_start3A_76 = tpu.memref_squeeze %dma_start3A_75 : memref<1x80x128xi32, #tpu.memory_space<hbm>> -> memref<80x128xi32, #tpu.memory_space<hbm>>
      %dma_start3A_77 = arith.constant 0 : i32
      %dma_start3A_78 = arith.constant 0 : i32
      %dma_start3A_79 = tpu.memref_slice %arg3[%add3A, %dma_start3A_77, %dma_start3A_78] : memref<32x80x128xi32, #tpu.memory_space<hbm>> -> memref<1x80x128xi32, #tpu.memory_space<hbm>>
      %dma_start3A_80 = tpu.memref_squeeze %dma_start3A_79 : memref<1x80x128xi32, #tpu.memory_space<hbm>> -> memref<80x128xi32, #tpu.memory_space<hbm>>
      tpu.enqueue_dma source(%dma_start3A_80 : memref<80x128xi32, #tpu.memory_space<hbm>>) target(%arg6 : memref<80x128xi32, #tpu.memory_space<vmem>>) target_semaphore(%run_scoped3A : memref<!tpu.dma_semaphore, #tpu.memory_space<semaphore_mem>>)
      %dma_wait3A_81 = arith.constant 0 : i32
      %dma_wait3A_82 = arith.constant 0 : i32
      %dma_wait3A_83 = tpu.memref_slice %arg3[%add3A, %dma_wait3A_81, %dma_wait3A_82] : memref<32x80x128xi32, #tpu.memory_space<hbm>> -> memref<1x80x128xi32, #tpu.memory_space<hbm>>
      %dma_wait3A_84 = tpu.memref_squeeze %dma_wait3A_83 : memref<1x80x128xi32, #tpu.memory_space<hbm>> -> memref<80x128xi32, #tpu.memory_space<hbm>>
      %dma_wait3A_85 = arith.constant 0 : i32
      %dma_wait3A_86 = arith.constant 0 : i32
      %dma_wait3A_87 = tpu.memref_slice %arg3[%add3A, %dma_wait3A_85, %dma_wait3A_86] : memref<32x80x128xi32, #tpu.memory_space<hbm>> -> memref<1x80x128xi32, #tpu.memory_space<hbm>>
      %dma_wait3A_88 = tpu.memref_squeeze %dma_wait3A_87 : memref<1x80x128xi32, #tpu.memory_space<hbm>> -> memref<80x128xi32, #tpu.memory_space<hbm>>
      tpu.wait_dma2 semaphore(%run_scoped3A : memref<!tpu.dma_semaphore, #tpu.memory_space<semaphore_mem>>) src(%dma_wait3A_88 : memref<80x128xi32, #tpu.memory_space<hbm>>) dst(%arg6 : memref<80x128xi32, #tpu.memory_space<vmem>>)
      tpu.yield
    }) : () -> ()
    "tpu.region"() ({
      %run_scoped3A = tpu.sem_alloc : memref<!tpu.dma_semaphore, #tpu.memory_space<semaphore_mem>>
      %dma_start3A_73 = arith.constant 0 : i32
      %dma_start3A_74 = arith.constant 0 : i32
      %dma_start3A_75 = tpu.memref_slice %arg4[%add3A, %dma_start3A_73, %dma_start3A_74] : memref<32x80x128xi32, #tpu.memory_space<hbm>> -> memref<1x80x128xi32, #tpu.memory_space<hbm>>
      %dma_start3A_76 = tpu.memref_squeeze %dma_start3A_75 : memref<1x80x128xi32, #tpu.memory_space<hbm>> -> memref<80x128xi32, #tpu.memory_space<hbm>>
      %dma_start3A_77 = arith.constant 0 : i32
      %dma_start3A_78 = arith.constant 0 : i32
      %dma_start3A_79 = tpu.memref_slice %arg4[%add3A, %dma_start3A_77, %dma_start3A_78] : memref<32x80x128xi32, #tpu.memory_space<hbm>> -> memref<1x80x128xi32, #tpu.memory_space<hbm>>
      %dma_start3A_80 = tpu.memref_squeeze %dma_start3A_79 : memref<1x80x128xi32, #tpu.memory_space<hbm>> -> memref<80x128xi32, #tpu.memory_space<hbm>>
      tpu.enqueue_dma source(%dma_start3A_80 : memref<80x128xi32, #tpu.memory_space<hbm>>) target(%arg7 : memref<80x128xi32, #tpu.memory_space<vmem>>) target_semaphore(%run_scoped3A : memref<!tpu.dma_semaphore, #tpu.memory_space<semaphore_mem>>)
      %dma_wait3A_81 = arith.constant 0 : i32
      %dma_wait3A_82 = arith.constant 0 : i32
      %dma_wait3A_83 = tpu.memref_slice %arg4[%add3A, %dma_wait3A_81, %dma_wait3A_82] : memref<32x80x128xi32, #tpu.memory_space<hbm>> -> memref<1x80x128xi32, #tpu.memory_space<hbm>>
      %dma_wait3A_84 = tpu.memref_squeeze %dma_wait3A_83 : memref<1x80x128xi32, #tpu.memory_space<hbm>> -> memref<80x128xi32, #tpu.memory_space<hbm>>
      %dma_wait3A_85 = arith.constant 0 : i32
      %dma_wait3A_86 = arith.constant 0 : i32
      %dma_wait3A_87 = tpu.memref_slice %arg4[%add3A, %dma_wait3A_85, %dma_wait3A_86] : memref<32x80x128xi32, #tpu.memory_space<hbm>> -> memref<1x80x128xi32, #tpu.memory_space<hbm>>
      %dma_wait3A_88 = tpu.memref_squeeze %dma_wait3A_87 : memref<1x80x128xi32, #tpu.memory_space<hbm>> -> memref<80x128xi32, #tpu.memory_space<hbm>>
      tpu.wait_dma2 semaphore(%run_scoped3A : memref<!tpu.dma_semaphore, #tpu.memory_space<semaphore_mem>>) src(%dma_wait3A_88 : memref<80x128xi32, #tpu.memory_space<hbm>>) dst(%arg7 : memref<80x128xi32, #tpu.memory_space<vmem>>)
      tpu.yield
    }) : () -> ()
    %scan3A = arith.constant 0 : i32
    %scan3A_1 = arith.constant 0 : i32
    %scan3A_2 = arith.constant 128 : i32
    %scan3A_3 = arith.addi %scan3A_1, %scan3A_2 : i32
    %scan3A_4 = arith.constant 1 : i32
    %scan3A_5 = scf.for %scan3A_73 = %scan3A_1 to %scan3A_3 step %scan3A_4 iter_args(%scan3A_74 = %scan3A) -> (i32)  : i32 {
      %broadcast_in_dim3A = arith.constant 0.000000e+00 : f32
      %broadcast_in_dim3A_75 = vector.broadcast %broadcast_in_dim3A : f32 to vector<16xf32>
      %swap3A = arith.index_cast %scan3A_73 : i32 to index
      %swap3A_76 = arith.constant 0 : index
      %swap3A_77 = tpu.vector_load %arg8[%swap3A, %swap3A_76] {strides = array<i32>} : memref<128x16xf32, #tpu.memory_space<vmem>>, vector<1x16xf32>,
      %swap3A_78 = vector.shape_cast %swap3A_77 : vector<1x16xf32> to vector<16xf32>
      %swap3A_79 = vector.shape_cast %broadcast_in_dim3A_75 : vector<16xf32> to vector<1x16xf32>
      tpu.vector_store %arg8[%swap3A, %swap3A_76], %swap3A_79 {strides = array<i32>} : memref<128x16xf32, #tpu.memory_space<vmem>>, vector<1x16xf32>,
      %scan3A_80 = arith.constant 0 : i32
      scf.yield %scan3A_80 : i32
    }
    %scan3A_6 = arith.constant 128 : i32
    %scan3A_7 = arith.constant 0 : i32
    %scan3A_8 = arith.constant 0 : i32
    %scan3A_9 = arith.constant 5 : i32
    %scan3A_10 = arith.addi %scan3A_8, %scan3A_9 : i32
    %scan3A_11 = arith.constant 1 : i32
    %scan3A_12 = scf.for %scan3A_73 = %scan3A_8 to %scan3A_10 step %scan3A_11 iter_args(%scan3A_74 = %scan3A_7) -> (i32)  : i32 {
      %mul3A_75 = arith.constant 640 : i32
      %mul3A_76 = arith.muli %arg1, %mul3A_75 : i32
      %mul3A_77 = arith.constant 128 : i32
      %mul3A_78 = arith.muli %scan3A_73, %mul3A_77 : i32
      %add3A_79 = arith.addi %mul3A_76, %mul3A_78 : i32
      "tpu.region"() ({
        %run_scoped3A = tpu.sem_alloc : memref<!tpu.dma_semaphore, #tpu.memory_space<semaphore_mem>>
        %dma_start3A_81 = arith.constant 0 : i32
        %dma_start3A_82 = tpu.memref_slice %arg12[%add3A_79, %dma_start3A_81] : memref<10240x16xf32, #tpu.memory_space<vmem_shared>> -> memref<128x16xf32, #tpu.memory_space<vmem_shared>>
        %dma_start3A_83 = arith.constant 0 : i32
        %dma_start3A_84 = tpu.memref_slice %arg12[%add3A_79, %dma_start3A_83] : memref<10240x16xf32, #tpu.memory_space<vmem_shared>> -> memref<128x16xf32, #tpu.memory_space<vmem_shared>>
        tpu.enqueue_dma source(%arg8 : memref<128x16xf32, #tpu.memory_space<vmem>>) target(%dma_start3A_84 : memref<128x16xf32, #tpu.memory_space<vmem_shared>>) target_semaphore(%run_scoped3A : memref<!tpu.dma_semaphore, #tpu.memory_space<semaphore_mem>>)
        %dma_wait3A_85 = arith.constant 0 : i32
        %dma_wait3A_86 = tpu.memref_slice %arg12[%add3A_79, %dma_wait3A_85] : memref<10240x16xf32, #tpu.memory_space<vmem_shared>> -> memref<128x16xf32, #tpu.memory_space<vmem_shared>>
        %dma_wait3A_87 = arith.constant 0 : i32
        %dma_wait3A_88 = tpu.memref_slice %arg12[%add3A_79, %dma_wait3A_87] : memref<10240x16xf32, #tpu.memory_space<vmem_shared>> -> memref<128x16xf32, #tpu.memory_space<vmem_shared>>
        tpu.wait_dma2 semaphore(%run_scoped3A : memref<!tpu.dma_semaphore, #tpu.memory_space<semaphore_mem>>) src(%arg8 : memref<128x16xf32, #tpu.memory_space<vmem>>) dst(%dma_wait3A_88 : memref<128x16xf32, #tpu.memory_space<vmem_shared>>)
        tpu.yield
      }) : () -> ()
      %scan3A_80 = arith.constant 0 : i32
      scf.yield %scan3A_80 : i32
    }
    %scan3A_13 = arith.constant 5 : i32
    %barrier3A = arith.constant 0 : index
    tpu.barrier barrier_id(%barrier3A)
    %dma_start3A = arith.constant 0 : i32
    %dma_start3A_14 = arith.constant 0 : i32
    %dma_start3A_15 = tpu.memref_slice %arg6[%dma_start3A, %dma_start3A_14] : memref<80x128xi32, #tpu.memory_space<vmem>> -> memref<1x128xi32, #tpu.memory_space<vmem>>
    %dma_start3A_16 = tpu.memref_squeeze %dma_start3A_15 : memref<1x128xi32, #tpu.memory_space<vmem>> -> memref<128xi32, #tpu.memory_space<vmem>>
    %dma_start3A_17 = arith.constant 0 : i32
    %dma_start3A_18 = arith.constant 0 : i32
    %dma_start3A_19 = tpu.memref_slice %arg2[%dma_start3A_17, %dma_start3A_18] : memref<10000x16xf32, #tpu.memory_space<hbm>> -> memref<10000x16xf32, #tpu.memory_space<hbm>>
    tpu.enqueue_indirect_dma source(%dma_start3A_19 : memref<10000x16xf32, #tpu.memory_space<hbm>>) target(%arg8 : memref<128x16xf32, #tpu.memory_space<vmem>>) offsets(%dma_start3A_16 : memref<128xi32, #tpu.memory_space<vmem>>) semaphore(%arg13 : memref<!tpu.dma_semaphore, #tpu.memory_space<semaphore_mem>>)
    %dma_start3A_20 = arith.constant 1 : i32
    %dma_start3A_21 = arith.constant 0 : i32
    %dma_start3A_22 = tpu.memref_slice %arg6[%dma_start3A_20, %dma_start3A_21] : memref<80x128xi32, #tpu.memory_space<vmem>> -> memref<1x128xi32, #tpu.memory_space<vmem>>
    %dma_start3A_23 = tpu.memref_squeeze %dma_start3A_22 : memref<1x128xi32, #tpu.memory_space<vmem>> -> memref<128xi32, #tpu.memory_space<vmem>>
    %dma_start3A_24 = arith.constant 0 : i32
    %dma_start3A_25 = arith.constant 0 : i32
    %dma_start3A_26 = tpu.memref_slice %arg2[%dma_start3A_24, %dma_start3A_25] : memref<10000x16xf32, #tpu.memory_space<hbm>> -> memref<10000x16xf32, #tpu.memory_space<hbm>>
    tpu.enqueue_indirect_dma source(%dma_start3A_26 : memref<10000x16xf32, #tpu.memory_space<hbm>>) target(%arg9 : memref<128x16xf32, #tpu.memory_space<vmem>>) offsets(%dma_start3A_23 : memref<128xi32, #tpu.memory_space<vmem>>) semaphore(%arg14 : memref<!tpu.dma_semaphore, #tpu.memory_space<semaphore_mem>>)
    %dma_start3A_27 = arith.constant 2 : i32
    %dma_start3A_28 = arith.constant 0 : i32
    %dma_start3A_29 = tpu.memref_slice %arg6[%dma_start3A_27, %dma_start3A_28] : memref<80x128xi32, #tpu.memory_space<vmem>> -> memref<1x128xi32, #tpu.memory_space<vmem>>
    %dma_start3A_30 = tpu.memref_squeeze %dma_start3A_29 : memref<1x128xi32, #tpu.memory_space<vmem>> -> memref<128xi32, #tpu.memory_space<vmem>>
    %dma_start3A_31 = arith.constant 0 : i32
    %dma_start3A_32 = arith.constant 0 : i32
    %dma_start3A_33 = tpu.memref_slice %arg2[%dma_start3A_31, %dma_start3A_32] : memref<10000x16xf32, #tpu.memory_space<hbm>> -> memref<10000x16xf32, #tpu.memory_space<hbm>>
    tpu.enqueue_indirect_dma source(%dma_start3A_33 : memref<10000x16xf32, #tpu.memory_space<hbm>>) target(%arg10 : memref<128x16xf32, #tpu.memory_space<vmem>>) offsets(%dma_start3A_30 : memref<128xi32, #tpu.memory_space<vmem>>) semaphore(%arg15 : memref<!tpu.dma_semaphore, #tpu.memory_space<semaphore_mem>>)
    %scan3A_34 = arith.constant 0 : i32
    %scan3A_35 = arith.constant 0 : i32
    %scan3A_36 = arith.constant 20 : i32
    %scan3A_37 = arith.addi %scan3A_35, %scan3A_36 : i32
    %scan3A_38 = arith.constant 1 : i32
    %scan3A_39 = scf.for %scan3A_73 = %scan3A_35 to %scan3A_37 step %scan3A_38 iter_args(%scan3A_74 = %scan3A_34) -> (i32)  : i32 {
      %mul3A_75 = arith.constant 4 : i32
      %mul3A_76 = arith.muli %mul3A_75, %scan3A_73 : i32
      %add3A_77 = arith.constant 0 : i32
      %add3A_78 = arith.addi %mul3A_76, %add3A_77 : i32
      %dma_wait3A_79 = arith.constant 0 : i32
      %dma_wait3A_80 = tpu.memref_slice %arg6[%add3A_78, %dma_wait3A_79] : memref<80x128xi32, #tpu.memory_space<vmem>> -> memref<1x128xi32, #tpu.memory_space<vmem>>
      %dma_wait3A_81 = tpu.memref_squeeze %dma_wait3A_80 : memref<1x128xi32, #tpu.memory_space<vmem>> -> memref<128xi32, #tpu.memory_space<vmem>>
      %dma_wait3A_82 = arith.constant 0 : i32
      %dma_wait3A_83 = arith.constant 0 : i32
      %dma_wait3A_84 = tpu.memref_slice %arg2[%dma_wait3A_82, %dma_wait3A_83] : memref<10000x16xf32, #tpu.memory_space<hbm>> -> memref<10000x16xf32, #tpu.memory_space<hbm>>
      tpu.wait_indirect_dma semaphore(%arg13 : memref<!tpu.dma_semaphore, #tpu.memory_space<semaphore_mem>>) src(%dma_wait3A_84 : memref<10000x16xf32, #tpu.memory_space<hbm>>) dst(%arg8 : memref<128x16xf32, #tpu.memory_space<vmem>>)
      %dma_start3A_85 = arith.constant 0 : i32
      %dma_start3A_86 = tpu.memref_slice %arg7[%add3A_78, %dma_start3A_85] : memref<80x128xi32, #tpu.memory_space<vmem>> -> memref<1x128xi32, #tpu.memory_space<vmem>>
      %dma_start3A_87 = tpu.memref_squeeze %dma_start3A_86 : memref<1x128xi32, #tpu.memory_space<vmem>> -> memref<128xi32, #tpu.memory_space<vmem>>
      %dma_start3A_88 = arith.constant 0 : i32
      %dma_start3A_89 = arith.constant 0 : i32
      %dma_start3A_90 = tpu.memref_slice %arg12[%dma_start3A_88, %dma_start3A_89] : memref<10240x16xf32, #tpu.memory_space<vmem_shared>> -> memref<10240x16xf32, #tpu.memory_space<vmem_shared>>
      tpu.enqueue_indirect_dma source(%arg8 : memref<128x16xf32, #tpu.memory_space<vmem>>) target(%dma_start3A_90 : memref<10240x16xf32, #tpu.memory_space<vmem_shared>>) offsets(%dma_start3A_87 : memref<128xi32, #tpu.memory_space<vmem>>) semaphore(%arg17 : memref<!tpu.dma_semaphore, #tpu.memory_space<semaphore_mem>>) {add = true}
      %add3A_91 = arith.constant 3 : i32
      %add3A_92 = arith.addi %add3A_78, %add3A_91 : i32
      %lt3A = arith.constant 80 : i32
      %lt3A_93 = arith.cmpi slt, %add3A_92, %lt3A : i32
      %convert_element_type3A = arith.extui %lt3A_93 : i1 to i32
      %cond3A = arith.constant 0 : i32
      %cond3A_94 = arith.cmpi ne, %convert_element_type3A, %cond3A : i32
      scf.if %cond3A_94 {
        %gt3A = arith.constant 0 : i32
        %gt3A_165 = arith.cmpi sgt, %add3A_78, %gt3A : i32
        %convert_element_type3A_166 = arith.extui %gt3A_165 : i1 to i32
        %cond3A_167 = arith.constant 0 : i32
        %cond3A_168 = arith.cmpi ne, %convert_element_type3A_166, %cond3A_167 : i32
        scf.if %cond3A_168 {
          %dma_wait3A_175 = arith.constant 0 : i32
          %dma_wait3A_176 = arith.constant 0 : i32
          %dma_wait3A_177 = tpu.memref_slice %arg7[%dma_wait3A_175, %dma_wait3A_176] : memref<80x128xi32, #tpu.memory_space<vmem>> -> memref<1x128xi32, #tpu.memory_space<vmem>>
          %dma_wait3A_178 = tpu.memref_squeeze %dma_wait3A_177 : memref<1x128xi32, #tpu.memory_space<vmem>> -> memref<128xi32, #tpu.memory_space<vmem>>
          %dma_wait3A_179 = arith.constant 0 : i32
          %dma_wait3A_180 = arith.constant 0 : i32
          %dma_wait3A_181 = tpu.memref_slice %arg12[%dma_wait3A_179, %dma_wait3A_180] : memref<10240x16xf32, #tpu.memory_space<vmem_shared>> -> memref<10240x16xf32, #tpu.memory_space<vmem_shared>>
          tpu.wait_indirect_dma semaphore(%arg20 : memref<!tpu.dma_semaphore, #tpu.memory_space<semaphore_mem>>) src(%arg11 : memref<128x16xf32, #tpu.memory_space<vmem>>) dst(%dma_wait3A_181 : memref<10240x16xf32, #tpu.memory_space<vmem_shared>>)
        } else {
        }
        %dma_start3A_169 = arith.constant 0 : i32
        %dma_start3A_170 = tpu.memref_slice %arg6[%add3A_92, %dma_start3A_169] : memref<80x128xi32, #tpu.memory_space<vmem>> -> memref<1x128xi32, #tpu.memory_space<vmem>>
        %dma_start3A_171 = tpu.memref_squeeze %dma_start3A_170 : memref<1x128xi32, #tpu.memory_space<vmem>> -> memref<128xi32, #tpu.memory_space<vmem>>
        %dma_start3A_172 = arith.constant 0 : i32
        %dma_start3A_173 = arith.constant 0 : i32
        %dma_start3A_174 = tpu.memref_slice %arg2[%dma_start3A_172, %dma_start3A_173] : memref<10000x16xf32, #tpu.memory_space<hbm>> -> memref<10000x16xf32, #tpu.memory_space<hbm>>
        tpu.enqueue_indirect_dma source(%dma_start3A_174 : memref<10000x16xf32, #tpu.memory_space<hbm>>) target(%arg11 : memref<128x16xf32, #tpu.memory_space<vmem>>) offsets(%dma_start3A_171 : memref<128xi32, #tpu.memory_space<vmem>>) semaphore(%arg16 : memref<!tpu.dma_semaphore, #tpu.memory_space<semaphore_mem>>)
      } else {
      }
      %mul3A_95 = arith.constant 4 : i32
      %mul3A_96 = arith.muli %mul3A_95, %scan3A_73 : i32
      %add3A_97 = arith.constant 1 : i32
      %add3A_98 = arith.addi %mul3A_96, %add3A_97 : i32
      %dma_wait3A_99 = arith.constant 0 : i32
      %dma_wait3A_100 = tpu.memref_slice %arg6[%add3A_98, %dma_wait3A_99] : memref<80x128xi32, #tpu.memory_space<vmem>> -> memref<1x128xi32, #tpu.memory_space<vmem>>
      %dma_wait3A_101 = tpu.memref_squeeze %dma_wait3A_100 : memref<1x128xi32, #tpu.memory_space<vmem>> -> memref<128xi32, #tpu.memory_space<vmem>>
      %dma_wait3A_102 = arith.constant 0 : i32
      %dma_wait3A_103 = arith.constant 0 : i32
      %dma_wait3A_104 = tpu.memref_slice %arg2[%dma_wait3A_102, %dma_wait3A_103] : memref<10000x16xf32, #tpu.memory_space<hbm>> -> memref<10000x16xf32, #tpu.memory_space<hbm>>
      tpu.wait_indirect_dma semaphore(%arg14 : memref<!tpu.dma_semaphore, #tpu.memory_space<semaphore_mem>>) src(%dma_wait3A_104 : memref<10000x16xf32, #tpu.memory_space<hbm>>) dst(%arg9 : memref<128x16xf32, #tpu.memory_space<vmem>>)
      %dma_start3A_105 = arith.constant 0 : i32
      %dma_start3A_106 = tpu.memref_slice %arg7[%add3A_98, %dma_start3A_105] : memref<80x128xi32, #tpu.memory_space<vmem>> -> memref<1x128xi32, #tpu.memory_space<vmem>>
      %dma_start3A_107 = tpu.memref_squeeze %dma_start3A_106 : memref<1x128xi32, #tpu.memory_space<vmem>> -> memref<128xi32, #tpu.memory_space<vmem>>
      %dma_start3A_108 = arith.constant 0 : i32
      %dma_start3A_109 = arith.constant 0 : i32
      %dma_start3A_110 = tpu.memref_slice %arg12[%dma_start3A_108, %dma_start3A_109] : memref<10240x16xf32, #tpu.memory_space<vmem_shared>> -> memref<10240x16xf32, #tpu.memory_space<vmem_shared>>
      tpu.enqueue_indirect_dma source(%arg9 : memref<128x16xf32, #tpu.memory_space<vmem>>) target(%dma_start3A_110 : memref<10240x16xf32, #tpu.memory_space<vmem_shared>>) offsets(%dma_start3A_107 : memref<128xi32, #tpu.memory_space<vmem>>) semaphore(%arg18 : memref<!tpu.dma_semaphore, #tpu.memory_space<semaphore_mem>>) {add = true}
      %add3A_111 = arith.constant 3 : i32
      %add3A_112 = arith.addi %add3A_98, %add3A_111 : i32
      %lt3A_113 = arith.constant 80 : i32
      %lt3A_114 = arith.cmpi slt, %add3A_112, %lt3A_113 : i32
      %convert_element_type3A_115 = arith.extui %lt3A_114 : i1 to i32
      %cond3A_116 = arith.constant 0 : i32
      %cond3A_117 = arith.cmpi ne, %convert_element_type3A_115, %cond3A_116 : i32
      scf.if %cond3A_117 {
        %gt3A = arith.constant 0 : i32
        %gt3A_165 = arith.cmpi sgt, %add3A_98, %gt3A : i32
        %convert_element_type3A_166 = arith.extui %gt3A_165 : i1 to i32
        %cond3A_167 = arith.constant 0 : i32
        %cond3A_168 = arith.cmpi ne, %convert_element_type3A_166, %cond3A_167 : i32
        scf.if %cond3A_168 {
          %dma_wait3A_175 = arith.constant 0 : i32
          %dma_wait3A_176 = arith.constant 0 : i32
          %dma_wait3A_177 = tpu.memref_slice %arg7[%dma_wait3A_175, %dma_wait3A_176] : memref<80x128xi32, #tpu.memory_space<vmem>> -> memref<1x128xi32, #tpu.memory_space<vmem>>
          %dma_wait3A_178 = tpu.memref_squeeze %dma_wait3A_177 : memref<1x128xi32, #tpu.memory_space<vmem>> -> memref<128xi32, #tpu.memory_space<vmem>>
          %dma_wait3A_179 = arith.constant 0 : i32
          %dma_wait3A_180 = arith.constant 0 : i32
          %dma_wait3A_181 = tpu.memref_slice %arg12[%dma_wait3A_179, %dma_wait3A_180] : memref<10240x16xf32, #tpu.memory_space<vmem_shared>> -> memref<10240x16xf32, #tpu.memory_space<vmem_shared>>
          tpu.wait_indirect_dma semaphore(%arg17 : memref<!tpu.dma_semaphore, #tpu.memory_space<semaphore_mem>>) src(%arg8 : memref<128x16xf32, #tpu.memory_space<vmem>>) dst(%dma_wait3A_181 : memref<10240x16xf32, #tpu.memory_space<vmem_shared>>)
        } else {
        }
        %dma_start3A_169 = arith.constant 0 : i32
        %dma_start3A_170 = tpu.memref_slice %arg6[%add3A_112, %dma_start3A_169] : memref<80x128xi32, #tpu.memory_space<vmem>> -> memref<1x128xi32, #tpu.memory_space<vmem>>
        %dma_start3A_171 = tpu.memref_squeeze %dma_start3A_170 : memref<1x128xi32, #tpu.memory_space<vmem>> -> memref<128xi32, #tpu.memory_space<vmem>>
        %dma_start3A_172 = arith.constant 0 : i32
        %dma_start3A_173 = arith.constant 0 : i32
        %dma_start3A_174 = tpu.memref_slice %arg2[%dma_start3A_172, %dma_start3A_173] : memref<10000x16xf32, #tpu.memory_space<hbm>> -> memref<10000x16xf32, #tpu.memory_space<hbm>>
        tpu.enqueue_indirect_dma source(%dma_start3A_174 : memref<10000x16xf32, #tpu.memory_space<hbm>>) target(%arg8 : memref<128x16xf32, #tpu.memory_space<vmem>>) offsets(%dma_start3A_171 : memref<128xi32, #tpu.memory_space<vmem>>) semaphore(%arg13 : memref<!tpu.dma_semaphore, #tpu.memory_space<semaphore_mem>>)
      } else {
      }
      %mul3A_118 = arith.constant 4 : i32
      %mul3A_119 = arith.muli %mul3A_118, %scan3A_73 : i32
      %add3A_120 = arith.constant 2 : i32
      %add3A_121 = arith.addi %mul3A_119, %add3A_120 : i32
      %dma_wait3A_122 = arith.constant 0 : i32
      %dma_wait3A_123 = tpu.memref_slice %arg6[%add3A_121, %dma_wait3A_122] : memref<80x128xi32, #tpu.memory_space<vmem>> -> memref<1x128xi32, #tpu.memory_space<vmem>>
      %dma_wait3A_124 = tpu.memref_squeeze %dma_wait3A_123 : memref<1x128xi32, #tpu.memory_space<vmem>> -> memref<128xi32, #tpu.memory_space<vmem>>
      %dma_wait3A_125 = arith.constant 0 : i32
      %dma_wait3A_126 = arith.constant 0 : i32
      %dma_wait3A_127 = tpu.memref_slice %arg2[%dma_wait3A_125, %dma_wait3A_126] : memref<10000x16xf32, #tpu.memory_space<hbm>> -> memref<10000x16xf32, #tpu.memory_space<hbm>>
      tpu.wait_indirect_dma semaphore(%arg15 : memref<!tpu.dma_semaphore, #tpu.memory_space<semaphore_mem>>) src(%dma_wait3A_127 : memref<10000x16xf32, #tpu.memory_space<hbm>>) dst(%arg10 : memref<128x16xf32, #tpu.memory_space<vmem>>)
      %dma_start3A_128 = arith.constant 0 : i32
      %dma_start3A_129 = tpu.memref_slice %arg7[%add3A_121, %dma_start3A_128] : memref<80x128xi32, #tpu.memory_space<vmem>> -> memref<1x128xi32, #tpu.memory_space<vmem>>
      %dma_start3A_130 = tpu.memref_squeeze %dma_start3A_129 : memref<1x128xi32, #tpu.memory_space<vmem>> -> memref<128xi32, #tpu.memory_space<vmem>>
      %dma_start3A_131 = arith.constant 0 : i32
      %dma_start3A_132 = arith.constant 0 : i32
      %dma_start3A_133 = tpu.memref_slice %arg12[%dma_start3A_131, %dma_start3A_132] : memref<10240x16xf32, #tpu.memory_space<vmem_shared>> -> memref<10240x16xf32, #tpu.memory_space<vmem_shared>>
      tpu.enqueue_indirect_dma source(%arg10 : memref<128x16xf32, #tpu.memory_space<vmem>>) target(%dma_start3A_133 : memref<10240x16xf32, #tpu.memory_space<vmem_shared>>) offsets(%dma_start3A_130 : memref<128xi32, #tpu.memory_space<vmem>>) semaphore(%arg19 : memref<!tpu.dma_semaphore, #tpu.memory_space<semaphore_mem>>) {add = true}
      %add3A_134 = arith.constant 3 : i32
      %add3A_135 = arith.addi %add3A_121, %add3A_134 : i32
      %lt3A_136 = arith.constant 80 : i32
      %lt3A_137 = arith.cmpi slt, %add3A_135, %lt3A_136 : i32
      %convert_element_type3A_138 = arith.extui %lt3A_137 : i1 to i32
      %cond3A_139 = arith.constant 0 : i32
      %cond3A_140 = arith.cmpi ne, %convert_element_type3A_138, %cond3A_139 : i32
      scf.if %cond3A_140 {
        %gt3A = arith.constant 0 : i32
        %gt3A_165 = arith.cmpi sgt, %add3A_121, %gt3A : i32
        %convert_element_type3A_166 = arith.extui %gt3A_165 : i1 to i32
        %cond3A_167 = arith.constant 0 : i32
        %cond3A_168 = arith.cmpi ne, %convert_element_type3A_166, %cond3A_167 : i32
        scf.if %cond3A_168 {
          %dma_wait3A_175 = arith.constant 0 : i32
          %dma_wait3A_176 = arith.constant 0 : i32
          %dma_wait3A_177 = tpu.memref_slice %arg7[%dma_wait3A_175, %dma_wait3A_176] : memref<80x128xi32, #tpu.memory_space<vmem>> -> memref<1x128xi32, #tpu.memory_space<vmem>>
          %dma_wait3A_178 = tpu.memref_squeeze %dma_wait3A_177 : memref<1x128xi32, #tpu.memory_space<vmem>> -> memref<128xi32, #tpu.memory_space<vmem>>
          %dma_wait3A_179 = arith.constant 0 : i32
          %dma_wait3A_180 = arith.constant 0 : i32
          %dma_wait3A_181 = tpu.memref_slice %arg12[%dma_wait3A_179, %dma_wait3A_180] : memref<10240x16xf32, #tpu.memory_space<vmem_shared>> -> memref<10240x16xf32, #tpu.memory_space<vmem_shared>>
          tpu.wait_indirect_dma semaphore(%arg18 : memref<!tpu.dma_semaphore, #tpu.memory_space<semaphore_mem>>) src(%arg9 : memref<128x16xf32, #tpu.memory_space<vmem>>) dst(%dma_wait3A_181 : memref<10240x16xf32, #tpu.memory_space<vmem_shared>>)
        } else {
        }
        %dma_start3A_169 = arith.constant 0 : i32
        %dma_start3A_170 = tpu.memref_slice %arg6[%add3A_135, %dma_start3A_169] : memref<80x128xi32, #tpu.memory_space<vmem>> -> memref<1x128xi32, #tpu.memory_space<vmem>>
        %dma_start3A_171 = tpu.memref_squeeze %dma_start3A_170 : memref<1x128xi32, #tpu.memory_space<vmem>> -> memref<128xi32, #tpu.memory_space<vmem>>
        %dma_start3A_172 = arith.constant 0 : i32
        %dma_start3A_173 = arith.constant 0 : i32
        %dma_start3A_174 = tpu.memref_slice %arg2[%dma_start3A_172, %dma_start3A_173] : memref<10000x16xf32, #tpu.memory_space<hbm>> -> memref<10000x16xf32, #tpu.memory_space<hbm>>
        tpu.enqueue_indirect_dma source(%dma_start3A_174 : memref<10000x16xf32, #tpu.memory_space<hbm>>) target(%arg9 : memref<128x16xf32, #tpu.memory_space<vmem>>) offsets(%dma_start3A_171 : memref<128xi32, #tpu.memory_space<vmem>>) semaphore(%arg14 : memref<!tpu.dma_semaphore, #tpu.memory_space<semaphore_mem>>)
      } else {
      }
      %mul3A_141 = arith.constant 4 : i32
      %mul3A_142 = arith.muli %mul3A_141, %scan3A_73 : i32
      %add3A_143 = arith.constant 3 : i32
      %add3A_144 = arith.addi %mul3A_142, %add3A_143 : i32
      %dma_wait3A_145 = arith.constant 0 : i32
      %dma_wait3A_146 = tpu.memref_slice %arg6[%add3A_144, %dma_wait3A_145] : memref<80x128xi32, #tpu.memory_space<vmem>> -> memref<1x128xi32, #tpu.memory_space<vmem>>
      %dma_wait3A_147 = tpu.memref_squeeze %dma_wait3A_146 : memref<1x128xi32, #tpu.memory_space<vmem>> -> memref<128xi32, #tpu.memory_space<vmem>>
      %dma_wait3A_148 = arith.constant 0 : i32
      %dma_wait3A_149 = arith.constant 0 : i32
      %dma_wait3A_150 = tpu.memref_slice %arg2[%dma_wait3A_148, %dma_wait3A_149] : memref<10000x16xf32, #tpu.memory_space<hbm>> -> memref<10000x16xf32, #tpu.memory_space<hbm>>
      tpu.wait_indirect_dma semaphore(%arg16 : memref<!tpu.dma_semaphore, #tpu.memory_space<semaphore_mem>>) src(%dma_wait3A_150 : memref<10000x16xf32, #tpu.memory_space<hbm>>) dst(%arg11 : memref<128x16xf32, #tpu.memory_space<vmem>>)
      %dma_start3A_151 = arith.constant 0 : i32
      %dma_start3A_152 = tpu.memref_slice %arg7[%add3A_144, %dma_start3A_151] : memref<80x128xi32, #tpu.memory_space<vmem>> -> memref<1x128xi32, #tpu.memory_space<vmem>>
      %dma_start3A_153 = tpu.memref_squeeze %dma_start3A_152 : memref<1x128xi32, #tpu.memory_space<vmem>> -> memref<128xi32, #tpu.memory_space<vmem>>
      %dma_start3A_154 = arith.constant 0 : i32
      %dma_start3A_155 = arith.constant 0 : i32
      %dma_start3A_156 = tpu.memref_slice %arg12[%dma_start3A_154, %dma_start3A_155] : memref<10240x16xf32, #tpu.memory_space<vmem_shared>> -> memref<10240x16xf32, #tpu.memory_space<vmem_shared>>
      tpu.enqueue_indirect_dma source(%arg11 : memref<128x16xf32, #tpu.memory_space<vmem>>) target(%dma_start3A_156 : memref<10240x16xf32, #tpu.memory_space<vmem_shared>>) offsets(%dma_start3A_153 : memref<128xi32, #tpu.memory_space<vmem>>) semaphore(%arg20 : memref<!tpu.dma_semaphore, #tpu.memory_space<semaphore_mem>>) {add = true}
      %add3A_157 = arith.constant 3 : i32
      %add3A_158 = arith.addi %add3A_144, %add3A_157 : i32
      %lt3A_159 = arith.constant 80 : i32
      %lt3A_160 = arith.cmpi slt, %add3A_158, %lt3A_159 : i32
      %convert_element_type3A_161 = arith.extui %lt3A_160 : i1 to i32
      %cond3A_162 = arith.constant 0 : i32
      %cond3A_163 = arith.cmpi ne, %convert_element_type3A_161, %cond3A_162 : i32
      scf.if %cond3A_163 {
        %gt3A = arith.constant 0 : i32
        %gt3A_165 = arith.cmpi sgt, %add3A_144, %gt3A : i32
        %convert_element_type3A_166 = arith.extui %gt3A_165 : i1 to i32
        %cond3A_167 = arith.constant 0 : i32
        %cond3A_168 = arith.cmpi ne, %convert_element_type3A_166, %cond3A_167 : i32
        scf.if %cond3A_168 {
          %dma_wait3A_175 = arith.constant 0 : i32
          %dma_wait3A_176 = arith.constant 0 : i32
          %dma_wait3A_177 = tpu.memref_slice %arg7[%dma_wait3A_175, %dma_wait3A_176] : memref<80x128xi32, #tpu.memory_space<vmem>> -> memref<1x128xi32, #tpu.memory_space<vmem>>
          %dma_wait3A_178 = tpu.memref_squeeze %dma_wait3A_177 : memref<1x128xi32, #tpu.memory_space<vmem>> -> memref<128xi32, #tpu.memory_space<vmem>>
          %dma_wait3A_179 = arith.constant 0 : i32
          %dma_wait3A_180 = arith.constant 0 : i32
          %dma_wait3A_181 = tpu.memref_slice %arg12[%dma_wait3A_179, %dma_wait3A_180] : memref<10240x16xf32, #tpu.memory_space<vmem_shared>> -> memref<10240x16xf32, #tpu.memory_space<vmem_shared>>
          tpu.wait_indirect_dma semaphore(%arg19 : memref<!tpu.dma_semaphore, #tpu.memory_space<semaphore_mem>>) src(%arg10 : memref<128x16xf32, #tpu.memory_space<vmem>>) dst(%dma_wait3A_181 : memref<10240x16xf32, #tpu.memory_space<vmem_shared>>)
        } else {
        }
        %dma_start3A_169 = arith.constant 0 : i32
        %dma_start3A_170 = tpu.memref_slice %arg6[%add3A_158, %dma_start3A_169] : memref<80x128xi32, #tpu.memory_space<vmem>> -> memref<1x128xi32, #tpu.memory_space<vmem>>
        %dma_start3A_171 = tpu.memref_squeeze %dma_start3A_170 : memref<1x128xi32, #tpu.memory_space<vmem>> -> memref<128xi32, #tpu.memory_space<vmem>>
        %dma_start3A_172 = arith.constant 0 : i32
        %dma_start3A_173 = arith.constant 0 : i32
        %dma_start3A_174 = tpu.memref_slice %arg2[%dma_start3A_172, %dma_start3A_173] : memref<10000x16xf32, #tpu.memory_space<hbm>> -> memref<10000x16xf32, #tpu.memory_space<hbm>>
        tpu.enqueue_indirect_dma source(%dma_start3A_174 : memref<10000x16xf32, #tpu.memory_space<hbm>>) target(%arg10 : memref<128x16xf32, #tpu.memory_space<vmem>>) offsets(%dma_start3A_171 : memref<128xi32, #tpu.memory_space<vmem>>) semaphore(%arg15 : memref<!tpu.dma_semaphore, #tpu.memory_space<semaphore_mem>>)
      } else {
      }
      %scan3A_164 = arith.constant 0 : i32
      scf.yield %scan3A_164 : i32
    }
    %scan3A_40 = arith.constant 20 : i32
    %dma_wait3A = arith.constant 0 : i32
    %dma_wait3A_41 = arith.constant 0 : i32
    %dma_wait3A_42 = tpu.memref_slice %arg7[%dma_wait3A, %dma_wait3A_41] : memref<80x128xi32, #tpu.memory_space<vmem>> -> memref<1x128xi32, #tpu.memory_space<vmem>>
    %dma_wait3A_43 = tpu.memref_squeeze %dma_wait3A_42 : memref<1x128xi32, #tpu.memory_space<vmem>> -> memref<128xi32, #tpu.memory_space<vmem>>
    %dma_wait3A_44 = arith.constant 0 : i32
    %dma_wait3A_45 = arith.constant 0 : i32
    %dma_wait3A_46 = tpu.memref_slice %arg12[%dma_wait3A_44, %dma_wait3A_45] : memref<10240x16xf32, #tpu.memory_space<vmem_shared>> -> memref<10240x16xf32, #tpu.memory_space<vmem_shared>>
    tpu.wait_indirect_dma semaphore(%arg17 : memref<!tpu.dma_semaphore, #tpu.memory_space<semaphore_mem>>) src(%arg8 : memref<128x16xf32, #tpu.memory_space<vmem>>) dst(%dma_wait3A_46 : memref<10240x16xf32, #tpu.memory_space<vmem_shared>>)
    %dma_wait3A_47 = arith.constant 0 : i32
    %dma_wait3A_48 = arith.constant 0 : i32
    %dma_wait3A_49 = tpu.memref_slice %arg7[%dma_wait3A_47, %dma_wait3A_48] : memref<80x128xi32, #tpu.memory_space<vmem>> -> memref<1x128xi32, #tpu.memory_space<vmem>>
    %dma_wait3A_50 = tpu.memref_squeeze %dma_wait3A_49 : memref<1x128xi32, #tpu.memory_space<vmem>> -> memref<128xi32, #tpu.memory_space<vmem>>
    %dma_wait3A_51 = arith.constant 0 : i32
    %dma_wait3A_52 = arith.constant 0 : i32
    %dma_wait3A_53 = tpu.memref_slice %arg12[%dma_wait3A_51, %dma_wait3A_52] : memref<10240x16xf32, #tpu.memory_space<vmem_shared>> -> memref<10240x16xf32, #tpu.memory_space<vmem_shared>>
    tpu.wait_indirect_dma semaphore(%arg18 : memref<!tpu.dma_semaphore, #tpu.memory_space<semaphore_mem>>) src(%arg9 : memref<128x16xf32, #tpu.memory_space<vmem>>) dst(%dma_wait3A_53 : memref<10240x16xf32, #tpu.memory_space<vmem_shared>>)
    %dma_wait3A_54 = arith.constant 0 : i32
    %dma_wait3A_55 = arith.constant 0 : i32
    %dma_wait3A_56 = tpu.memref_slice %arg7[%dma_wait3A_54, %dma_wait3A_55] : memref<80x128xi32, #tpu.memory_space<vmem>> -> memref<1x128xi32, #tpu.memory_space<vmem>>
    %dma_wait3A_57 = tpu.memref_squeeze %dma_wait3A_56 : memref<1x128xi32, #tpu.memory_space<vmem>> -> memref<128xi32, #tpu.memory_space<vmem>>
    %dma_wait3A_58 = arith.constant 0 : i32
    %dma_wait3A_59 = arith.constant 0 : i32
    %dma_wait3A_60 = tpu.memref_slice %arg12[%dma_wait3A_58, %dma_wait3A_59] : memref<10240x16xf32, #tpu.memory_space<vmem_shared>> -> memref<10240x16xf32, #tpu.memory_space<vmem_shared>>
    tpu.wait_indirect_dma semaphore(%arg19 : memref<!tpu.dma_semaphore, #tpu.memory_space<semaphore_mem>>) src(%arg10 : memref<128x16xf32, #tpu.memory_space<vmem>>) dst(%dma_wait3A_60 : memref<10240x16xf32, #tpu.memory_space<vmem_shared>>)
    %dma_wait3A_61 = arith.constant 0 : i32
    %dma_wait3A_62 = arith.constant 0 : i32
    %dma_wait3A_63 = tpu.memref_slice %arg7[%dma_wait3A_61, %dma_wait3A_62] : memref<80x128xi32, #tpu.memory_space<vmem>> -> memref<1x128xi32, #tpu.memory_space<vmem>>
    %dma_wait3A_64 = tpu.memref_squeeze %dma_wait3A_63 : memref<1x128xi32, #tpu.memory_space<vmem>> -> memref<128xi32, #tpu.memory_space<vmem>>
    %dma_wait3A_65 = arith.constant 0 : i32
    %dma_wait3A_66 = arith.constant 0 : i32
    %dma_wait3A_67 = tpu.memref_slice %arg12[%dma_wait3A_65, %dma_wait3A_66] : memref<10240x16xf32, #tpu.memory_space<vmem_shared>> -> memref<10240x16xf32, #tpu.memory_space<vmem_shared>>
    tpu.wait_indirect_dma semaphore(%arg20 : memref<!tpu.dma_semaphore, #tpu.memory_space<semaphore_mem>>) src(%arg11 : memref<128x16xf32, #tpu.memory_space<vmem>>) dst(%dma_wait3A_67 : memref<10240x16xf32, #tpu.memory_space<vmem_shared>>)
    %barrier3A_68 = arith.constant 0 : index
    tpu.barrier barrier_id(%barrier3A_68)
    %mul3A_69 = arith.constant 640 : i32
    %mul3A_70 = arith.muli %arg1, %mul3A_69 : i32
    %mul3A_71 = arith.constant 640 : i32
    %mul3A_72 = arith.muli %arg1, %mul3A_71 : i32
    "tpu.region"() ({
      %run_scoped3A = tpu.sem_alloc : memref<!tpu.dma_semaphore, #tpu.memory_space<semaphore_mem>>
      %dma_start3A_73 = arith.constant 0 : i32
      %dma_start3A_74 = tpu.memref_slice %arg5[%arg0, %mul3A_72, %dma_start3A_73] : memref<2x10240x16xf32, #tpu.memory_space<hbm>> -> memref<1x640x16xf32, #tpu.memory_space<hbm>>
      %dma_start3A_75 = tpu.memref_squeeze %dma_start3A_74 : memref<1x640x16xf32, #tpu.memory_space<hbm>> -> memref<640x16xf32, #tpu.memory_space<hbm>>
      %dma_start3A_76 = arith.constant 0 : i32
      %dma_start3A_77 = tpu.memref_slice %arg12[%mul3A_70, %dma_start3A_76] : memref<10240x16xf32, #tpu.memory_space<vmem_shared>> -> memref<640x16xf32, #tpu.memory_space<vmem_shared>>
      tpu.enqueue_dma source(%dma_start3A_77 : memref<640x16xf32, #tpu.memory_space<vmem_shared>>) target(%dma_start3A_75 : memref<640x16xf32, #tpu.memory_space<hbm>>) target_semaphore(%run_scoped3A : memref<!tpu.dma_semaphore, #tpu.memory_space<semaphore_mem>>)
      %dma_wait3A_78 = arith.constant 0 : i32
      %dma_wait3A_79 = tpu.memref_slice %arg5[%arg0, %mul3A_72, %dma_wait3A_78] : memref<2x10240x16xf32, #tpu.memory_space<hbm>> -> memref<1x640x16xf32, #tpu.memory_space<hbm>>
      %dma_wait3A_80 = tpu.memref_squeeze %dma_wait3A_79 : memref<1x640x16xf32, #tpu.memory_space<hbm>> -> memref<640x16xf32, #tpu.memory_space<hbm>>
      %dma_wait3A_81 = arith.constant 0 : i32
      %dma_wait3A_82 = tpu.memref_slice %arg12[%mul3A_70, %dma_wait3A_81] : memref<10240x16xf32, #tpu.memory_space<vmem_shared>> -> memref<640x16xf32, #tpu.memory_space<vmem_shared>>
      tpu.wait_dma2 semaphore(%run_scoped3A : memref<!tpu.dma_semaphore, #tpu.memory_space<semaphore_mem>>) src(%dma_wait3A_82 : memref<640x16xf32, #tpu.memory_space<vmem_shared>>) dst(%dma_wait3A_80 : memref<640x16xf32, #tpu.memory_space<hbm>>)
      tpu.yield
    }) : () -> ()
    return
  }
}

#map = affine_map<(d0, d1) -> (0)>
module attributes {stable_mosaic.version = 14 : i64} {
  func.func @_score_body(%arg0: i32, %arg1: i32, %arg2: memref<10000xf32, #tpu.memory_space<hbm>>, %arg3: memref<10000xf32, #tpu.memory_space<hbm>>, %arg4: memref<65536xi32, #tpu.memory_space<hbm>>, %arg5: memref<65536xi32, #tpu.memory_space<hbm>>, %arg6: memref<65536xf32, #tpu.memory_space<hbm>>, %arg7: memref<10000xf32, #tpu.memory_space<vmem>>, %arg8: memref<10000xf32, #tpu.memory_space<vmem>>, %arg9: memref<2048xi32, #tpu.memory_space<vmem>>, %arg10: memref<2048xi32, #tpu.memory_space<vmem>>, %arg11: memref<2048xf32, #tpu.memory_space<vmem>>) attributes {dimension_semantics = [#tpu.dimension_semantics<core_parallel>, #tpu.dimension_semantics<subcore_parallel>], iteration_bounds = array<i64: 2, 16>, scalar_prefetch = 0 : i64, scratch_operands = 5 : i64, tpu.core_type = #tpu.core_type<sc_vector_subcore>, window_params = [{transform_indices = #map}, {transform_indices = #map}, {transform_indices = #map}, {transform_indices = #map}, {transform_indices = #map}]} {
    %mul3A = arith.constant 16 : i32
    %mul3A_0 = arith.muli %arg0, %mul3A : i32
    %add3A = arith.addi %mul3A_0, %arg1 : i32
    %mul3A_1 = arith.constant 2048 : i32
    %mul3A_2 = arith.muli %add3A, %mul3A_1 : i32
    %multiple_of3A = tpu.assume_multiple %mul3A_2, 8 : i32
    "tpu.region"() ({
      %run_scoped3A = tpu.sem_alloc : memref<!tpu.dma_semaphore, #tpu.memory_space<semaphore_mem>>
      tpu.enqueue_dma source(%arg2 : memref<10000xf32, #tpu.memory_space<hbm>>) target(%arg7 : memref<10000xf32, #tpu.memory_space<vmem>>) target_semaphore(%run_scoped3A : memref<!tpu.dma_semaphore, #tpu.memory_space<semaphore_mem>>)
      tpu.wait_dma2 semaphore(%run_scoped3A : memref<!tpu.dma_semaphore, #tpu.memory_space<semaphore_mem>>) src(%arg2 : memref<10000xf32, #tpu.memory_space<hbm>>) dst(%arg7 : memref<10000xf32, #tpu.memory_space<vmem>>)
      tpu.yield
    }) : () -> ()
    "tpu.region"() ({
      %run_scoped3A = tpu.sem_alloc : memref<!tpu.dma_semaphore, #tpu.memory_space<semaphore_mem>>
      tpu.enqueue_dma source(%arg3 : memref<10000xf32, #tpu.memory_space<hbm>>) target(%arg8 : memref<10000xf32, #tpu.memory_space<vmem>>) target_semaphore(%run_scoped3A : memref<!tpu.dma_semaphore, #tpu.memory_space<semaphore_mem>>)
      tpu.wait_dma2 semaphore(%run_scoped3A : memref<!tpu.dma_semaphore, #tpu.memory_space<semaphore_mem>>) src(%arg3 : memref<10000xf32, #tpu.memory_space<hbm>>) dst(%arg8 : memref<10000xf32, #tpu.memory_space<vmem>>)
      tpu.yield
    }) : () -> ()
    "tpu.region"() ({
      %run_scoped3A = tpu.sem_alloc : memref<!tpu.dma_semaphore, #tpu.memory_space<semaphore_mem>>
      %dma_start3A = tpu.memref_slice %arg4[%multiple_of3A] : memref<65536xi32, #tpu.memory_space<hbm>> -> memref<2048xi32, #tpu.memory_space<hbm>>
      %dma_start3A_9 = tpu.memref_slice %arg4[%multiple_of3A] : memref<65536xi32, #tpu.memory_space<hbm>> -> memref<2048xi32, #tpu.memory_space<hbm>>
      tpu.enqueue_dma source(%dma_start3A_9 : memref<2048xi32, #tpu.memory_space<hbm>>) target(%arg9 : memref<2048xi32, #tpu.memory_space<vmem>>) target_semaphore(%run_scoped3A : memref<!tpu.dma_semaphore, #tpu.memory_space<semaphore_mem>>)
      %dma_wait3A = tpu.memref_slice %arg4[%multiple_of3A] : memref<65536xi32, #tpu.memory_space<hbm>> -> memref<2048xi32, #tpu.memory_space<hbm>>
      %dma_wait3A_10 = tpu.memref_slice %arg4[%multiple_of3A] : memref<65536xi32, #tpu.memory_space<hbm>> -> memref<2048xi32, #tpu.memory_space<hbm>>
      tpu.wait_dma2 semaphore(%run_scoped3A : memref<!tpu.dma_semaphore, #tpu.memory_space<semaphore_mem>>) src(%dma_wait3A_10 : memref<2048xi32, #tpu.memory_space<hbm>>) dst(%arg9 : memref<2048xi32, #tpu.memory_space<vmem>>)
      tpu.yield
    }) : () -> ()
    "tpu.region"() ({
      %run_scoped3A = tpu.sem_alloc : memref<!tpu.dma_semaphore, #tpu.memory_space<semaphore_mem>>
      %dma_start3A = tpu.memref_slice %arg5[%multiple_of3A] : memref<65536xi32, #tpu.memory_space<hbm>> -> memref<2048xi32, #tpu.memory_space<hbm>>
      %dma_start3A_9 = tpu.memref_slice %arg5[%multiple_of3A] : memref<65536xi32, #tpu.memory_space<hbm>> -> memref<2048xi32, #tpu.memory_space<hbm>>
      tpu.enqueue_dma source(%dma_start3A_9 : memref<2048xi32, #tpu.memory_space<hbm>>) target(%arg10 : memref<2048xi32, #tpu.memory_space<vmem>>) target_semaphore(%run_scoped3A : memref<!tpu.dma_semaphore, #tpu.memory_space<semaphore_mem>>)
      %dma_wait3A = tpu.memref_slice %arg5[%multiple_of3A] : memref<65536xi32, #tpu.memory_space<hbm>> -> memref<2048xi32, #tpu.memory_space<hbm>>
      %dma_wait3A_10 = tpu.memref_slice %arg5[%multiple_of3A] : memref<65536xi32, #tpu.memory_space<hbm>> -> memref<2048xi32, #tpu.memory_space<hbm>>
      tpu.wait_dma2 semaphore(%run_scoped3A : memref<!tpu.dma_semaphore, #tpu.memory_space<semaphore_mem>>) src(%dma_wait3A_10 : memref<2048xi32, #tpu.memory_space<hbm>>) dst(%arg10 : memref<2048xi32, #tpu.memory_space<vmem>>)
      tpu.yield
    }) : () -> ()
    %scan3A = arith.constant 0 : i32
    %scan3A_3 = arith.constant 0 : i32
    %scan3A_4 = arith.constant 128 : i32
    %scan3A_5 = arith.addi %scan3A_3, %scan3A_4 : i32
    %scan3A_6 = arith.constant 1 : i32
    %scan3A_7 = scf.for %scan3A_9 = %scan3A_3 to %scan3A_5 step %scan3A_6 iter_args(%scan3A_10 = %scan3A) -> (i32)  : i32 {
      %mul3A_11 = arith.constant 16 : i32
      %mul3A_12 = arith.muli %scan3A_9, %mul3A_11 : i32
      %get3A = arith.index_cast %mul3A_12 : i32 to index
      %get3A_13 = tpu.vector_load %arg9[%get3A] {strides = array<i32>} : memref<2048xi32, #tpu.memory_space<vmem>>, vector<16xi32>,
      %mul3A_14 = arith.constant 16 : i32
      %mul3A_15 = arith.muli %scan3A_9, %mul3A_14 : i32
      %get3A_16 = arith.index_cast %mul3A_15 : i32 to index
      %get3A_17 = tpu.vector_load %arg10[%get3A_16] {strides = array<i32>} : memref<2048xi32, #tpu.memory_space<vmem>>, vector<16xi32>,
      %gather3A = tpu.vector_load_idx %arg7[%get3A_13] : memref<10000xf32, #tpu.memory_space<vmem>>[vector<16xi32>], vector<16xf32>,
      %gather3A_18 = tpu.vector_load_idx %arg8[%get3A_17] : memref<10000xf32, #tpu.memory_space<vmem>>[vector<16xi32>], vector<16xf32>,
      %add3A_19 = arith.addf %gather3A, %gather3A_18 : vector<16xf32>
      %mul3A_20 = arith.constant 16 : i32
      %mul3A_21 = arith.muli %scan3A_9, %mul3A_20 : i32
      %swap3A = arith.index_cast %mul3A_21 : i32 to index
      %swap3A_22 = tpu.vector_load %arg11[%swap3A] {strides = array<i32>} : memref<2048xf32, #tpu.memory_space<vmem>>, vector<16xf32>,
      tpu.vector_store %arg11[%swap3A], %add3A_19 {strides = array<i32>} : memref<2048xf32, #tpu.memory_space<vmem>>, vector<16xf32>,
      %scan3A_23 = arith.constant 0 : i32
      scf.yield %scan3A_23 : i32
    }
    %scan3A_8 = arith.constant 128 : i32
    "tpu.region"() ({
      %run_scoped3A = tpu.sem_alloc : memref<!tpu.dma_semaphore, #tpu.memory_space<semaphore_mem>>
      %dma_start3A = tpu.memref_slice %arg6[%multiple_of3A] : memref<65536xf32, #tpu.memory_space<hbm>> -> memref<2048xf32, #tpu.memory_space<hbm>>
      %dma_start3A_9 = tpu.memref_slice %arg6[%multiple_of3A] : memref<65536xf32, #tpu.memory_space<hbm>> -> memref<2048xf32, #tpu.memory_space<hbm>>
      tpu.enqueue_dma source(%arg11 : memref<2048xf32, #tpu.memory_space<vmem>>) target(%dma_start3A_9 : memref<2048xf32, #tpu.memory_space<hbm>>) target_semaphore(%run_scoped3A : memref<!tpu.dma_semaphore, #tpu.memory_space<semaphore_mem>>)
      %dma_wait3A = tpu.memref_slice %arg6[%multiple_of3A] : memref<65536xf32, #tpu.memory_space<hbm>> -> memref<2048xf32, #tpu.memory_space<hbm>>
      %dma_wait3A_10 = tpu.memref_slice %arg6[%multiple_of3A] : memref<65536xf32, #tpu.memory_space<hbm>> -> memref<2048xf32, #tpu.memory_space<hbm>>
      tpu.wait_dma2 semaphore(%run_scoped3A : memref<!tpu.dma_semaphore, #tpu.memory_space<semaphore_mem>>) src(%arg11 : memref<2048xf32, #tpu.memory_space<vmem>>) dst(%dma_wait3A_10 : memref<2048xf32, #tpu.memory_space<hbm>>)
      tpu.yield
    }) : () -> ()
    return
  }
}

module attributes {stable_mosaic.version = 14 : i64} {
  func.func @_layer1_tc(%arg0: i32, %arg1: memref<2x1000x128xf32, #tpu.memory_space<vmem>>, %arg2: memref<1000x1xf32, #tpu.memory_space<vmem>>, %arg3: memref<1000x1xf32, #tpu.memory_space<vmem>>, %arg4: memref<1000x128xf32, #tpu.memory_space<vmem>>, %arg5: memref<128x128xf32, #tpu.memory_space<vmem>>, %arg6: memref<128x128xf32, #tpu.memory_space<vmem>>, %arg7: memref<1x128xf32, #tpu.memory_space<vmem>>, %arg8: memref<128x128xf32, #tpu.memory_space<vmem>>, %arg9: memref<128x16xf32, #tpu.memory_space<vmem>>, %arg10: memref<1000x128xf32, #tpu.memory_space<vmem>>, %arg11: memref<1000x16xf32, #tpu.memory_space<vmem>>) attributes {dimension_semantics = [#tpu.dimension_semantics<arbitrary>], iteration_bounds = array<i64: 10>, scalar_prefetch = 0 : i64, scratch_operands = 0 : i64, tpu.core_type = #tpu.core_type<tc>, window_params = [{transform_indices = @transform_0, window_bounds = array<i64: 2, 1000, 128>}, {transform_indices = @transform_1, window_bounds = array<i64: 1000, 1>}, {transform_indices = @transform_2, window_bounds = array<i64: 1000, 1>}, {transform_indices = @transform_3, window_bounds = array<i64: 1000, 128>}, {pipeline_mode = #tpu.pipeline_mode<synchronous>, transform_indices = @transform_4, window_bounds = array<i64: 128, 128>}, {pipeline_mode = #tpu.pipeline_mode<synchronous>, transform_indices = @transform_5, window_bounds = array<i64: 128, 128>}, {pipeline_mode = #tpu.pipeline_mode<synchronous>, transform_indices = @transform_6, window_bounds = array<i64: 1, 128>}, {pipeline_mode = #tpu.pipeline_mode<synchronous>, transform_indices = @transform_7, window_bounds = array<i64: 128, 128>}, {pipeline_mode = #tpu.pipeline_mode<synchronous>, transform_indices = @transform_8, window_bounds = array<i64: 128, 16>}, {transform_indices = @transform_9, window_bounds = array<i64: 1000, 128>}, {transform_indices = @transform_10, window_bounds = array<i64: 1000, 16>}]} {
    %get3A = arith.constant 0 : index
    %get3A_0 = arith.constant 0 : index
    %get3A_1 = vector.load %arg2[%get3A, %get3A_0] : memref<1000x1xf32, #tpu.memory_space<vmem>>, vector<1000x1xf32>
    %get3A_2 = arith.constant 0 : index
    %get3A_3 = arith.constant 0 : index
    %get3A_4 = vector.load %arg3[%get3A_2, %get3A_3] : memref<1000x1xf32, #tpu.memory_space<vmem>>, vector<1000x1xf32>
    %add3A = arith.addf %get3A_1, %get3A_4 : vector<1000x1xf32>
    %max3A = arith.constant 1.000000e+00 : f32
    %max3A_5 = vector.broadcast %max3A : f32 to vector<1000x1xf32>
    %max3A_6 = arith.maximumf %add3A, %max3A_5 : vector<1000x1xf32>
    %get3A_7 = arith.constant 0 : index
    %get3A_8 = arith.constant 0 : index
    %get3A_9 = arith.constant 0 : index
    %get3A_10 = vector.load %arg1[%get3A_7, %get3A_8, %get3A_9] : memref<2x1000x128xf32, #tpu.memory_space<vmem>>, vector<1x1000x128xf32>
    %get3A_11 = vector.shape_cast %get3A_10 : vector<1x1000x128xf32> to vector<1000x128xf32>
    %get3A_12 = arith.constant 1 : index
    %get3A_13 = arith.constant 0 : index
    %get3A_14 = arith.constant 0 : index
    %get3A_15 = vector.load %arg1[%get3A_12, %get3A_13, %get3A_14] : memref<2x1000x128xf32, #tpu.memory_space<vmem>>, vector<1x1000x128xf32>
    %get3A_16 = vector.shape_cast %get3A_15 : vector<1x1000x128xf32> to vector<1000x128xf32>
    %add3A_17 = arith.addf %get3A_11, %get3A_16 : vector<1000x128xf32>
    %div3A = vector.broadcast %max3A_6 : vector<1000x1xf32> to vector<1000x128xf32>
    %div3A_18 = arith.divf %add3A_17, %div3A : vector<1000x128xf32>
    %get3A_19 = arith.constant 0 : index
    %get3A_20 = arith.constant 0 : index
    %get3A_21 = vector.load %arg5[%get3A_19, %get3A_20] : memref<128x128xf32, #tpu.memory_space<vmem>>, vector<128x128xf32>
    %dot_general3A = arith.constant dense<0.000000e+00> : vector<1000x128xf32>
    %dot_general3A_22 = tpu.matmul %div3A_18, %get3A_21, %dot_general3A {dimension_numbers = #tpu.dot_dimension_numbers<[1], [1], [0], [0], [0, 0, 1, 0], [], []>, transpose_lhs_hint = false} : vector<1000x128xf32>, vector<128x128xf32>, vector<1000x128xf32> -> vector<1000x128xf32>
    %get3A_23 = arith.constant 0 : index
    %get3A_24 = arith.constant 0 : index
    %get3A_25 = vector.load %arg4[%get3A_23, %get3A_24] : memref<1000x128xf32, #tpu.memory_space<vmem>>, vector<1000x128xf32>
    %get3A_26 = arith.constant 0 : index
    %get3A_27 = arith.constant 0 : index
    %get3A_28 = vector.load %arg6[%get3A_26, %get3A_27] : memref<128x128xf32, #tpu.memory_space<vmem>>, vector<128x128xf32>
    %dot_general3A_29 = arith.constant dense<0.000000e+00> : vector<1000x128xf32>
    %dot_general3A_30 = tpu.matmul %get3A_25, %get3A_28, %dot_general3A_29 {dimension_numbers = #tpu.dot_dimension_numbers<[1], [1], [0], [0], [0, 0, 1, 0], [], []>, transpose_lhs_hint = false} : vector<1000x128xf32>, vector<128x128xf32>, vector<1000x128xf32> -> vector<1000x128xf32>
    %add3A_31 = arith.addf %dot_general3A_22, %dot_general3A_30 : vector<1000x128xf32>
    %get3A_32 = arith.constant 0 : index
    %get3A_33 = arith.constant 0 : index
    %get3A_34 = vector.load %arg7[%get3A_32, %get3A_33] : memref<1x128xf32, #tpu.memory_space<vmem>>, vector<1x128xf32>
    %add3A_35 = vector.broadcast %get3A_34 : vector<1x128xf32> to vector<1000x128xf32>
    %add3A_36 = arith.addf %add3A_31, %add3A_35 : vector<1000x128xf32>
    %max3A_37 = arith.constant 0.000000e+00 : f32
    %max3A_38 = vector.broadcast %max3A_37 : f32 to vector<1000x128xf32>
    %max3A_39 = arith.maximumf %add3A_36, %max3A_38 : vector<1000x128xf32>
    %swap3A = arith.constant 0 : index
    %swap3A_40 = arith.constant 0 : index
    %swap3A_41 = vector.load %arg10[%swap3A, %swap3A_40] : memref<1000x128xf32, #tpu.memory_space<vmem>>, vector<1000x128xf32>
    tpu.vector_store %arg10[%swap3A, %swap3A_40], %max3A_39 {strides = array<i32>} : memref<1000x128xf32, #tpu.memory_space<vmem>>, vector<1000x128xf32>,
    %get3A_42 = arith.constant 0 : index
    %get3A_43 = arith.constant 0 : index
    %get3A_44 = vector.load %arg8[%get3A_42, %get3A_43] : memref<128x128xf32, #tpu.memory_space<vmem>>, vector<128x128xf32>
    %get3A_45 = arith.constant 0 : index
    %get3A_46 = arith.constant 0 : index
    %get3A_47 = vector.load %arg9[%get3A_45, %get3A_46] : memref<128x16xf32, #tpu.memory_space<vmem>>, vector<128x16xf32>
    %dot_general3A_48 = arith.constant dense<0.000000e+00> : vector<128x16xf32>
    %dot_general3A_49 = tpu.matmul %get3A_44, %get3A_47, %dot_general3A_48 {dimension_numbers = #tpu.dot_dimension_numbers<[0], [0], [1], [1], [0, 1, 1, 1], [], []>, transpose_lhs_hint = false} : vector<128x128xf32>, vector<128x16xf32>, vector<128x16xf32> -> vector<128x16xf32>
    %dot_general3A_50 = arith.constant dense<0.000000e+00> : vector<1000x16xf32>
    %dot_general3A_51 = tpu.matmul %max3A_39, %dot_general3A_49, %dot_general3A_50 {dimension_numbers = #tpu.dot_dimension_numbers<[1], [0], [0], [1], [0, 0, 1, 1], [], []>, transpose_lhs_hint = false} : vector<1000x128xf32>, vector<128x16xf32>, vector<1000x16xf32> -> vector<1000x16xf32>
    %swap3A_52 = arith.constant 0 : index
    %swap3A_53 = arith.constant 0 : index
    %swap3A_54 = vector.load %arg11[%swap3A_52, %swap3A_53] : memref<1000x16xf32, #tpu.memory_space<vmem>>, vector<1000x16xf32>
    tpu.vector_store %arg11[%swap3A_52, %swap3A_53], %dot_general3A_51 {strides = array<i32>} : memref<1000x16xf32, #tpu.memory_space<vmem>>, vector<1000x16xf32>,
    return
  }
  func.func @transform_0(%arg0: i32) -> (i32, i32, i32) {
    %c0_i32 = arith.constant 0 : i32
    %c0_i32_0 = arith.constant 0 : i32
    %c0_i32_1 = arith.constant 0 : i32
    return %c0_i32, %arg0, %c0_i32_0 : i32, i32, i32
  }
  func.func @transform_1(%arg0: i32) -> (i32, i32) {
    %c0_i32 = arith.constant 0 : i32
    %c0_i32_0 = arith.constant 0 : i32
    return %arg0, %c0_i32 : i32, i32
  }
  func.func @transform_2(%arg0: i32) -> (i32, i32) {
    %c0_i32 = arith.constant 0 : i32
    %c0_i32_0 = arith.constant 0 : i32
    return %arg0, %c0_i32 : i32, i32
  }
  func.func @transform_3(%arg0: i32) -> (i32, i32) {
    %c0_i32 = arith.constant 0 : i32
    %c0_i32_0 = arith.constant 0 : i32
    return %arg0, %c0_i32 : i32, i32
  }
  func.func @transform_4(%arg0: i32) -> (i32, i32) {
    %c0_i32 = arith.constant 0 : i32
    %c0_i32_0 = arith.constant 0 : i32
    %c0_i32_1 = arith.constant 0 : i32
    return %c0_i32, %c0_i32_0 : i32, i32
  }
  func.func @transform_5(%arg0: i32) -> (i32, i32) {
    %c0_i32 = arith.constant 0 : i32
    %c0_i32_0 = arith.constant 0 : i32
    %c0_i32_1 = arith.constant 0 : i32
    return %c0_i32, %c0_i32_0 : i32, i32
  }
  func.func @transform_6(%arg0: i32) -> (i32, i32) {
    %c0_i32 = arith.constant 0 : i32
    %c0_i32_0 = arith.constant 0 : i32
    %c0_i32_1 = arith.constant 0 : i32
    return %c0_i32, %c0_i32_0 : i32, i32
  }
  func.func @transform_7(%arg0: i32) -> (i32, i32) {
    %c0_i32 = arith.constant 0 : i32
    %c0_i32_0 = arith.constant 0 : i32
    %c0_i32_1 = arith.constant 0 : i32
    return %c0_i32, %c0_i32_0 : i32, i32
  }
  func.func @transform_8(%arg0: i32) -> (i32, i32) {
    %c0_i32 = arith.constant 0 : i32
    %c0_i32_0 = arith.constant 0 : i32
    %c0_i32_1 = arith.constant 0 : i32
    return %c0_i32, %c0_i32_0 : i32, i32
  }
  func.func @transform_9(%arg0: i32) -> (i32, i32) {
    %c0_i32 = arith.constant 0 : i32
    %c0_i32_0 = arith.constant 0 : i32
    return %arg0, %c0_i32 : i32, i32
  }
  func.func @transform_10(%arg0: i32) -> (i32, i32) {
    %c0_i32 = arith.constant 0 : i32
    %c0_i32_0 = arith.constant 0 : i32
    return %arg0, %c0_i32 : i32, i32
  }
}

module attributes {stable_mosaic.version = 14 : i64} {
  func.func @_layer2_tc(%arg0: i32, %arg1: memref<2x1000x16xf32, #tpu.memory_space<vmem>>, %arg2: memref<1000x1xf32, #tpu.memory_space<vmem>>, %arg3: memref<1000x1xf32, #tpu.memory_space<vmem>>, %arg4: memref<1000x128xf32, #tpu.memory_space<vmem>>, %arg5: memref<128x128xf32, #tpu.memory_space<vmem>>, %arg6: memref<128x16xf32, #tpu.memory_space<vmem>>, %arg7: memref<1x128xf32, #tpu.memory_space<vmem>>, %arg8: memref<1x1xf32, #tpu.memory_space<vmem>>, %arg9: memref<1000x1xf32, #tpu.memory_space<vmem>>, %arg10: memref<1000x1xf32, #tpu.memory_space<vmem>>) attributes {dimension_semantics = [#tpu.dimension_semantics<arbitrary>], iteration_bounds = array<i64: 10>, scalar_prefetch = 0 : i64, scratch_operands = 0 : i64, tpu.core_type = #tpu.core_type<tc>, window_params = [{transform_indices = @transform_0, window_bounds = array<i64: 2, 1000, 16>}, {transform_indices = @transform_1, window_bounds = array<i64: 1000, 1>}, {transform_indices = @transform_2, window_bounds = array<i64: 1000, 1>}, {transform_indices = @transform_3, window_bounds = array<i64: 1000, 128>}, {pipeline_mode = #tpu.pipeline_mode<synchronous>, transform_indices = @transform_4, window_bounds = array<i64: 128, 128>}, {pipeline_mode = #tpu.pipeline_mode<synchronous>, transform_indices = @transform_5, window_bounds = array<i64: 128, 16>}, {pipeline_mode = #tpu.pipeline_mode<synchronous>, transform_indices = @transform_6, window_bounds = array<i64: 1, 128>}, {pipeline_mode = #tpu.pipeline_mode<synchronous>, transform_indices = @transform_7, window_bounds = array<i64: 1, 1>}, {transform_indices = @transform_8, window_bounds = array<i64: 1000, 1>}, {transform_indices = @transform_9, window_bounds = array<i64: 1000, 1>}]} {
    %get3A = arith.constant 0 : index
    %get3A_0 = arith.constant 0 : index
    %get3A_1 = vector.load %arg2[%get3A, %get3A_0] : memref<1000x1xf32, #tpu.memory_space<vmem>>, vector<1000x1xf32>
    %get3A_2 = arith.constant 0 : index
    %get3A_3 = arith.constant 0 : index
    %get3A_4 = vector.load %arg3[%get3A_2, %get3A_3] : memref<1000x1xf32, #tpu.memory_space<vmem>>, vector<1000x1xf32>
    %add3A = arith.addf %get3A_1, %get3A_4 : vector<1000x1xf32>
    %max3A = arith.constant 1.000000e+00 : f32
    %max3A_5 = vector.broadcast %max3A : f32 to vector<1000x1xf32>
    %max3A_6 = arith.maximumf %add3A, %max3A_5 : vector<1000x1xf32>
    %get3A_7 = arith.constant 0 : index
    %get3A_8 = arith.constant 0 : index
    %get3A_9 = arith.constant 0 : index
    %get3A_10 = vector.load %arg1[%get3A_7, %get3A_8, %get3A_9] : memref<2x1000x16xf32, #tpu.memory_space<vmem>>, vector<1x1000x16xf32>
    %get3A_11 = vector.shape_cast %get3A_10 : vector<1x1000x16xf32> to vector<1000x16xf32>
    %get3A_12 = arith.constant 1 : index
    %get3A_13 = arith.constant 0 : index
    %get3A_14 = arith.constant 0 : index
    %get3A_15 = vector.load %arg1[%get3A_12, %get3A_13, %get3A_14] : memref<2x1000x16xf32, #tpu.memory_space<vmem>>, vector<1x1000x16xf32>
    %get3A_16 = vector.shape_cast %get3A_15 : vector<1x1000x16xf32> to vector<1000x16xf32>
    %add3A_17 = arith.addf %get3A_11, %get3A_16 : vector<1000x16xf32>
    %div3A = vector.broadcast %max3A_6 : vector<1000x1xf32> to vector<1000x16xf32>
    %div3A_18 = arith.divf %add3A_17, %div3A : vector<1000x16xf32>
    %get3A_19 = arith.constant 0 : index
    %get3A_20 = arith.constant 0 : index
    %get3A_21 = vector.load %arg5[%get3A_19, %get3A_20] : memref<128x128xf32, #tpu.memory_space<vmem>>, vector<128x128xf32>
    %get3A_22 = arith.constant 0 : index
    %get3A_23 = arith.constant 0 : index
    %get3A_24 = vector.load %arg6[%get3A_22, %get3A_23] : memref<128x16xf32, #tpu.memory_space<vmem>>, vector<128x16xf32>
    %dot_general3A = arith.constant dense<0.000000e+00> : vector<128x16xf32>
    %dot_general3A_25 = tpu.matmul %get3A_21, %get3A_24, %dot_general3A {dimension_numbers = #tpu.dot_dimension_numbers<[0], [0], [1], [1], [0, 1, 1, 1], [], []>, transpose_lhs_hint = false} : vector<128x128xf32>, vector<128x16xf32>, vector<128x16xf32> -> vector<128x16xf32>
    %get3A_26 = arith.constant 0 : index
    %get3A_27 = arith.constant 0 : index
    %get3A_28 = vector.load %arg4[%get3A_26, %get3A_27] : memref<1000x128xf32, #tpu.memory_space<vmem>>, vector<1000x128xf32>
    %dot_general3A_29 = arith.constant dense<0.000000e+00> : vector<1000x16xf32>
    %dot_general3A_30 = tpu.matmul %get3A_28, %dot_general3A_25, %dot_general3A_29 {dimension_numbers = #tpu.dot_dimension_numbers<[1], [0], [0], [1], [0, 0, 1, 1], [], []>, transpose_lhs_hint = false} : vector<1000x128xf32>, vector<128x16xf32>, vector<1000x16xf32> -> vector<1000x16xf32>
    %get3A_31 = arith.constant 0 : index
    %get3A_32 = arith.constant 0 : index
    %get3A_33 = vector.load %arg7[%get3A_31, %get3A_32] : memref<1x128xf32, #tpu.memory_space<vmem>>, vector<1x128xf32>
    %get3A_34 = arith.constant 0 : index
    %get3A_35 = arith.constant 0 : index
    %get3A_36 = vector.load %arg6[%get3A_34, %get3A_35] : memref<128x16xf32, #tpu.memory_space<vmem>>, vector<128x16xf32>
    %dot_general3A_37 = arith.constant dense<0.000000e+00> : vector<1x16xf32>
    %dot_general3A_38 = tpu.matmul %get3A_33, %get3A_36, %dot_general3A_37 {dimension_numbers = #tpu.dot_dimension_numbers<[1], [0], [0], [1], [0, 0, 1, 1], [], []>, transpose_lhs_hint = false} : vector<1x128xf32>, vector<128x16xf32>, vector<1x16xf32> -> vector<1x16xf32>
    %add3A_39 = arith.addf %div3A_18, %dot_general3A_30 : vector<1000x16xf32>
    %add3A_40 = vector.broadcast %dot_general3A_38 : vector<1x16xf32> to vector<1000x16xf32>
    %add3A_41 = arith.addf %add3A_39, %add3A_40 : vector<1000x16xf32>
    %slice3A = vector.extract_strided_slice %add3A_41 {offsets = [0, 0], sizes = [1000, 1], strides = [1, 1]} : vector<1000x16xf32> to vector<1000x1xf32>
    %get3A_42 = arith.constant 0 : index
    %get3A_43 = arith.constant 0 : index
    %get3A_44 = vector.load %arg8[%get3A_42, %get3A_43] : memref<1x1xf32, #tpu.memory_space<vmem>>, vector<1x1xf32>
    %add3A_45 = vector.broadcast %get3A_44 : vector<1x1xf32> to vector<1000x1xf32>
    %add3A_46 = arith.addf %slice3A, %add3A_45 : vector<1000x1xf32>
    %swap3A = arith.constant 0 : index
    %swap3A_47 = arith.constant 0 : index
    %swap3A_48 = vector.load %arg9[%swap3A, %swap3A_47] : memref<1000x1xf32, #tpu.memory_space<vmem>>, vector<1000x1xf32>
    tpu.vector_store %arg9[%swap3A, %swap3A_47], %add3A_46 {strides = array<i32>} : memref<1000x1xf32, #tpu.memory_space<vmem>>, vector<1000x1xf32>,
    %slice3A_49 = vector.extract_strided_slice %add3A_41 {offsets = [0, 1], sizes = [1000, 1], strides = [1, 1]} : vector<1000x16xf32> to vector<1000x1xf32>
    %swap3A_50 = arith.constant 0 : index
    %swap3A_51 = arith.constant 0 : index
    %swap3A_52 = vector.load %arg10[%swap3A_50, %swap3A_51] : memref<1000x1xf32, #tpu.memory_space<vmem>>, vector<1000x1xf32>
    tpu.vector_store %arg10[%swap3A_50, %swap3A_51], %slice3A_49 {strides = array<i32>} : memref<1000x1xf32, #tpu.memory_space<vmem>>, vector<1000x1xf32>,
    return
  }
  func.func @transform_0(%arg0: i32) -> (i32, i32, i32) {
    %c0_i32 = arith.constant 0 : i32
    %c0_i32_0 = arith.constant 0 : i32
    %c0_i32_1 = arith.constant 0 : i32
    return %c0_i32, %arg0, %c0_i32_0 : i32, i32, i32
  }
  func.func @transform_1(%arg0: i32) -> (i32, i32) {
    %c0_i32 = arith.constant 0 : i32
    %c0_i32_0 = arith.constant 0 : i32
    return %arg0, %c0_i32 : i32, i32
  }
  func.func @transform_2(%arg0: i32) -> (i32, i32) {
    %c0_i32 = arith.constant 0 : i32
    %c0_i32_0 = arith.constant 0 : i32
    return %arg0, %c0_i32 : i32, i32
  }
  func.func @transform_3(%arg0: i32) -> (i32, i32) {
    %c0_i32 = arith.constant 0 : i32
    %c0_i32_0 = arith.constant 0 : i32
    return %arg0, %c0_i32 : i32, i32
  }
  func.func @transform_4(%arg0: i32) -> (i32, i32) {
    %c0_i32 = arith.constant 0 : i32
    %c0_i32_0 = arith.constant 0 : i32
    %c0_i32_1 = arith.constant 0 : i32
    return %c0_i32, %c0_i32_0 : i32, i32
  }
  func.func @transform_5(%arg0: i32) -> (i32, i32) {
    %c0_i32 = arith.constant 0 : i32
    %c0_i32_0 = arith.constant 0 : i32
    %c0_i32_1 = arith.constant 0 : i32
    return %c0_i32, %c0_i32_0 : i32, i32
  }
  func.func @transform_6(%arg0: i32) -> (i32, i32) {
    %c0_i32 = arith.constant 0 : i32
    %c0_i32_0 = arith.constant 0 : i32
    %c0_i32_1 = arith.constant 0 : i32
    return %c0_i32, %c0_i32_0 : i32, i32
  }
  func.func @transform_7(%arg0: i32) -> (i32, i32) {
    %c0_i32 = arith.constant 0 : i32
    %c0_i32_0 = arith.constant 0 : i32
    %c0_i32_1 = arith.constant 0 : i32
    return %c0_i32, %c0_i32_0 : i32, i32
  }
  func.func @transform_8(%arg0: i32) -> (i32, i32) {
    %c0_i32 = arith.constant 0 : i32
    %c0_i32_0 = arith.constant 0 : i32
    return %arg0, %c0_i32 : i32, i32
  }
  func.func @transform_9(%arg0: i32) -> (i32, i32) {
    %c0_i32 = arith.constant 0 : i32
    %c0_i32_0 = arith.constant 0 : i32
    return %arg0, %c0_i32 : i32, i32
  }
}

</mosaic_0001>

<sc_bundles>
// kernel: kernel.10.cloned.1.call-start
scs
__scs_entry_jumppad:
0x0: {  	(pc) =	sbr.rel $0x88, $3  }
0x1: {  	(tag) =	ssettag $0x0;
	lr =	simm.s32 $0x1  }
0x2: {  	[smem:$0x3F96] =	sst lr;
	_ =	strace $0xD0000000  }
0x3: {  	_ = 	snop  }
0x4: {  	_ = 	snop  }
0x5: {  	_ = 	snop  }
0x6: {  	_ = 	snop  }
0x7: {  	_ = 	snop  }
__scs_overlays_trampoline_lowered:
0x8: {  	[smem:$0x3FA5] =	sst s0  }
0x9: {  	[smem:$0x3FA6] =	sst s1  }
0xa: {  	[smem:$0x3FA7] =	sst s2  }
0xb: {  	[smem:$0x3FA8] =	sst s3  }
0xc: {  	[smem:$0x3FA9] =	sst s4  }
0xd: {  	[smem:$0x3FAA] =	sst s5  }
0xe: {  	[smem:$0x3FAB] =	sst s6  }
0xf: {  	[smem:$0x3FAC] =	sst s7  }
0x10: {  	[smem:$0x3FAD] =	sst s8  }
0x11: {  	[smem:$0x3FAE] =	sst s9;
	s0 =	simm.s32 @!p0 $0x0  }
0x12: {  	s1 =	sld [smem:$0x3F94];
	s0 =	simm.s32 @p0 $0x1  }
0x13: {  	[smem:$0x3FAF] =	sst s0;
	s0 =	simm.s32 @!p1 $0x0  }
0x14: {  	s2 =	sld [smem:$0x3F93];
	s0 =	simm.s32 @p1 $0x1  }
0x15: {  	[smem:$0x3FB0] =	sst s0;
	s0 =	simm.s32 @!p2 $0x0  }
0x16: {  	s3 =	sld [smem:$0x3FDB];
	s0 =	simm.s32 @p2 $0x1  }
0x17: {  	s4 =	simm.s32 $0x1BF5;
	[smem:$0x3FB2] =	sst s0  }
0x18: {  	s0 =	sld [smem:$0x3F95];
	_ =	swait.ge [sflag:s4], $0x0  }
0x19: {  	s7 =	sld [smem:$0x3F96]  }
0x1a: {  	s8 =	sadd.s32 $0xFFFFE003, lr  }
0x1b: {  	s9 =	sadd.s32 $0xFFFFFEF7, lr;
	s5 =	simm.s32 $0xFFFFFFFF;
	p2 =	slt.u32 s8, $0xFFFFF086  }
0x1c: {  	p1 =	slt.u32 s9, $0xF7A;
	s5 =	simm.s32 @!p2 $0x0  }
0x1d: {  	s5 =	simm.s32 @p1 $0x1;
	p0 =	seq.s32 s7, s2  }
0x1e: {  	s7 =	smul.u32 @!p0 $0xF7A, s2;
	p2 =	seq.s32 @!p0 s5, $0x0  }
0x1f: {  	s9 =	smul.u32 $0xF7A, s1;
	s8 =	simm.s32 @!p0 $0x1BF5;
	p2 =	por !p2, p0  }
0x20: {  	[sflag:s8] =	ssyncset.s32 @!p0 $0xFFFFF086;
	s6 =	sadd.s32 @!p0 s3, s7;
	s7 =	simm.s32 @!p0 $0x108  }
0x21: {  	s3 =	sadd.s32 s3, s9;
	s6 =	sadd.s32 @!p0 $0x88, s6;
	s7 =	simm.s32 @p2 $0x1082  }
0x22: {  	[simem:s7], [sflag:s8] =	dma.local @!p0 [hbm:s6], $0xF7A  }
0x23: {  	s9 =	sor.u32 $0xD0000000, s2;
	s6 =	simm.s32 $0x108;
	_ =	swait.ge @!p0 [sflag:s8], $0x0  }
0x24: {  	s3 =	sadd.s32 $0x88, s3;
	s6 =	simm.s32 @!p1 $0x1082;
	[sflag:s4] =	ssyncset.s32 $0xFFFFF086  }
0x25: {  	[simem:s6], [sflag:s4] =	dma.local [hbm:s3], $0xF7A  }
0x26: {  	[smem:$0x3F96] =	sst s1;
	(tag) =	ssettag s2;
	_ =	strace s9  }
0x27: {  	s1 =	sld [smem:$0x3FA6]  }
0x28: {  	s2 =	sld [smem:$0x3FA7]  }
0x29: {  	s4 =	sld [smem:$0x3FA9]  }
0x2a: {  	p0 =	seq.s32 s5, $0x0;
	s5 =	sld [smem:$0x3FAA]  }
0x2b: {  	s6 =	sld [smem:$0x3FAB]  }
0x2c: {  	s7 =	sld [smem:$0x3FAC]  }
0x2d: {  	s3 =	simm.s32 $0x108;
	s8 =	sld [smem:$0x3FAD]  }
0x2e: {  	s3 =	simm.s32 @!p0 $0x1082;
	s9 =	sld [smem:$0x3FAE]  }
0x2f: {  	lr =	sadd.s32 s0, s3;
	s0 =	sld [smem:$0x3FA5]  }
0x30: {  	s3 =	sld [smem:$0x3FA8]  }
0x31: {  	[smem:$0x3FB1] =	sst s10  }
0x32: {  	s10 =	sld [smem:$0x3FAF];
	_ =	sdelay $0x3  }
0x33: {  	p0 =	seq.s32 s10, $0x1;
	s10 =	sld [smem:$0x3FB1];
	_ =	sdelay $0x3  }
0x34: {  	[smem:$0x3FB1] =	sst s10  }
0x35: {  	s10 =	sld [smem:$0x3FB0];
	_ =	sdelay $0x3  }
0x36: {  	p1 =	seq.s32 s10, $0x1;
	s10 =	sld [smem:$0x3FB1];
	_ =	sdelay $0x3  }
0x37: {  	[smem:$0x3FB1] =	sst s10  }
0x38: {  	s10 =	sld [smem:$0x3FB2]  }
0x39: {  	_ = 	snop;
	(pc) =	sbr.ind lr, $3  }
0x3a: {  	_ = 	snop  }
0x3b: {  	_ = 	snop  }
0x3c: {  	p2 =	seq.s32 s10, $0x1;
	s10 =	sld [smem:$0x3FB1]  }
0x3d: {  	_ =	shalt  }
0x3e: {  	_ =	shalt  }
0x3f: {  	_ =	shalt  }
0x40: {  	_ =	shalt  }
0x41: {  	_ =	shalt  }
0x42: {  	_ =	shalt  }
0x43: {  	_ =	shalt  }
0x44: {  	_ =	shalt  }
0x45: {  	_ =	shalt  }
0x46: {  	_ =	shalt  }
0x47: {  	_ =	shalt  }
0x48: {  	_ =	shalt  }
0x49: {  	_ =	shalt  }
0x4a: {  	_ =	shalt  }
0x4b: {  	_ =	shalt  }
0x4c: {  	_ =	shalt  }
0x4d: {  	_ =	shalt  }
0x4e: {  	_ =	shalt  }
0x4f: {  	_ =	shalt  }
0x50: {  	_ =	shalt  }
0x51: {  	_ =	shalt  }
0x52: {  	_ =	shalt  }
0x53: {  	_ =	shalt  }
0x54: {  	_ =	shalt  }
0x55: {  	_ =	shalt  }
0x56: {  	_ =	shalt  }
0x57: {  	_ =	shalt  }
0x58: {  	_ =	shalt  }
0x59: {  	_ =	shalt  }
0x5a: {  	_ =	shalt  }
0x5b: {  	_ =	shalt  }
0x5c: {  	_ =	shalt  }
0x5d: {  	_ =	shalt  }
0x5e: {  	_ =	shalt  }
0x5f: {  	_ =	shalt  }
0x60: {  	_ =	shalt  }
0x61: {  	_ =	shalt  }
0x62: {  	_ =	shalt  }
0x63: {  	_ =	shalt  }
0x64: {  	_ =	shalt  }
0x65: {  	_ =	shalt  }
0x66: {  	_ =	shalt  }
0x67: {  	_ =	shalt  }
0x68: {  	_ =	shalt  }
0x69: {  	_ =	shalt  }
0x6a: {  	_ =	shalt  }
0x6b: {  	_ =	shalt  }
0x6c: {  	_ =	shalt  }
0x6d: {  	_ =	shalt  }
0x6e: {  	_ =	shalt  }
0x6f: {  	_ =	shalt  }
0x70: {  	_ =	shalt  }
0x71: {  	_ =	shalt  }
0x72: {  	_ =	shalt  }
0x73: {  	_ =	shalt  }
0x74: {  	_ =	shalt  }
0x75: {  	_ =	shalt  }
0x76: {  	_ =	shalt  }
0x77: {  	_ =	shalt  }
0x78: {  	_ =	shalt  }
0x79: {  	_ =	shalt  }
0x7a: {  	_ =	shalt  }
0x7b: {  	_ =	shalt  }
0x7c: {  	_ =	shalt  }
0x7d: {  	_ =	shalt  }
0x7e: {  	_ =	shalt  }
0x7f: {  	_ =	shalt  }
0x80: {  	_ =	shalt  }
0x81: {  	_ =	shalt  }
0x82: {  	_ =	shalt  }
0x83: {  	_ =	shalt  }
0x84: {  	_ =	shalt  }
0x85: {  	_ =	shalt  }
0x86: {  	_ =	shalt  }
0x87: {  	_ =	shalt  }
.Lfunc_end0:
.L_simem_size_0:
called_computation.1_lowered:
.L_overlay_start_0:
0x88: {  	s2 =	sld [smem:$0x3FD9]  }
0x89: {  	s3 =	sld [smem:$0x3FFE];
	_ =	sdelay $0x1  }
0x8a: {  	s1 =	srdreg.scid  }
0x8b: {  	s0 =	sand.u32 $0x1, s1  }
0x8c: {  	s16 =	sshll.u32 s0, $0xA;
	s2 =	sadd.s32 s3, s2  }
0x8d: {  	s2 =	sadd.s32 s2, s16  }
0x8e: {  	[smem:$0x3FBD] =	sst s2  }
0x8f: {  	_ = 	snop  }
0x90: {  	(tm) =	ssettm $0x1  }
0x91: {  	s17 =	sld [smem:$0x3FFB];
	_ =	sdelay $0x3  }
0x92: {  	_ =	strace s17  }
0x93: {  	s2 =	sld [smem:$0x3FFC];
	_ =	sdelay $0x3  }
0x94: {  	_ =	strace s2  }
0x95: {  	s2 =	sld [smem:$0x3FFD];
	_ =	sdelay $0x3  }
0x96: {  	_ =	strace s2  }
0x97: {  	_ =	strace $0x8FFFFFFF  }
0x98: {  	s18 =	sld [smem:$0x3FDB];
	_ =	sdelay $0x1  }
0x99: {  	s19 =	simm.s32 $_scs_section_size  }
0x9a: {  	s4 =	simm.s32 $_size__tile_overlayer_lowered;
	s5 =	simm.s32 $_tile_overlayer_lowered  }
0x9b: {  	s22 =	simm.s32 $0x1BFF;
	s21 =	sshll.u32 s5, $0x1;
	s2 =	sadd.s32 s19, s18  }
0x9c: {  	s6 =	simm.s32 $0x0;
	s20 =	sshll.u32 s4, $0x1;
	s4 =	sadd.s32 s21, s2  }
0x9d: {  	[timem:s6], [sflag:s22] =	dma.local [hbm:s4], s20  }
0x9e: {  	_ =	swait.ge [sflag:s22], s20  }
0x9f: {  	s3 =	ssub.s32 $0x0, s20;
	[sflag:s22] =	ssyncset.done $0x0  }
0xa0: {  	[sflag:s22] =	ssyncadd.s32 s3;
	_ =	sdelay $0x1  }
0xa1: {  	s23 =	simm.s32 $0x1B8B  }
0xa2: {  	_ =	swait.ge [sflag:s23], $0x1  }
0xa3: {  	[sflag:s23] =	ssyncset.done $0x0  }
0xa4: {  	s25 =	simm.s32 $0x1B8E;
	s24 =	sld [smem:$0x3FFE];
	[sflag:s23] =	ssyncadd.s32 $0xFFFFFFFF  }
0xa5: {  	s26 =	simm.s32 $execute0_lowered;
	[smem:$0x3FD2] =	sst s25  }
0xa6: {  	s4 =	sshll.u32 s26, $0x1;
	_ =	strace $0x80000049;
	[dreg:$0x1] =	wrdreg $0xFFFFFFFF  }
0xa7: {  	s28 =	simm.s32 $_size_execute0_lowered;
	s2 =	sadd.s32 s2, s4;
	[dreg:$0x0] =	wrdreg $0x0  }
0xa8: {  	s4 =	sshll.u32 s28, $0x1;
	[dreg:$0x2] =	wrdreg s2  }
0xa9: {  	[dreg:$0x3] =	wrdreg s4  }
0xaa: {  	[dreg:$0x4] =	wrdreg $0xC0  }
0xab: {  	_ =	task [dreg:s6], $0x5FFFF  }
0xac: {  	[dreg:$0x1] =	wrdreg $0xFFFFFFFF  }
0xad: {  	[dreg:$0x0] =	wrdreg $0x60  }
0xae: {  	[dreg:$0x2] =	wrdreg s24  }
0xaf: {  	[dreg:$0x3] =	wrdreg $0x70000  }
0xb0: {  	[dreg:$0x4] =	wrdreg $0x9  }
0xb1: {  	_ =	task.clear_ibuf [dreg:s6], $0x5FFFF;
	_ =	strace $0x90000049  }
0xb2: {  	s29 =	simm.s32 $0x9;
	_ =	strace $0x8000004B  }
0xb3: {  	_ =	swait.ge [sflag:s29], $0x1  }
0xb4: {  	[sflag:s29] =	ssyncadd.s32 $0xFFFFFFFF  }
0xb5: {  	_ =	strace $0x9000004B  }
0xb6: {  	_ =	sfence  }
0xb7: {  	s30 =	sld [smem:$0x0];
	_ =	sdelay $0x2  }
0xb8: {  	s31 =	sshll.u32 s1, $0xD;
	s1 =	sshrl.u32 s1, $0x2  }
0xb9: {  	s3 =	sand.u32 $0x4000, s31;
	s1 =	sadd.s32 s1, s30  }
0xba: {  	s0 =	sor.u32 s3, s0;
	s1 =	sshll.u32 s1, $0x11  }
0xbb: {  	s0 =	sor.u32 s1, s0  }
0xbc: {  	s0 =	sadd.s32 $0x8F2B, s0  }
0xbd: {  	[sflag:s0] =	ssyncadd.remote.s32 $0x1  }
0xbe: {  	_ =	sfence.sel $0xFFFF  }
0xbf: {  	[dreg:$0x0] =	wrdreg $0xFFFFFFFF;
	(pc) =	sbr.abs _section_cstart, $3  }
0xc0: {  	[dreg:$0x1] =	wrdreg $0xFFFFFFFF  }
0xc1: {  	_ =	task.clear_ibuf [dreg:s6], $0x2FFFF;
	_ =	strace $0x9FFFFFFF  }
0xc2: {  	(tm) =	ssettm $0x7FFFFFFF  }
0xc3: {  	_ =	shalt  }
tec
execute0_lowered:
.L_overlay_start_1:
0x0: {  	(tag) =	ssettag $0x1  }
0x1: {  	s0 =	rddreg [dreg:$0x0]  }
0x2: {  	s1 =	rddreg [dreg:$0x1];
	s2 =	srdreg.scid  }
0x3: {  	s4 =	simm.s32 $0x0;
	s3 =	stileid.u32;
	s14 =	simm.s32 $0x9  }
0x4: {  	s15 =	simm.s32 $0x2800;
	s16 =	simm.s32 $0x5000;
	s17 =	simm.s32 $0x80  }
0x5: {  	s18 =	simm.s32 $0x5800;
	s20 =	simm.s32 $0x6000;
	s21 =	simm.s32 $0x1  }
0x6: {  	s23 =	simm.s32 $0x6800;
	s28 =	simm.s32 $0x5;
	s30 =	simm.s32 $0x3  }
0x7: {  	s19 =	simm.s32 $0x4;
	s31 =	simm.s32 $0x8;
	s9 =	smul.u32 $0x2800, s3  }
0x8: {  	s2 =	sand.u32 $0x1, s2;
	[smem:$0x7FF] =	sst s4;
	s8 =	smul.u32 $0xA000, s3  }
0x9: {  	s4 =	sadd.s32 $0x3C000, s0;
	s5 =	smul.u32 $0x28000, s2;
	s6 =	sshll.u32 s2, $0x4  }
0xa: {  	_ =	strace $0x8000004A;
	s2 =	ssub.s32 $0x2, s2;
	s6 =	sor.u32 s3, s6  }
0xb: {  	s7 =	sshrl.u32 s2, $0x1;
	s26 =	sshrl.u32 s8, $0x2;
	s29 =	sadd.s32 s9, s1  }
0xc: {  	s6 =	smul.u32 $0x500, s6;
	s5 =	sadd.s32 s9, s5;
	s2 =	ssub.s32 s2, s7  }
0xd: {  	s7 =	sadd.s32 s26, s1;
	s26 =	simm.s32 $0x7;
	s5 =	sshrl.u32 s5, $0x3  }
0xe: {  	s9 =	smax.u32 s2, $0x1;
	s10 =	sadd.s32 $0x800, s7;
	s6 =	sadd.s32 s6, s0  }
.Ltmp0:
0xf: {  	s11 =	sadd.s32 $0x1000, s7;
	s24 =	sadd.s32 $0xE00, s6;
	(pc) =	sbr.rel .LBB2_1-.Ltmp0, $4  }
0x10: {  	s0 =	sadd.s32 s5, s0;
	s25 =	sadd.s32 $0xAE00, s6;
	[dreg:$0x3] =	wrdreg s24  }
0x11: {  	s12 =	sadd.s32 $0x1800, s7;
	s0 =	sadd.s32 $0x41000, s0;
	[dreg:$0x4] =	wrdreg s25  }
0x12: {  	s13 =	sadd.s32 $0x2000, s7;
	s2 =	simm.s32 $0x0;
	[dreg:$0x5] =	wrdreg s0  }
0x13: {  	v0 =	vimm.f32 $0.0e+00;
	s24 =	simm.s32 $0x2;
	s25 =	sshrl.u32 s29, $0x3;
	s0 =	simm.s32 $0x6  }
.LBB2_6:
0x14: {  	_ =	swait.ge [sflag:s28], $0x800  }
0x15: {  	[sflag:s28] =	ssyncset.done $0x0  }
0x16: {  	[sflag:s28] =	ssyncadd.s32 $0xFFFFF800  }
0x17: {  	_ =	swait.ge [sflag:s0], $0x800  }
0x18: {  	[sflag:s0] =	ssyncset.done $0x0  }
0x19: {  	[sflag:s0] =	ssyncadd.s32 $0xFFFFF800  }
0x1a: {  	_ =	swait.ge [sflag:s26], $0x800  }
0x1b: {  	[sflag:s26] =	ssyncset.done $0x0  }
0x1c: {  	[sflag:s26] =	ssyncadd.s32 $0xFFFFF800  }
0x1d: {  	_ =	swait.ge [sflag:s31], $0x800  }
0x1e: {  	[sflag:s31] =	ssyncset.done $0x0  }
0x1f: {  	s3 =	stileid.u32;
	s2 =	sadd.s32 $0x1, s2;
	[sflag:s31] =	ssyncadd.s32 $0xFFFFF800  }
0x20: {  	s3 =	sshll.u32 s3, $0x6;
	p0 =	sne.s32 s2, s9;
	[bflag:$0x0] =	sbarrier.arrive $0xFFFF  }
.Ltmp1:
0x21: {  	s3 =	sor.u32 $0x1C09, s3;
	s5 =	rddreg [dreg:$0x5];
	(pc) =	sbr.rel @!p0 .LBB2_7-.Ltmp1, $4  }
0x22: {  	[hbm:s5], [sflag:s3] =	dma.local [spmem:s25], $0x500  }
0x23: {  	_ =	swait.ge [sflag:s14], $0x500  }
0x24: {  	[sflag:s14] =	ssyncset.done $0x0  }
0x25: {  	[sflag:s14] =	ssyncadd.s32 $0xFFFFFB00  }
.LBB2_1:
0x26: {  	s3 =	simm.s32 $0x0;
	s5 =	rddreg [dreg:$0x3]  }
0x27: {  	[tilespmem:s3], [sflag:$0x9] =	stream.linear.gather [hbm4b:s5+s3], $0x2800, $0x38;
	[tilespmem:$0x9800] =	vst v63  }
0x28: {  	_ =	swait.ge [sflag:s14], $0x2800  }
0x29: {  	[sflag:s14] =	ssyncset.done $0x0  }
0x2a: {  	s22 =	rddreg [dreg:$0x4];
	[sflag:s14] =	ssyncadd.s32 $0xFFFFD800  }
0x2b: {  	[tilespmem:s15], [sflag:$0x9] =	stream.linear.gather [hbm4b:s22+s3], $0x2800, $0x38;
	[tilespmem:$0x9800] =	vst v63  }
0x2c: {  	_ =	swait.ge [sflag:s14], $0x2800  }
0x2d: {  	[sflag:s14] =	ssyncset.done $0x0  }
0x2e: {  	s29 =	simm.s32 $0x0;
	s22 =	simm.s32 $0x40;
	[sflag:s14] =	ssyncadd.s32 $0xFFFFD800  }
.LBB2_2:
0x2f: {  	p0 =	sne.s32 s22, $0x1FC0;
	[tilespmem:s29+$0x5000] =	vst v0;
	s29 =	smov.u32 s22;
	s22 =	sadd.s32 $0x40, s22  }
.Ltmp2:
0x30: {  	(pc) =	sbr.rel @p0 .LBB2_2-.Ltmp2, $2  }
0x31: {  	_ =	sdelay $0x2  }
0x32: {  	s29 =	sshra.s32 s29, $0x2  }
0x33: {  	[tilespmem:s29+$0x5000] =	vst v0  }
0x34: {  	[spmem:s7] =	stream.linear.scatter [tilespmem:s16], [sflag:$0x9], $0x800, $0x38;
	[tilespmem:$0x9800] =	vst v63  }
0x35: {  	_ =	swait.ge [sflag:s14], $0x800  }
0x36: {  	[sflag:s14] =	ssyncset.done $0x0  }
0x37: {  	[sflag:s14] =	ssyncadd.s32 $0xFFFFF800  }
0x38: {  	[spmem:s10] =	stream.linear.scatter [tilespmem:s16], [sflag:$0x9], $0x800, $0x38;
	[tilespmem:$0x9800] =	vst v63  }
0x39: {  	_ =	swait.ge [sflag:s14], $0x800  }
0x3a: {  	[sflag:s14] =	ssyncset.done $0x0  }
0x3b: {  	[sflag:s14] =	ssyncadd.s32 $0xFFFFF800  }
0x3c: {  	[spmem:s11] =	stream.linear.scatter [tilespmem:s16], [sflag:$0x9], $0x800, $0x38;
	[tilespmem:$0x9800] =	vst v63  }
0x3d: {  	_ =	swait.ge [sflag:s14], $0x800  }
0x3e: {  	[sflag:s14] =	ssyncset.done $0x0  }
0x3f: {  	[sflag:s14] =	ssyncadd.s32 $0xFFFFF800  }
0x40: {  	[spmem:s12] =	stream.linear.scatter [tilespmem:s16], [sflag:$0x9], $0x800, $0x38;
	[tilespmem:$0x9800] =	vst v63  }
0x41: {  	_ =	swait.ge [sflag:s14], $0x800  }
0x42: {  	[sflag:s14] =	ssyncset.done $0x0  }
0x43: {  	[sflag:s14] =	ssyncadd.s32 $0xFFFFF800  }
0x44: {  	[spmem:s13] =	stream.linear.scatter [tilespmem:s16], [sflag:$0x9], $0x800, $0x38;
	[tilespmem:$0x9800] =	vst v63  }
0x45: {  	_ =	swait.ge [sflag:s14], $0x800  }
0x46: {  	[sflag:s14] =	ssyncset.done $0x0  }
0x47: {  	[sflag:s14] =	ssyncadd.s32 $0xFFFFF800  }
0x48: {  	s22 =	simm.s32 $0x0;
	[bflag:$0x0] =	sbarrier.arrive $0xFFFF  }
0x49: {  	[tilespmem:s16], [sflag:$0x1] =	stream.indirect.gather [hbm4b:s4+s17], $0x10, s22, s17, $0xb8;
	[tilespmem:$0x9800] =	vst v63  }
0x4a: {  	_ = 	snop  }
0x4b: {  	[tilespmem:s18], [sflag:$0x2] =	stream.indirect.gather [hbm4b:s4+s17], $0x10, s17, s17, $0xb8;
	[tilespmem:$0x9800] =	vst v63  }
0x4c: {  	s3 =	simm.s32 $0x100  }
0x4d: {  	[tilespmem:s20], [sflag:$0x3] =	stream.indirect.gather [hbm4b:s4+s17], $0x10, s3, s17, $0xb8;
	[tilespmem:$0x9800] =	vst v63  }
0x4e: {  	_ =	swait.ge [sflag:s21], $0x800  }
0x4f: {  	[sflag:s21] =	ssyncset.done $0x0  }
0x50: {  	[sflag:s21] =	ssyncadd.s32 $0xFFFFF800  }
0x51: {  	[spmem:s1] =	stream.indirect.scatter.add.f32 [tilespmem:s16], [sflag:$0x5], $0x10, s15, s17, $0xb8;
	[tilespmem:$0x9800] =	vst v63  }
0x52: {  	s6 =	simm.s32 $0x180  }
0x53: {  	[tilespmem:s23], [sflag:$0x4] =	stream.indirect.gather [hbm4b:s4+s17], $0x10, s6, s17, $0xb8;
	[tilespmem:$0x9800] =	vst v63  }
0x54: {  	_ =	swait.ge [sflag:s24], $0x800  }
0x55: {  	[sflag:s24] =	ssyncset.done $0x0  }
0x56: {  	s8 =	simm.s32 $0x2880;
	[sflag:s24] =	ssyncadd.s32 $0xFFFFF800  }
0x57: {  	[spmem:s1] =	stream.indirect.scatter.add.f32 [tilespmem:s18], [sflag:$0x6], $0x10, s8, s17, $0xb8;
	[tilespmem:$0x9800] =	vst v63  }
0x58: {  	_ =	swait.ge [sflag:s28], $0x800  }
0x59: {  	[sflag:s28] =	ssyncset.done $0x0  }
0x5a: {  	s29 =	simm.s32 $0x200;
	[sflag:s28] =	ssyncadd.s32 $0xFFFFF800  }
0x5b: {  	[tilespmem:s16], [sflag:$0x1] =	stream.indirect.gather [hbm4b:s4+s17], $0x10, s29, s17, $0xb8;
	[tilespmem:$0x9800] =	vst v63  }
0x5c: {  	_ =	swait.ge [sflag:s30], $0x800  }
0x5d: {  	[sflag:s30] =	ssyncset.done $0x0  }
0x5e: {  	s5 =	simm.s32 $0x2900;
	[sflag:s30] =	ssyncadd.s32 $0xFFFFF800  }
0x5f: {  	[spmem:s1] =	stream.indirect.scatter.add.f32 [tilespmem:s20], [sflag:$0x7], $0x10, s5, s17, $0xb8;
	[tilespmem:$0x9800] =	vst v63  }
0x60: {  	_ =	swait.ge [sflag:s0], $0x800  }
0x61: {  	[sflag:s0] =	ssyncset.done $0x0  }
0x62: {  	s6 =	simm.s32 $0x280;
	[sflag:s0] =	ssyncadd.s32 $0xFFFFF800  }
0x63: {  	[tilespmem:s18], [sflag:$0x2] =	stream.indirect.gather [hbm4b:s4+s17], $0x10, s6, s17, $0xb8;
	[tilespmem:$0x9800] =	vst v63  }
0x64: {  	_ =	swait.ge [sflag:s19], $0x800  }
0x65: {  	[sflag:s19] =	ssyncset.done $0x0  }
0x66: {  	s8 =	simm.s32 $0x2980;
	[sflag:s19] =	ssyncadd.s32 $0xFFFFF800  }
0x67: {  	[spmem:s1] =	stream.indirect.scatter.add.f32 [tilespmem:s23], [sflag:$0x8], $0x10, s8, s17, $0xb8;
	[tilespmem:$0x9800] =	vst v63  }
0x68: {  	_ =	swait.ge [sflag:s26], $0x800  }
0x69: {  	[sflag:s26] =	ssyncset.done $0x0  }
0x6a: {  	s29 =	simm.s32 $0x300;
	[sflag:s26] =	ssyncadd.s32 $0xFFFFF800  }
0x6b: {  	[tilespmem:s20], [sflag:$0x3] =	stream.indirect.gather [hbm4b:s4+s17], $0x10, s29, s17, $0xb8;
	[tilespmem:$0x9800] =	vst v63  }
.LBB2_4:
0x6c: {  	_ =	swait.ge [sflag:s21], $0x800  }
0x6d: {  	s29 =	sshra.s32 s22, $0x2;
	[sflag:s21] =	ssyncset.done $0x0  }
0x6e: {  	s3 =	sadd.s32 $0x2A00, s29;
	[sflag:s21] =	ssyncadd.s32 $0xFFFFF800  }
0x6f: {  	[spmem:s1] =	stream.indirect.scatter.add.f32 [tilespmem:s16], [sflag:$0x5], $0x10, s3, s17, $0xb8;
	[tilespmem:$0x9800] =	vst v63  }
0x70: {  	_ =	swait.ge [sflag:s31], $0x800  }
0x71: {  	[sflag:s31] =	ssyncset.done $0x0  }
0x72: {  	s5 =	sadd.s32 $0x380, s29;
	[sflag:s31] =	ssyncadd.s32 $0xFFFFF800  }
0x73: {  	[tilespmem:s23], [sflag:$0x4] =	stream.indirect.gather [hbm4b:s4+s17], $0x10, s5, s17, $0xb8;
	[tilespmem:$0x9800] =	vst v63  }
0x74: {  	_ =	swait.ge [sflag:s24], $0x800  }
0x75: {  	p0 =	seq.s32 s22, $0x9000;
	[sflag:s24] =	ssyncset.done $0x0  }
0x76: {  	s6 =	sadd.s32 $0x2A80, s29;
	s3 =	simm.s32 @p0 $0x3;
	[sflag:s24] =	ssyncadd.s32 $0xFFFFF800  }
0x77: {  	[spmem:s1] =	stream.indirect.scatter.add.f32 [tilespmem:s18], [sflag:$0x6], $0x10, s6, s17, $0xb8;
	[tilespmem:$0x9800] =	vst v63  }
0x78: {  	_ =	swait.ge @p0 [sflag:s3], $0x800  }
0x79: {  	[sflag:s3] =	ssyncset.done @p0 $0x0  }
0x7a: {  	[sflag:s3] =	ssyncadd.s32 @p0 $0xFFFFF800;
	s3 =	sshra.s32 @p0 s22, $0x2  }
0x7b: {  	s5 =	simm.s32 @p0 $0x80;
	s6 =	simm.s32 @p0 $0x6000;
	s3 =	sadd.s32 @p0 $0x2B00, s3  }
0x7c: {  	[spmem:s1] =	stream.indirect.scatter.add.f32 @p0 [tilespmem:s6], [sflag:$0x7], $0x10, s3, s5, $0xb8;
	[tilespmem:$0x9800] =	vst v63  }
0x7d: {  	s3 =	simm.s32 @!p0 $0x5  }
0x7e: {  	_ =	swait.ge @!p0 [sflag:s3], $0x800  }
0x7f: {  	[sflag:s3] =	ssyncset.done @!p0 $0x0  }
0x80: {  	[sflag:s3] =	ssyncadd.s32 @!p0 $0xFFFFF800;
	s3 =	sshra.s32 @!p0 s22, $0x2  }
0x81: {  	s8 =	simm.s32 @!p0 $0x5000;
	s6 =	simm.s32 @!p0 $0x80;
	s5 =	sadd.s32 @!p0 $0x400, s3  }
0x82: {  	[tilespmem:s8], [sflag:$0x1] =	stream.indirect.gather @!p0 [hbm4b:s4+s6], $0x10, s5, s6, $0xb8;
	[tilespmem:$0x9800] =	vst v63  }
0x83: {  	s5 =	simm.s32 @!p0 $0x3  }
0x84: {  	_ =	swait.ge @!p0 [sflag:s5], $0x800  }
0x85: {  	[sflag:s5] =	ssyncset.done @!p0 $0x0  }
0x86: {  	s8 =	simm.s32 @!p0 $0x6000;
	[sflag:s5] =	ssyncadd.s32 @!p0 $0xFFFFF800;
	s5 =	sadd.s32 @!p0 $0x2B00, s3  }
0x87: {  	[spmem:s1] =	stream.indirect.scatter.add.f32 @!p0 [tilespmem:s8], [sflag:$0x7], $0x10, s5, s6, $0xb8;
	[tilespmem:$0x9800] =	vst v63  }
0x88: {  	s5 =	simm.s32 @!p0 $0x6  }
0x89: {  	_ =	swait.ge @!p0 [sflag:s5], $0x800  }
0x8a: {  	[sflag:s5] =	ssyncset.done @!p0 $0x0  }
0x8b: {  	s3 =	sadd.s32 @!p0 $0x480, s3;
	[sflag:s5] =	ssyncadd.s32 @!p0 $0xFFFFF800;
	s5 =	simm.s32 @!p0 $0x5800  }
0x8c: {  	[tilespmem:s5], [sflag:$0x2] =	stream.indirect.gather @!p0 [hbm4b:s4+s6], $0x10, s3, s6, $0xb8;
	[tilespmem:$0x9800] =	vst v63  }
.Ltmp3:
0x8d: {  	_ = 	snop;
	(pc) =	sbr.rel @p0 .LBB2_6-.Ltmp3, $4  }
0x8e: {  	_ =	swait.ge [sflag:s19], $0x800  }
0x8f: {  	[sflag:s19] =	ssyncset.done $0x0  }
0x90: {  	s8 =	sadd.s32 $0x2B80, s29;
	[sflag:s19] =	ssyncadd.s32 $0xFFFFF800  }
0x91: {  	[spmem:s1] =	stream.indirect.scatter.add.f32 [tilespmem:s23], [sflag:$0x8], $0x10, s8, s17, $0xb8;
	[tilespmem:$0x9800] =	vst v63  }
.Ltmp4:
0x92: {  	(pc) =	sbr.rel .LBB2_4-.Ltmp4, $4  }
0x93: {  	_ =	swait.ge [sflag:s26], $0x800  }
0x94: {  	[sflag:s26] =	ssyncset.done $0x0  }
0x95: {  	s3 =	sadd.s32 $0x500, s29;
	s22 =	sadd.s32 $0x800, s22;
	[sflag:s26] =	ssyncadd.s32 $0xFFFFF800  }
0x96: {  	[tilespmem:s20], [sflag:$0x3] =	stream.indirect.gather [hbm4b:s4+s17], $0x10, s3, s17, $0xb8;
	[tilespmem:$0x9800] =	vst v63  }
.LBB2_7:
0x97: {  	_ =	sfence.sel $0x180000  }
0x98: {  	[bflag:$0x0] =	sbarrier.arrive $0xFFFF  }
0x99: {  	_ =	strace $0x9000004A  }
0x9a: {  	s0 =	stileid.u32;
	[bflag:$0x2] =	sbarrier.arrive $0xFFFF  }
0x9b: {  	p0 =	sne.s32 s0, $0x0;
	s0 =	rddreg [dreg:$0x2]  }
0x9c: {  	s0 =	sadd.s32 @!p0 $0x100000, s0  }
0x9d: {  	[sflag:s0] =	ssyncadd.tile.s32 @!p0 $0x1;
	_ =	shalt  }
.Lfunc_end2:
_tile_overlayer_lowered:
.L_overlay_start_2:
0x9e: {  	(tag) =	ssettag $0x2  }
0x9f: {  	s0 =	rddreg [dreg:$0x0];
	s2 =	stileid.u32  }
0xa0: {  	s1 =	rddreg [dreg:$0x1];
	p0 =	sne.s32 s2, $0x0  }
0xa1: {  	s3 =	rddreg [dreg:$0x2];
	[bflag:$0x3] =	sbarrier.arrive $0xFFFF;
	s2 =	simm.s32 @!p0 $0x1C09  }
0xa2: {  	[timem:s3], [sflag:s2] =	dma.local @!p0 [hbm:s0], s1  }
0xa3: {  	s0 =	simm.s32 @!p0 $0x9  }
0xa4: {  	_ =	swait.ge @!p0 [sflag:s0], s1  }
0xa5: {  	s1 =	ssub.s32 @!p0 $0x0, s1;
	[sflag:s0] =	ssyncset.done @!p0 $0x0  }
0xa6: {  	[sflag:s0] =	ssyncadd.s32 @!p0 s1  }
0xa7: {  	[bflag:$0x3] =	sbarrier.arrive $0xFFFF  }
0xa8: {  	_ =	shalt  }

// kernel: kernel.13.cloned.1.call-start
scs
__scs_entry_jumppad:
0x0: {  	(pc) =	sbr.rel $0x88, $3  }
0x1: {  	(tag) =	ssettag $0x0;
	lr =	simm.s32 $0x1  }
0x2: {  	[smem:$0x3F96] =	sst lr;
	_ =	strace $0xD0000000  }
0x3: {  	_ = 	snop  }
0x4: {  	_ = 	snop  }
0x5: {  	_ = 	snop  }
0x6: {  	_ = 	snop  }
0x7: {  	_ = 	snop  }
__scs_overlays_trampoline_lowered:
0x8: {  	[smem:$0x3FA5] =	sst s0  }
0x9: {  	[smem:$0x3FA6] =	sst s1  }
0xa: {  	[smem:$0x3FA7] =	sst s2  }
0xb: {  	[smem:$0x3FA8] =	sst s3  }
0xc: {  	[smem:$0x3FA9] =	sst s4  }
0xd: {  	[smem:$0x3FAA] =	sst s5  }
0xe: {  	[smem:$0x3FAB] =	sst s6  }
0xf: {  	[smem:$0x3FAC] =	sst s7  }
0x10: {  	[smem:$0x3FAD] =	sst s8  }
0x11: {  	[smem:$0x3FAE] =	sst s9;
	s0 =	simm.s32 @!p0 $0x0  }
0x12: {  	s1 =	sld [smem:$0x3F94];
	s0 =	simm.s32 @p0 $0x1  }
0x13: {  	[smem:$0x3FAF] =	sst s0;
	s0 =	simm.s32 @!p1 $0x0  }
0x14: {  	s2 =	sld [smem:$0x3F93];
	s0 =	simm.s32 @p1 $0x1  }
0x15: {  	[smem:$0x3FB0] =	sst s0;
	s0 =	simm.s32 @!p2 $0x0  }
0x16: {  	s3 =	sld [smem:$0x3FDB];
	s0 =	simm.s32 @p2 $0x1  }
0x17: {  	s4 =	simm.s32 $0x1BF5;
	[smem:$0x3FB2] =	sst s0  }
0x18: {  	s0 =	sld [smem:$0x3F95];
	_ =	swait.ge [sflag:s4], $0x0  }
0x19: {  	s7 =	sld [smem:$0x3F96]  }
0x1a: {  	s8 =	sadd.s32 $0xFFFFE003, lr  }
0x1b: {  	s9 =	sadd.s32 $0xFFFFFEF7, lr;
	s5 =	simm.s32 $0xFFFFFFFF;
	p2 =	slt.u32 s8, $0xFFFFF086  }
0x1c: {  	p1 =	slt.u32 s9, $0xF7A;
	s5 =	simm.s32 @!p2 $0x0  }
0x1d: {  	s5 =	simm.s32 @p1 $0x1;
	p0 =	seq.s32 s7, s2  }
0x1e: {  	s7 =	smul.u32 @!p0 $0xF7A, s2;
	p2 =	seq.s32 @!p0 s5, $0x0  }
0x1f: {  	s9 =	smul.u32 $0xF7A, s1;
	s8 =	simm.s32 @!p0 $0x1BF5;
	p2 =	por !p2, p0  }
0x20: {  	[sflag:s8] =	ssyncset.s32 @!p0 $0xFFFFF086;
	s6 =	sadd.s32 @!p0 s3, s7;
	s7 =	simm.s32 @!p0 $0x108  }
0x21: {  	s3 =	sadd.s32 s3, s9;
	s6 =	sadd.s32 @!p0 $0x88, s6;
	s7 =	simm.s32 @p2 $0x1082  }
0x22: {  	[simem:s7], [sflag:s8] =	dma.local @!p0 [hbm:s6], $0xF7A  }
0x23: {  	s9 =	sor.u32 $0xD0000000, s2;
	s6 =	simm.s32 $0x108;
	_ =	swait.ge @!p0 [sflag:s8], $0x0  }
0x24: {  	s3 =	sadd.s32 $0x88, s3;
	s6 =	simm.s32 @!p1 $0x1082;
	[sflag:s4] =	ssyncset.s32 $0xFFFFF086  }
0x25: {  	[simem:s6], [sflag:s4] =	dma.local [hbm:s3], $0xF7A  }
0x26: {  	[smem:$0x3F96] =	sst s1;
	(tag) =	ssettag s2;
	_ =	strace s9  }
0x27: {  	s1 =	sld [smem:$0x3FA6]  }
0x28: {  	s2 =	sld [smem:$0x3FA7]  }
0x29: {  	s4 =	sld [smem:$0x3FA9]  }
0x2a: {  	p0 =	seq.s32 s5, $0x0;
	s5 =	sld [smem:$0x3FAA]  }
0x2b: {  	s6 =	sld [smem:$0x3FAB]  }
0x2c: {  	s7 =	sld [smem:$0x3FAC]  }
0x2d: {  	s3 =	simm.s32 $0x108;
	s8 =	sld [smem:$0x3FAD]  }
0x2e: {  	s3 =	simm.s32 @!p0 $0x1082;
	s9 =	sld [smem:$0x3FAE]  }
0x2f: {  	lr =	sadd.s32 s0, s3;
	s0 =	sld [smem:$0x3FA5]  }
0x30: {  	s3 =	sld [smem:$0x3FA8]  }
0x31: {  	[smem:$0x3FB1] =	sst s10  }
0x32: {  	s10 =	sld [smem:$0x3FAF];
	_ =	sdelay $0x3  }
0x33: {  	p0 =	seq.s32 s10, $0x1;
	s10 =	sld [smem:$0x3FB1];
	_ =	sdelay $0x3  }
0x34: {  	[smem:$0x3FB1] =	sst s10  }
0x35: {  	s10 =	sld [smem:$0x3FB0];
	_ =	sdelay $0x3  }
0x36: {  	p1 =	seq.s32 s10, $0x1;
	s10 =	sld [smem:$0x3FB1];
	_ =	sdelay $0x3  }
0x37: {  	[smem:$0x3FB1] =	sst s10  }
0x38: {  	s10 =	sld [smem:$0x3FB2]  }
0x39: {  	_ = 	snop;
	(pc) =	sbr.ind lr, $3  }
0x3a: {  	_ = 	snop  }
0x3b: {  	_ = 	snop  }
0x3c: {  	p2 =	seq.s32 s10, $0x1;
	s10 =	sld [smem:$0x3FB1]  }
0x3d: {  	_ =	shalt  }
0x3e: {  	_ =	shalt  }
0x3f: {  	_ =	shalt  }
0x40: {  	_ =	shalt  }
0x41: {  	_ =	shalt  }
0x42: {  	_ =	shalt  }
0x43: {  	_ =	shalt  }
0x44: {  	_ =	shalt  }
0x45: {  	_ =	shalt  }
0x46: {  	_ =	shalt  }
0x47: {  	_ =	shalt  }
0x48: {  	_ =	shalt  }
0x49: {  	_ =	shalt  }
0x4a: {  	_ =	shalt  }
0x4b: {  	_ =	shalt  }
0x4c: {  	_ =	shalt  }
0x4d: {  	_ =	shalt  }
0x4e: {  	_ =	shalt  }
0x4f: {  	_ =	shalt  }
0x50: {  	_ =	shalt  }
0x51: {  	_ =	shalt  }
0x52: {  	_ =	shalt  }
0x53: {  	_ =	shalt  }
0x54: {  	_ =	shalt  }
0x55: {  	_ =	shalt  }
0x56: {  	_ =	shalt  }
0x57: {  	_ =	shalt  }
0x58: {  	_ =	shalt  }
0x59: {  	_ =	shalt  }
0x5a: {  	_ =	shalt  }
0x5b: {  	_ =	shalt  }
0x5c: {  	_ =	shalt  }
0x5d: {  	_ =	shalt  }
0x5e: {  	_ =	shalt  }
0x5f: {  	_ =	shalt  }
0x60: {  	_ =	shalt  }
0x61: {  	_ =	shalt  }
0x62: {  	_ =	shalt  }
0x63: {  	_ =	shalt  }
0x64: {  	_ =	shalt  }
0x65: {  	_ =	shalt  }
0x66: {  	_ =	shalt  }
0x67: {  	_ =	shalt  }
0x68: {  	_ =	shalt  }
0x69: {  	_ =	shalt  }
0x6a: {  	_ =	shalt  }
0x6b: {  	_ =	shalt  }
0x6c: {  	_ =	shalt  }
0x6d: {  	_ =	shalt  }
0x6e: {  	_ =	shalt  }
0x6f: {  	_ =	shalt  }
0x70: {  	_ =	shalt  }
0x71: {  	_ =	shalt  }
0x72: {  	_ =	shalt  }
0x73: {  	_ =	shalt  }
0x74: {  	_ =	shalt  }
0x75: {  	_ =	shalt  }
0x76: {  	_ =	shalt  }
0x77: {  	_ =	shalt  }
0x78: {  	_ =	shalt  }
0x79: {  	_ =	shalt  }
0x7a: {  	_ =	shalt  }
0x7b: {  	_ =	shalt  }
0x7c: {  	_ =	shalt  }
0x7d: {  	_ =	shalt  }
0x7e: {  	_ =	shalt  }
0x7f: {  	_ =	shalt  }
0x80: {  	_ =	shalt  }
0x81: {  	_ =	shalt  }
0x82: {  	_ =	shalt  }
0x83: {  	_ =	shalt  }
0x84: {  	_ =	shalt  }
0x85: {  	_ =	shalt  }
0x86: {  	_ =	shalt  }
0x87: {  	_ =	shalt  }
.Lfunc_end0:
.L_simem_size_0:
called_computation.2_lowered:
.L_overlay_start_0:
0x88: {  	s2 =	sld [smem:$0x3FD9]  }
0x89: {  	s3 =	sld [smem:$0x3FFE];
	_ =	sdelay $0x1  }
0x8a: {  	s1 =	srdreg.scid  }
0x8b: {  	s0 =	sand.u32 $0x1, s1  }
0x8c: {  	s17 =	sshll.u32 s0, $0xA;
	s2 =	sadd.s32 s3, s2  }
0x8d: {  	s2 =	sadd.s32 s2, s17  }
0x8e: {  	[smem:$0x3FBD] =	sst s2  }
0x8f: {  	_ = 	snop  }
0x90: {  	s2 =	sld [smem:$0x3FD0];
	(tm) =	ssettm $0x1  }
0x91: {  	s18 =	sld [smem:$0x3FFB];
	_ =	sdelay $0x3  }
0x92: {  	_ =	strace s18  }
0x93: {  	s3 =	sld [smem:$0x3FFC];
	_ =	sdelay $0x3  }
0x94: {  	_ =	strace s3  }
0x95: {  	s3 =	sld [smem:$0x3FFD];
	_ =	sdelay $0x3  }
0x96: {  	_ =	strace s3  }
0x97: {  	_ =	strace $0x8FFFFFFF  }
0x98: {  	s19 =	sld [smem:$0x3FDB];
	_ =	sdelay $0x1  }
0x99: {  	s4 =	simm.s32 $_scs_section_size  }
0x9a: {  	s5 =	simm.s32 $_size__tile_overlayer_lowered;
	s6 =	simm.s32 $_tile_overlayer_lowered  }
0x9b: {  	s22 =	simm.s32 $0x1BFF;
	s21 =	sshll.u32 s6, $0x1;
	s3 =	sadd.s32 s4, s19  }
0x9c: {  	s7 =	simm.s32 $0x0;
	s20 =	sshll.u32 s5, $0x1;
	s5 =	sadd.s32 s21, s3  }
0x9d: {  	[timem:s7], [sflag:s22] =	dma.local [hbm:s5], s20  }
0x9e: {  	_ =	swait.ge [sflag:s22], s20  }
0x9f: {  	s4 =	ssub.s32 $0x0, s20;
	[sflag:s22] =	ssyncset.done $0x0  }
0xa0: {  	[sflag:s22] =	ssyncadd.s32 s4;
	_ =	sdelay $0x1  }
0xa1: {  	s23 =	simm.s32 $0x1B8B  }
0xa2: {  	_ =	swait.ge [sflag:s23], $0x1  }
0xa3: {  	[sflag:s23] =	ssyncset.done $0x0  }
0xa4: {  	s25 =	simm.s32 $0x1B8E;
	s24 =	sld [smem:$0x3FFE];
	[sflag:s23] =	ssyncadd.s32 $0xFFFFFFFF  }
0xa5: {  	s26 =	simm.s32 $execute0_lowered;
	[smem:$0x3FD2] =	sst s25  }
0xa6: {  	s5 =	sshll.u32 s26, $0x1;
	_ =	strace $0x8000004C;
	[dreg:$0x1] =	wrdreg $0xFFFFFFFF  }
0xa7: {  	s28 =	simm.s32 $_size_execute0_lowered;
	s3 =	sadd.s32 s3, s5;
	[dreg:$0x0] =	wrdreg $0x0  }
0xa8: {  	s5 =	sshll.u32 s28, $0x1;
	[dreg:$0x2] =	wrdreg s3  }
0xa9: {  	[dreg:$0x3] =	wrdreg s5  }
0xaa: {  	[dreg:$0x4] =	wrdreg $0xC0  }
0xab: {  	_ =	task [dreg:s7], $0x5FFFF  }
0xac: {  	[dreg:$0x1] =	wrdreg $0xFFFFFFFF  }
0xad: {  	[dreg:$0x0] =	wrdreg $0x60  }
0xae: {  	[dreg:$0x2] =	wrdreg s24  }
0xaf: {  	[dreg:$0x3] =	wrdreg s2  }
0xb0: {  	[dreg:$0x4] =	wrdreg $0x9  }
0xb1: {  	_ =	task.clear_ibuf [dreg:s7], $0x5FFFF;
	_ =	strace $0x9000004C  }
0xb2: {  	s29 =	simm.s32 $0x9;
	_ =	strace $0x8000004E  }
0xb3: {  	_ =	swait.ge [sflag:s29], $0x1  }
0xb4: {  	[sflag:s29] =	ssyncadd.s32 $0xFFFFFFFF  }
0xb5: {  	_ =	strace $0x9000004E  }
0xb6: {  	_ =	sfence  }
0xb7: {  	s30 =	sld [smem:$0x0];
	_ =	sdelay $0x2  }
0xb8: {  	s31 =	sshll.u32 s1, $0xD;
	s1 =	sshrl.u32 s1, $0x2  }
0xb9: {  	s3 =	sand.u32 $0x4000, s31;
	s1 =	sadd.s32 s1, s30  }
0xba: {  	s0 =	sor.u32 s3, s0;
	s1 =	sshll.u32 s1, $0x11  }
0xbb: {  	s0 =	sor.u32 s1, s0  }
0xbc: {  	s0 =	sadd.s32 $0x8F2B, s0  }
0xbd: {  	[sflag:s0] =	ssyncadd.remote.s32 $0x1  }
0xbe: {  	_ =	sfence.sel $0xFFFF  }
0xbf: {  	[dreg:$0x0] =	wrdreg $0xFFFFFFFF;
	(pc) =	sbr.abs _section_cstart, $3  }
0xc0: {  	[dreg:$0x1] =	wrdreg $0xFFFFFFFF  }
0xc1: {  	_ =	task.clear_ibuf [dreg:s7], $0x2FFFF;
	_ =	strace $0x9FFFFFFF  }
0xc2: {  	(tm) =	ssettm $0x7FFFFFFF  }
0xc3: {  	_ =	shalt  }
tec
execute0_lowered:
.L_overlay_start_1:
0x0: {  	(tag) =	ssettag $0x1  }
0x1: {  	s4 =	rddreg [dreg:$0x0]  }
0x2: {  	s7 =	rddreg [dreg:$0x1]  }
0x3: {  	s0 =	rddreg [dreg:$0x2];
	s3 =	srdreg.scid  }
0x4: {  	s2 =	simm.s32 $0x0;
	s1 =	stileid.u32;
	s10 =	simm.s32 $0x2780  }
0x5: {  	s11 =	simm.s32 $0x4F00;
	s12 =	simm.s32 $0x5700;
	s13 =	simm.s32 $0x5F00  }
0x6: {  	s14 =	simm.s32 $0x0;
	s3 =	sand.u32 $0x1, s3;
	[smem:$0x7FF] =	sst s2  }
0x7: {  	s6 =	sshll.u32 s1, $0x8;
	s5 =	sshll.u32 s3, $0xC;
	_ =	strace $0x8000004D  }
0x8: {  	s31 =	ssub.s32 $0x2, s3;
	s3 =	sadd.s32 $0xE00, s4;
	s8 =	sor.u32 s6, s5  }
0x9: {  	s9 =	sshrl.u32 s31, $0x1;
	s6 =	sadd.s32 s8, s4;
	s4 =	sadd.s32 $0x1400, s4  }
0xa: {  	s9 =	ssub.s32 s31, s9;
	s7 =	sadd.s32 s7, s8;
	s5 =	sadd.s32 $0x4D000, s6  }
0xb: {  	s6 =	sadd.s32 $0x4B000, s6;
	s8 =	smax.u32 s9, $0x1;
	s9 =	simm.s32 $0x1  }
.LBB2_1:
0xc: {  	[tilespmem:s2], [sflag:$0x1] =	stream.linear.gather [hbm4b:s3+s2], $0x2780, $0x38;
	[tilespmem:$0x6700] =	vst v63  }
0xd: {  	_ =	swait.ge [sflag:s9], $0x2780  }
0xe: {  	[sflag:s9] =	ssyncset.done $0x0  }
0xf: {  	[sflag:s9] =	ssyncadd.s32 $0xFFFFD880  }
0x10: {  	[tilespmem:s10], [sflag:$0x1] =	stream.linear.gather [hbm4b:s4+s2], $0x2780, $0x38;
	[tilespmem:$0x6700] =	vst v63  }
0x11: {  	_ =	swait.ge [sflag:s9], $0x2780  }
0x12: {  	[sflag:s9] =	ssyncset.done $0x0  }
0x13: {  	[sflag:s9] =	ssyncadd.s32 $0xFFFFD880  }
0x14: {  	[tilespmem:s11], [sflag:$0x1] =	stream.linear.gather [hbm4b:s5+s2], $0x800, $0x38;
	[tilespmem:$0x6700] =	vst v63  }
0x15: {  	_ =	swait.ge [sflag:s9], $0x800  }
0x16: {  	[sflag:s9] =	ssyncset.done $0x0  }
0x17: {  	[sflag:s9] =	ssyncadd.s32 $0xFFFFF800  }
0x18: {  	[tilespmem:s12], [sflag:$0x1] =	stream.linear.gather [hbm4b:s6+s2], $0x800, $0x38;
	[tilespmem:$0x6700] =	vst v63  }
0x19: {  	_ =	swait.ge [sflag:s9], $0x800  }
0x1a: {  	[sflag:s9] =	ssyncset.done $0x0  }
0x1b: {  	s15 =	simm.s32 $0x0;
	[sflag:s9] =	ssyncadd.s32 $0xFFFFF800  }
0x1c: {  	v0 =	vld [tilespmem:s15+$0x5700]  }
0x1d: {  	v1 =	vld [tilespmem:s15+$0x4F00];
	_ =	sdelay $0x6  }
0x1e: {  	v0 =	vld.idx.msk [tilespmem:v0+s10+$0x0], $0xffff  }
0x1f: {  	s16 =	simm.s32 $0x10;
	v2 =	vld.idx.msk [tilespmem:v1+s2+$0x0], $0xffff  }
0x20: {  	s17 =	simm.s32 $0x80;
	v1 =	vld [tilespmem:s16+$0x5700]  }
.LBB2_2:
0x21: {  	p0 =	sne.s32 s17, $0x1FC0;
	v3 =	vld [tilespmem:s16+$0x4F00];
	_ =	sdelay $0x3  }
0x22: {  	v0 =	vadd.f32 v0, v2  }
.Ltmp0:
0x23: {  	(pc) =	sbr.rel @p0 .LBB2_2-.Ltmp0, $4  }
0x24: {  	[tilespmem:s15+$0x5F00] =	vst v0;
	s15 =	smov.u32 s16  }
0x25: {  	v0 =	vld.idx.msk [tilespmem:v1+s10+$0x0], $0xffff  }
0x26: {  	s16 =	sshra.s32 s17, $0x2;
	v2 =	vld.idx.msk [tilespmem:v3+s2+$0x0], $0xffff  }
0x27: {  	s17 =	sadd.s32 $0x40, s17;
	v1 =	vld [tilespmem:s16+$0x5700]  }
0x28: {  	_ = 	snop  }
0x29: {  	v3 =	vld [tilespmem:s16+$0x4F00];
	_ =	sdelay $0x3  }
0x2a: {  	v0 =	vadd.f32 v0, v2;
	_ =	sdelay $0x1  }
0x2b: {  	[tilespmem:s15+$0x5F00] =	vst v0  }
0x2c: {  	v0 =	vld.idx.msk [tilespmem:v1+s10+$0x0], $0xffff  }
0x2d: {  	v63 =	vld.idx.msk [tilespmem:v3+s2+$0x0], $0xffff;
	_ =	sdelay $0x4  }
0x2e: {  	s14 =	sadd.s32 $0x1, s14;
	v0 =	vadd.f32 v0, v63  }
0x2f: {  	p0 =	sne.s32 s14, s8  }
.Ltmp1:
0x30: {  	[tilespmem:s16+$0x5F00] =	vst v0;
	(pc) =	sbr.rel @p0 .LBB2_1-.Ltmp1, $4  }
0x31: {  	[hbm4b:s7+s2] =	stream.linear.scatter [tilespmem:s13], [sflag:$0x1], $0x800, $0x38;
	[tilespmem:$0x6700] =	vst v63  }
0x32: {  	_ =	swait.ge [sflag:s9], $0x800  }
0x33: {  	[sflag:s9] =	ssyncset.done $0x0  }
0x34: {  	[sflag:s9] =	ssyncadd.s32 $0xFFFFF800  }
0x35: {  	_ =	sfence.sel $0x180000  }
0x36: {  	[bflag:$0x0] =	sbarrier.arrive $0xFFFF  }
0x37: {  	p0 =	sne.s32 s1, $0x0;
	_ =	strace $0x9000004D  }
0x38: {  	s0 =	sadd.s32 @!p0 $0x100000, s0;
	[bflag:$0x2] =	sbarrier.arrive $0xFFFF  }
0x39: {  	[sflag:s0] =	ssyncadd.tile.s32 @!p0 $0x1;
	_ =	shalt  }
.Lfunc_end2:
_tile_overlayer_lowered:
.L_overlay_start_2:
0x3a: {  	(tag) =	ssettag $0x2  }
0x3b: {  	s0 =	rddreg [dreg:$0x0];
	s2 =	stileid.u32  }
0x3c: {  	s1 =	rddreg [dreg:$0x1];
	p0 =	sne.s32 s2, $0x0  }
0x3d: {  	s3 =	rddreg [dreg:$0x2];
	[bflag:$0x3] =	sbarrier.arrive $0xFFFF;
	s2 =	simm.s32 @!p0 $0x1C01  }
0x3e: {  	[timem:s3], [sflag:s2] =	dma.local @!p0 [hbm:s0], s1  }
0x3f: {  	s0 =	simm.s32 @!p0 $0x1  }
0x40: {  	_ =	swait.ge @!p0 [sflag:s0], s1  }
0x41: {  	s1 =	ssub.s32 @!p0 $0x0, s1;
	[sflag:s0] =	ssyncset.done @!p0 $0x0  }
0x42: {  	[sflag:s0] =	ssyncadd.s32 @!p0 s1  }
0x43: {  	[bflag:$0x3] =	sbarrier.arrive $0xFFFF  }
0x44: {  	_ =	shalt  }

// kernel: kernel.7.cloned.1.call-start
scs
__scs_entry_jumppad:
0x0: {  	(pc) =	sbr.rel $0x88, $3  }
0x1: {  	(tag) =	ssettag $0x0;
	lr =	simm.s32 $0x1  }
0x2: {  	[smem:$0x3F96] =	sst lr;
	_ =	strace $0xD0000000  }
0x3: {  	_ = 	snop  }
0x4: {  	_ = 	snop  }
0x5: {  	_ = 	snop  }
0x6: {  	_ = 	snop  }
0x7: {  	_ = 	snop  }
__scs_overlays_trampoline_lowered:
0x8: {  	[smem:$0x3FA5] =	sst s0  }
0x9: {  	[smem:$0x3FA6] =	sst s1  }
0xa: {  	[smem:$0x3FA7] =	sst s2  }
0xb: {  	[smem:$0x3FA8] =	sst s3  }
0xc: {  	[smem:$0x3FA9] =	sst s4  }
0xd: {  	[smem:$0x3FAA] =	sst s5  }
0xe: {  	[smem:$0x3FAB] =	sst s6  }
0xf: {  	[smem:$0x3FAC] =	sst s7  }
0x10: {  	[smem:$0x3FAD] =	sst s8  }
0x11: {  	[smem:$0x3FAE] =	sst s9;
	s0 =	simm.s32 @!p0 $0x0  }
0x12: {  	s1 =	sld [smem:$0x3F94];
	s0 =	simm.s32 @p0 $0x1  }
0x13: {  	[smem:$0x3FAF] =	sst s0;
	s0 =	simm.s32 @!p1 $0x0  }
0x14: {  	s2 =	sld [smem:$0x3F93];
	s0 =	simm.s32 @p1 $0x1  }
0x15: {  	[smem:$0x3FB0] =	sst s0;
	s0 =	simm.s32 @!p2 $0x0  }
0x16: {  	s3 =	sld [smem:$0x3FDB];
	s0 =	simm.s32 @p2 $0x1  }
0x17: {  	s4 =	simm.s32 $0x1BF5;
	[smem:$0x3FB2] =	sst s0  }
0x18: {  	s0 =	sld [smem:$0x3F95];
	_ =	swait.ge [sflag:s4], $0x0  }
0x19: {  	s7 =	sld [smem:$0x3F96]  }
0x1a: {  	s8 =	sadd.s32 $0xFFFFE003, lr  }
0x1b: {  	s9 =	sadd.s32 $0xFFFFFEF7, lr;
	s5 =	simm.s32 $0xFFFFFFFF;
	p2 =	slt.u32 s8, $0xFFFFF086  }
0x1c: {  	p1 =	slt.u32 s9, $0xF7A;
	s5 =	simm.s32 @!p2 $0x0  }
0x1d: {  	s5 =	simm.s32 @p1 $0x1;
	p0 =	seq.s32 s7, s2  }
0x1e: {  	s7 =	smul.u32 @!p0 $0xF7A, s2;
	p2 =	seq.s32 @!p0 s5, $0x0  }
0x1f: {  	s9 =	smul.u32 $0xF7A, s1;
	s8 =	simm.s32 @!p0 $0x1BF5;
	p2 =	por !p2, p0  }
0x20: {  	[sflag:s8] =	ssyncset.s32 @!p0 $0xFFFFF086;
	s6 =	sadd.s32 @!p0 s3, s7;
	s7 =	simm.s32 @!p0 $0x108  }
0x21: {  	s3 =	sadd.s32 s3, s9;
	s6 =	sadd.s32 @!p0 $0x88, s6;
	s7 =	simm.s32 @p2 $0x1082  }
0x22: {  	[simem:s7], [sflag:s8] =	dma.local @!p0 [hbm:s6], $0xF7A  }
0x23: {  	s9 =	sor.u32 $0xD0000000, s2;
	s6 =	simm.s32 $0x108;
	_ =	swait.ge @!p0 [sflag:s8], $0x0  }
0x24: {  	s3 =	sadd.s32 $0x88, s3;
	s6 =	simm.s32 @!p1 $0x1082;
	[sflag:s4] =	ssyncset.s32 $0xFFFFF086  }
0x25: {  	[simem:s6], [sflag:s4] =	dma.local [hbm:s3], $0xF7A  }
0x26: {  	[smem:$0x3F96] =	sst s1;
	(tag) =	ssettag s2;
	_ =	strace s9  }
0x27: {  	s1 =	sld [smem:$0x3FA6]  }
0x28: {  	s2 =	sld [smem:$0x3FA7]  }
0x29: {  	s4 =	sld [smem:$0x3FA9]  }
0x2a: {  	p0 =	seq.s32 s5, $0x0;
	s5 =	sld [smem:$0x3FAA]  }
0x2b: {  	s6 =	sld [smem:$0x3FAB]  }
0x2c: {  	s7 =	sld [smem:$0x3FAC]  }
0x2d: {  	s3 =	simm.s32 $0x108;
	s8 =	sld [smem:$0x3FAD]  }
0x2e: {  	s3 =	simm.s32 @!p0 $0x1082;
	s9 =	sld [smem:$0x3FAE]  }
0x2f: {  	lr =	sadd.s32 s0, s3;
	s0 =	sld [smem:$0x3FA5]  }
0x30: {  	s3 =	sld [smem:$0x3FA8]  }
0x31: {  	[smem:$0x3FB1] =	sst s10  }
0x32: {  	s10 =	sld [smem:$0x3FAF];
	_ =	sdelay $0x3  }
0x33: {  	p0 =	seq.s32 s10, $0x1;
	s10 =	sld [smem:$0x3FB1];
	_ =	sdelay $0x3  }
0x34: {  	[smem:$0x3FB1] =	sst s10  }
0x35: {  	s10 =	sld [smem:$0x3FB0];
	_ =	sdelay $0x3  }
0x36: {  	p1 =	seq.s32 s10, $0x1;
	s10 =	sld [smem:$0x3FB1];
	_ =	sdelay $0x3  }
0x37: {  	[smem:$0x3FB1] =	sst s10  }
0x38: {  	s10 =	sld [smem:$0x3FB2]  }
0x39: {  	_ = 	snop;
	(pc) =	sbr.ind lr, $3  }
0x3a: {  	_ = 	snop  }
0x3b: {  	_ = 	snop  }
0x3c: {  	p2 =	seq.s32 s10, $0x1;
	s10 =	sld [smem:$0x3FB1]  }
0x3d: {  	_ =	shalt  }
0x3e: {  	_ =	shalt  }
0x3f: {  	_ =	shalt  }
0x40: {  	_ =	shalt  }
0x41: {  	_ =	shalt  }
0x42: {  	_ =	shalt  }
0x43: {  	_ =	shalt  }
0x44: {  	_ =	shalt  }
0x45: {  	_ =	shalt  }
0x46: {  	_ =	shalt  }
0x47: {  	_ =	shalt  }
0x48: {  	_ =	shalt  }
0x49: {  	_ =	shalt  }
0x4a: {  	_ =	shalt  }
0x4b: {  	_ =	shalt  }
0x4c: {  	_ =	shalt  }
0x4d: {  	_ =	shalt  }
0x4e: {  	_ =	shalt  }
0x4f: {  	_ =	shalt  }
0x50: {  	_ =	shalt  }
0x51: {  	_ =	shalt  }
0x52: {  	_ =	shalt  }
0x53: {  	_ =	shalt  }
0x54: {  	_ =	shalt  }
0x55: {  	_ =	shalt  }
0x56: {  	_ =	shalt  }
0x57: {  	_ =	shalt  }
0x58: {  	_ =	shalt  }
0x59: {  	_ =	shalt  }
0x5a: {  	_ =	shalt  }
0x5b: {  	_ =	shalt  }
0x5c: {  	_ =	shalt  }
0x5d: {  	_ =	shalt  }
0x5e: {  	_ =	shalt  }
0x5f: {  	_ =	shalt  }
0x60: {  	_ =	shalt  }
0x61: {  	_ =	shalt  }
0x62: {  	_ =	shalt  }
0x63: {  	_ =	shalt  }
0x64: {  	_ =	shalt  }
0x65: {  	_ =	shalt  }
0x66: {  	_ =	shalt  }
0x67: {  	_ =	shalt  }
0x68: {  	_ =	shalt  }
0x69: {  	_ =	shalt  }
0x6a: {  	_ =	shalt  }
0x6b: {  	_ =	shalt  }
0x6c: {  	_ =	shalt  }
0x6d: {  	_ =	shalt  }
0x6e: {  	_ =	shalt  }
0x6f: {  	_ =	shalt  }
0x70: {  	_ =	shalt  }
0x71: {  	_ =	shalt  }
0x72: {  	_ =	shalt  }
0x73: {  	_ =	shalt  }
0x74: {  	_ =	shalt  }
0x75: {  	_ =	shalt  }
0x76: {  	_ =	shalt  }
0x77: {  	_ =	shalt  }
0x78: {  	_ =	shalt  }
0x79: {  	_ =	shalt  }
0x7a: {  	_ =	shalt  }
0x7b: {  	_ =	shalt  }
0x7c: {  	_ =	shalt  }
0x7d: {  	_ =	shalt  }
0x7e: {  	_ =	shalt  }
0x7f: {  	_ =	shalt  }
0x80: {  	_ =	shalt  }
0x81: {  	_ =	shalt  }
0x82: {  	_ =	shalt  }
0x83: {  	_ =	shalt  }
0x84: {  	_ =	shalt  }
0x85: {  	_ =	shalt  }
0x86: {  	_ =	shalt  }
0x87: {  	_ =	shalt  }
.Lfunc_end0:
.L_simem_size_0:
called_computation_lowered:
.L_overlay_start_0:
0x88: {  	s2 =	sld [smem:$0x3FD9]  }
0x89: {  	s3 =	sld [smem:$0x3FFE];
	_ =	sdelay $0x1  }
0x8a: {  	s1 =	srdreg.scid  }
0x8b: {  	s0 =	sand.u32 $0x1, s1  }
0x8c: {  	s17 =	sshll.u32 s0, $0xA;
	s2 =	sadd.s32 s3, s2  }
0x8d: {  	s2 =	sadd.s32 s2, s17  }
0x8e: {  	[smem:$0x3FBD] =	sst s2  }
0x8f: {  	_ = 	snop  }
0x90: {  	s2 =	sld [smem:$0x3FC7]  }
0x91: {  	s18 =	sld [smem:$0x3FD0];
	(tm) =	ssettm $0x1  }
0x92: {  	s4 =	sld [smem:$0x3FFB];
	_ =	sdelay $0x3  }
0x93: {  	_ =	strace s4  }
0x94: {  	s4 =	sld [smem:$0x3FFC];
	_ =	sdelay $0x3  }
0x95: {  	_ =	strace s4  }
0x96: {  	s4 =	sld [smem:$0x3FFD];
	_ =	sdelay $0x3  }
0x97: {  	_ =	strace s4  }
0x98: {  	_ =	strace $0x8FFFFFFF  }
0x99: {  	s19 =	sld [smem:$0x3FDB];
	_ =	sdelay $0x1  }
0x9a: {  	s5 =	simm.s32 $_scs_section_size  }
0x9b: {  	s6 =	simm.s32 $_size__tile_overlayer_lowered;
	s7 =	simm.s32 $_tile_overlayer_lowered  }
0x9c: {  	s22 =	simm.s32 $0x1BFF;
	s21 =	sshll.u32 s7, $0x1;
	s4 =	sadd.s32 s5, s19  }
0x9d: {  	s8 =	simm.s32 $0x0;
	s20 =	sshll.u32 s6, $0x1;
	s6 =	sadd.s32 s21, s4  }
0x9e: {  	[timem:s8], [sflag:s22] =	dma.local [hbm:s6], s20  }
0x9f: {  	_ =	swait.ge [sflag:s22], s20  }
0xa0: {  	s5 =	ssub.s32 $0x0, s20;
	[sflag:s22] =	ssyncset.done $0x0  }
0xa1: {  	[sflag:s22] =	ssyncadd.s32 s5;
	_ =	sdelay $0x1  }
0xa2: {  	s23 =	simm.s32 $0x1B8B  }
0xa3: {  	_ =	swait.ge [sflag:s23], $0x1  }
0xa4: {  	[sflag:s23] =	ssyncset.done $0x0  }
0xa5: {  	s25 =	simm.s32 $0x1B8E;
	s24 =	sld [smem:$0x3FFE];
	[sflag:s23] =	ssyncadd.s32 $0xFFFFFFFF  }
0xa6: {  	s26 =	simm.s32 $execute0_lowered;
	[smem:$0x3FD2] =	sst s25  }
0xa7: {  	s6 =	sshll.u32 s26, $0x1;
	_ =	strace $0x80000046;
	[dreg:$0x1] =	wrdreg $0xFFFFFFFF  }
0xa8: {  	s28 =	simm.s32 $_size_execute0_lowered;
	s4 =	sadd.s32 s4, s6;
	[dreg:$0x0] =	wrdreg $0x0  }
0xa9: {  	s6 =	sshll.u32 s28, $0x1;
	[dreg:$0x2] =	wrdreg s4  }
0xaa: {  	[dreg:$0x3] =	wrdreg s6  }
0xab: {  	[dreg:$0x4] =	wrdreg $0xC0  }
0xac: {  	_ =	task [dreg:s8], $0x5FFFF  }
0xad: {  	[dreg:$0x1] =	wrdreg $0xFFFFFFFF  }
0xae: {  	[dreg:$0x0] =	wrdreg $0x60  }
0xaf: {  	[dreg:$0x2] =	wrdreg s2  }
0xb0: {  	[dreg:$0x3] =	wrdreg s24  }
0xb1: {  	[dreg:$0x4] =	wrdreg s18  }
0xb2: {  	[dreg:$0x5] =	wrdreg $0xAB000  }
0xb3: {  	[dreg:$0x6] =	wrdreg $0x1EB000  }
0xb4: {  	[dreg:$0x7] =	wrdreg $0x9  }
0xb5: {  	_ =	task.clear_ibuf [dreg:s8], $0x8FFFF;
	_ =	strace $0x90000046  }
0xb6: {  	s29 =	simm.s32 $0x9;
	_ =	strace $0x80000048  }
0xb7: {  	_ =	swait.ge [sflag:s29], $0x1  }
0xb8: {  	[sflag:s29] =	ssyncadd.s32 $0xFFFFFFFF  }
0xb9: {  	_ =	strace $0x90000048  }
0xba: {  	_ =	sfence  }
0xbb: {  	s30 =	sld [smem:$0x0];
	_ =	sdelay $0x2  }
0xbc: {  	s31 =	sshll.u32 s1, $0xD;
	s1 =	sshrl.u32 s1, $0x2  }
0xbd: {  	s3 =	sand.u32 $0x4000, s31;
	s1 =	sadd.s32 s1, s30  }
0xbe: {  	s0 =	sor.u32 s3, s0;
	s1 =	sshll.u32 s1, $0x11  }
0xbf: {  	s0 =	sor.u32 s1, s0  }
0xc0: {  	s0 =	sadd.s32 $0x8F2B, s0  }
0xc1: {  	[sflag:s0] =	ssyncadd.remote.s32 $0x1  }
0xc2: {  	_ =	sfence.sel $0xFFFF  }
0xc3: {  	[dreg:$0x0] =	wrdreg $0xFFFFFFFF;
	(pc) =	sbr.abs _section_cstart, $3  }
0xc4: {  	[dreg:$0x1] =	wrdreg $0xFFFFFFFF  }
0xc5: {  	_ =	task.clear_ibuf [dreg:s8], $0x2FFFF;
	_ =	strace $0x9FFFFFFF  }
0xc6: {  	(tm) =	ssettm $0x7FFFFFFF  }
0xc7: {  	_ =	shalt  }
tec
execute0_lowered:
.L_overlay_start_1:
0x0: {  	(tag) =	ssettag $0x1  }
0x1: {  	s1 =	rddreg [dreg:$0x0]  }
0x2: {  	s0 =	rddreg [dreg:$0x1]  }
0x3: {  	s4 =	rddreg [dreg:$0x2]  }
0x4: {  	s2 =	rddreg [dreg:$0x3]  }
0x5: {  	s3 =	rddreg [dreg:$0x4];
	s5 =	simm.s32 $0x0  }
0x6: {  	s18 =	srdreg.scid;
	s15 =	stileid.u32;
	s28 =	simm.s32 $0x2800  }
0x7: {  	s29 =	simm.s32 $0x7;
	s31 =	simm.s32 $0x1400;
	s30 =	simm.s32 $0x1  }
0x8: {  	[smem:$0x7FF] =	sst s5;
	s8 =	sadd.s32 $0xE00, s0;
	s7 =	smul.u32 $0x50000, s15  }
0x9: {  	s5 =	sand.u32 $0x1, s18;
	s9 =	sadd.s32 $0xAE00, s0;
	s11 =	smul.u32 $0x280, s15  }
0xa: {  	s0 =	sadd.s32 $0x14E00, s0;
	s21 =	smul.u32 $0x500, s15;
	s6 =	sshll.u32 s5, $0x4  }
0xb: {  	_ =	strace $0x80000047;
	s10 =	ssub.s32 $0x2, s5;
	s6 =	sor.u32 s15, s6  }
0xc: {  	s12 =	sshrl.u32 s10, $0x1;
	s7 =	sshrl.u32 s7, $0x2;
	s15 =	smul.u32 $0x14000, s15  }
0xd: {  	s24 =	sshll.u32 s11, $0x7;
	s13 =	smul.u32 $0x2800, s6;
	s10 =	ssub.s32 s10, s12  }
0xe: {  	s6 =	sadd.s32 s7, s2;
	s7 =	sadd.s32 s11, s3;
	s26 =	sadd.s32 $0x4000, s24  }
0xf: {  	s16 =	sadd.s32 $0x8000, s24;
	s17 =	sadd.s32 $0xC000, s24;
	s11 =	smax.u32 s10, $0x1  }
0x10: {  	s19 =	sshrl.u32 s13, $0x3;
	s13 =	smul.u32 $0x140000, s5;
	s5 =	sshll.u32 s5, $0x7  }
0x11: {  	[dreg:$0xc] =	wrdreg s11;
	s14 =	sadd.s32 s8, s19;
	s20 =	sadd.s32 s9, s19  }
0x12: {  	s12 =	sadd.s32 $0x280, s19;
	s5 =	sor.u32 s5, s21;
	[dreg:$0x6] =	wrdreg s14  }
0x13: {  	[dreg:$0x7] =	wrdreg s20;
	s8 =	sadd.s32 s8, s12;
	s22 =	sadd.s32 s9, s12  }
0x14: {  	s5 =	sshrl.u32 s5, $0x3;
	s23 =	sadd.s32 s13, s15;
	s12 =	sadd.s32 s13, s26  }
0x15: {  	s14 =	sadd.s32 $0x4000, s6;
	s15 =	sadd.s32 $0x8000, s6;
	[dreg:$0x8] =	wrdreg s8  }
0x16: {  	s18 =	sadd.s32 s13, s16;
	s19 =	sadd.s32 s13, s17;
	[dreg:$0x9] =	wrdreg s22  }
0x17: {  	s9 =	sadd.s32 $0x10000, s24;
	s24 =	sadd.s32 s26, s2;
	[dreg:$0xd] =	wrdreg s14  }
0x18: {  	s4 =	sadd.s32 s4, s5;
	s25 =	sshrl.u32 s23, $0x3;
	[dreg:$0xe] =	wrdreg s15  }
0x19: {  	s10 =	sshrl.u32 s18, $0x3;
	s11 =	sshrl.u32 s19, $0x3;
	s20 =	sadd.s32 s13, s9  }
0x1a: {  	s23 =	sadd.s32 $0xC000, s6;
	s26 =	sadd.s32 s9, s2;
	s5 =	simm.s32 $0x6800  }
0x1b: {  	s8 =	simm.s32 $0x2;
	s9 =	simm.s32 $0x3;
	s13 =	simm.s32 $0x1380  }
0x1c: {  	s14 =	simm.s32 $0x2700;
	s15 =	simm.s32 $0x2780;
	[dreg:$0xa] =	wrdreg s4  }
0x1d: {  	s4 =	sadd.s32 s0, s25;
	s10 =	sadd.s32 s0, s10;
	[dreg:$0x13] =	wrdreg s23  }
0x1e: {  	s21 =	sadd.s32 s0, s11;
	s22 =	sshrl.u32 s20, $0x3;
	[dreg:$0xb] =	wrdreg s4  }
0x1f: {  	s25 =	sadd.s32 s17, s2;
	s11 =	simm.s32 $0x4;
	[dreg:$0x10] =	wrdreg s10  }
0x20: {  	s4 =	sshrl.u32 s12, $0x3;
	[dreg:$0x11] =	wrdreg s21;
	s10 =	simm.s32 $0x5  }
0x21: {  	s12 =	simm.s32 $0x6;
	s21 =	simm.s32 $0x10;
	s4 =	sadd.s32 s0, s4  }
0x22: {  	s0 =	sadd.s32 s0, s22;
	s22 =	sshrl.u32 s24, $0x3;
	s24 =	sshrl.u32 s25, $0x3  }
0x23: {  	s25 =	sshrl.u32 s26, $0x3;
	s26 =	sadd.s32 $0x10000, s6;
	[dreg:$0xf] =	wrdreg s4  }
0x24: {  	[dreg:$0x12] =	wrdreg s0;
	s4 =	sadd.s32 s16, s2;
	s0 =	simm.s32 $0x80  }
0x25: {  	v0 =	vimm.f32 $0.0e+00;
	v1 =	vimm.f32 $1.000000000e+00;
	s16 =	simm.s32 $0x0;
	s23 =	sshrl.u32 s4, $0x3;
	s4 =	simm.s32 $0xA800  }
.LBB2_1:
0x26: {  	s18 =	simm.s32 $0x0  }
0x27: {  	s17 =	sand.u32 $0xFE00, s18  }
0x28: {  	s18 =	sand.u32 $0x70, s18;
	s19 =	sshrl.u32 s17, $0x2  }
0x29: {  	s17 =	simm.s32 $0x40;
	s19 =	sor.u32 s18, s19;
	s18 =	simm.s32 $0x0  }
.LBB2_2:
0x2a: {  	p0 =	sne.s32 s17, $0xFFC0  }
0x2b: {  	[tilespmem:s19+$0x2800] =	vst v0;
	s18 =	sadd.s32 $0x10, s18;
	s19 =	smov.u32 s17;
	s17 =	sadd.s32 $0x40, s17  }
.Ltmp0:
0x2c: {  	(pc) =	sbr.rel @p0 .LBB2_2-.Ltmp0, $4  }
0x2d: {  	_ = 	snop  }
0x2e: {  	s19 =	sand.u32 $0xFE00, s19  }
0x2f: {  	s20 =	sand.u32 $0x70, s18;
	s19 =	sshrl.u32 s19, $0x2  }
0x30: {  	s19 =	sor.u32 s20, s19  }
0x31: {  	[tilespmem:s19+$0x2800] =	vst v0  }
0x32: {  	[spmem:s6] =	stream.linear.scatter [tilespmem:s28], [sflag:$0x7], $0x4000, $0x38;
	[tilespmem:$0x1ED80] =	vst v63  }
0x33: {  	_ =	swait.ge [sflag:s29], $0x4000  }
0x34: {  	[sflag:s29] =	ssyncset.done $0x0  }
0x35: {  	s17 =	rddreg [dreg:$0xd];
	[sflag:s29] =	ssyncadd.s32 $0xFFFFC000  }
0x36: {  	[spmem:s17] =	stream.linear.scatter [tilespmem:s28], [sflag:$0x7], $0x4000, $0x38;
	[tilespmem:$0x1ED80] =	vst v63  }
0x37: {  	_ =	swait.ge [sflag:s29], $0x4000  }
0x38: {  	[sflag:s29] =	ssyncset.done $0x0  }
0x39: {  	s20 =	rddreg [dreg:$0xe];
	[sflag:s29] =	ssyncadd.s32 $0xFFFFC000  }
0x3a: {  	[spmem:s20] =	stream.linear.scatter [tilespmem:s28], [sflag:$0x7], $0x4000, $0x38;
	[tilespmem:$0x1ED80] =	vst v63  }
0x3b: {  	_ =	swait.ge [sflag:s29], $0x4000  }
0x3c: {  	[sflag:s29] =	ssyncset.done $0x0  }
0x3d: {  	s18 =	rddreg [dreg:$0x13];
	[sflag:s29] =	ssyncadd.s32 $0xFFFFC000  }
0x3e: {  	[spmem:s18] =	stream.linear.scatter [tilespmem:s28], [sflag:$0x7], $0x4000, $0x38;
	[tilespmem:$0x1ED80] =	vst v63  }
0x3f: {  	_ =	swait.ge [sflag:s29], $0x4000  }
0x40: {  	[sflag:s29] =	ssyncset.done $0x0  }
0x41: {  	[sflag:s29] =	ssyncadd.s32 $0xFFFFC000  }
0x42: {  	[spmem:s26] =	stream.linear.scatter [tilespmem:s28], [sflag:$0x7], $0x4000, $0x38;
	[tilespmem:$0x1ED80] =	vst v63  }
0x43: {  	_ =	swait.ge [sflag:s29], $0x4000  }
0x44: {  	[sflag:s29] =	ssyncset.done $0x0  }
0x45: {  	[sflag:s29] =	ssyncadd.s32 $0xFFFFC000  }
0x46: {  	[tilespmem:$0xA800] =	vst v1  }
0x47: {  	[tilespmem:$0xA810] =	vst v1  }
0x48: {  	[tilespmem:$0xA820] =	vst v1  }
0x49: {  	[tilespmem:$0xA830] =	vst v1  }
0x4a: {  	[tilespmem:$0xA840] =	vst v1  }
0x4b: {  	[tilespmem:$0xA850] =	vst v1  }
0x4c: {  	[tilespmem:$0xA860] =	vst v1  }
0x4d: {  	[tilespmem:$0xA870] =	vst v1  }
0x4e: {  	[tilespmem:$0xA880] =	vst v0  }
0x4f: {  	[tilespmem:$0xA890] =	vst v0  }
0x50: {  	[tilespmem:$0xA8A0] =	vst v0  }
0x51: {  	[tilespmem:$0xA8B0] =	vst v0  }
0x52: {  	[tilespmem:$0xA8C0] =	vst v0  }
0x53: {  	[tilespmem:$0xA8D0] =	vst v0  }
0x54: {  	[tilespmem:$0xA8E0] =	vst v0  }
0x55: {  	[tilespmem:$0xA8F0] =	vst v0  }
0x56: {  	[tilespmem:$0xA900] =	vst v0  }
0x57: {  	[tilespmem:$0xA910] =	vst v0  }
0x58: {  	[tilespmem:$0xA920] =	vst v0  }
0x59: {  	[tilespmem:$0xA930] =	vst v0  }
0x5a: {  	[tilespmem:$0xA940] =	vst v0  }
0x5b: {  	[tilespmem:$0xA950] =	vst v0  }
0x5c: {  	[tilespmem:$0xA960] =	vst v0  }
0x5d: {  	[tilespmem:$0xA970] =	vst v0  }
0x5e: {  	[tilespmem:$0xA980] =	vst v0  }
0x5f: {  	[tilespmem:$0xA990] =	vst v0  }
0x60: {  	[tilespmem:$0xA9A0] =	vst v0  }
0x61: {  	[tilespmem:$0xA9B0] =	vst v0  }
0x62: {  	[tilespmem:$0xA9C0] =	vst v0  }
0x63: {  	[tilespmem:$0xA9D0] =	vst v0  }
0x64: {  	[tilespmem:$0xA9E0] =	vst v0  }
0x65: {  	[tilespmem:$0xA9F0] =	vst v0  }
0x66: {  	[tilespmem:$0xAA00] =	vst v0  }
0x67: {  	[tilespmem:$0xAA10] =	vst v0  }
0x68: {  	[tilespmem:$0xAA20] =	vst v0  }
0x69: {  	[tilespmem:$0xAA30] =	vst v0  }
0x6a: {  	[tilespmem:$0xAA40] =	vst v0  }
0x6b: {  	[tilespmem:$0xAA50] =	vst v0  }
0x6c: {  	[tilespmem:$0xAA60] =	vst v0  }
0x6d: {  	[tilespmem:$0xAA70] =	vst v0  }
0x6e: {  	[tilespmem:$0xAA80] =	vst v0  }
0x6f: {  	[tilespmem:$0xAA90] =	vst v0  }
0x70: {  	[tilespmem:$0xAAA0] =	vst v0  }
0x71: {  	[tilespmem:$0xAAB0] =	vst v0  }
0x72: {  	[tilespmem:$0xAAC0] =	vst v0  }
0x73: {  	[tilespmem:$0xAAD0] =	vst v0  }
0x74: {  	[tilespmem:$0xAAE0] =	vst v0  }
0x75: {  	s19 =	simm.s32 $0xA880;
	[tilespmem:$0xAAF0] =	vst v0  }
0x76: {  	[spmem:s7] =	stream.linear.scatter [tilespmem:s19], [sflag:$0x7], $0x280, $0x38;
	[tilespmem:$0x1ED80] =	vst v63  }
0x77: {  	_ =	swait.ge [sflag:s29], $0x280  }
0x78: {  	[sflag:s29] =	ssyncset.done $0x0  }
0x79: {  	[sflag:s29] =	ssyncadd.s32 $0xFFFFFD80  }
0x7a: {  	[bflag:$0x0] =	sbarrier.arrive $0xFFFF  }
0x7b: {  	s20 =	simm.s32 $0x0;
	s18 =	rddreg [dreg:$0x6]  }
0x7c: {  	[tilespmem:s20], [sflag:$0x7] =	stream.linear.gather [hbm4b:s18+s20], $0x1400, $0x38;
	[tilespmem:$0x1ED80] =	vst v63  }
0x7d: {  	_ =	swait.ge [sflag:s29], $0x1400  }
0x7e: {  	[sflag:s29] =	ssyncset.done $0x0  }
0x7f: {  	s19 =	rddreg [dreg:$0x7];
	[sflag:s29] =	ssyncadd.s32 $0xFFFFEC00  }
0x80: {  	[tilespmem:s31], [sflag:$0x7] =	stream.linear.gather [hbm4b:s19+s20], $0x1400, $0x38;
	[tilespmem:$0x1ED80] =	vst v63  }
0x81: {  	_ =	swait.ge [sflag:s29], $0x1400  }
0x82: {  	[sflag:s29] =	ssyncset.done $0x0  }
0x83: {  	[sflag:s29] =	ssyncadd.s32 $0xFFFFEC00  }
0x84: {  	[tilespmem:s28], [sflag:$0x1] =	stream.indirect.gather [hbm4b:s1+s0], $0x80, s20, s0, $0xb8;
	[tilespmem:$0x1ED80] =	vst v63  }
0x85: {  	_ =	swait.ge [sflag:s30], $0x4000  }
0x86: {  	[sflag:s30] =	ssyncset.done $0x0  }
0x87: {  	s20 =	simm.s32 $0x80;
	[sflag:s30] =	ssyncadd.s32 $0xFFFFC000  }
0x88: {  	[tilespmem:s5], [sflag:$0x2] =	stream.indirect.gather [hbm4b:s1+s0], $0x80, s20, s0, $0xb8;
	[tilespmem:$0x1ED80] =	vst v63  }
0x89: {  	s18 =	simm.s32 $0x1400  }
0x8a: {  	[spmem:s2] =	stream.indirect.scatter.add.f32 [tilespmem:s28], [sflag:$0x3], $0x80, s18, s0, $0xb8;
	[tilespmem:$0x1ED80] =	vst v63  }
0x8b: {  	_ = 	snop  }
0x8c: {  	[spmem:s3] =	stream.indirect.scatter.add.f32 [tilespmem:s4], [sflag:$0x5], $0x1, s18, s0, $0xb8;
	[tilespmem:$0x1ED80] =	vst v63  }
0x8d: {  	_ =	swait.ge [sflag:s8], $0x4000  }
0x8e: {  	[sflag:s8] =	ssyncset.done $0x0  }
0x8f: {  	[sflag:s8] =	ssyncadd.s32 $0xFFFFC000  }
0x90: {  	_ =	swait.ge [sflag:s9], $0x4000  }
0x91: {  	[sflag:s9] =	ssyncset.done $0x0  }
0x92: {  	[sflag:s9] =	ssyncadd.s32 $0xFFFFC000  }
0x93: {  	_ =	swait.ge [sflag:s10], $0x80  }
0x94: {  	[sflag:s10] =	ssyncset.done $0x0  }
0x95: {  	s19 =	simm.s32 $0x100;
	[sflag:s10] =	ssyncadd.s32 $0xFFFFFF80  }
0x96: {  	[tilespmem:s28], [sflag:$0x1] =	stream.indirect.gather [hbm4b:s1+s0], $0x80, s19, s0, $0xb8;
	[tilespmem:$0x1ED80] =	vst v63  }
0x97: {  	s20 =	simm.s32 $0x1480  }
0x98: {  	[spmem:s2] =	stream.indirect.scatter.add.f32 [tilespmem:s5], [sflag:$0x4], $0x80, s20, s0, $0xb8;
	[tilespmem:$0x1ED80] =	vst v63  }
0x99: {  	_ = 	snop  }
0x9a: {  	[spmem:s3] =	stream.indirect.scatter.add.f32 [tilespmem:s4], [sflag:$0x6], $0x1, s20, s0, $0xb8;
	[tilespmem:$0x1ED80] =	vst v63  }
0x9b: {  	_ =	swait.ge [sflag:s11], $0x4000  }
0x9c: {  	[sflag:s11] =	ssyncset.done $0x0  }
0x9d: {  	[sflag:s11] =	ssyncadd.s32 $0xFFFFC000  }
0x9e: {  	_ =	swait.ge [sflag:s12], $0x80  }
0x9f: {  	s17 =	simm.s32 $0x400;
	[sflag:s12] =	ssyncset.done $0x0  }
.LBB2_4:
0xa0: {  	p0 =	sne.s32 s17, $0x4800  }
0xa1: {  	[sflag:s12] =	ssyncadd.s32 $0xFFFFFF80;
	s18 =	smov.u32 s17;
	s17 =	sadd.s32 $0x400, s17  }
0xa2: {  	_ =	swait.ge [sflag:s30], $0x4000  }
0xa3: {  	s18 =	sshra.s32 s18, $0x2;
	[sflag:s30] =	ssyncset.done $0x0  }
0xa4: {  	s19 =	sadd.s32 $0x80, s18;
	[sflag:s30] =	ssyncadd.s32 $0xFFFFC000  }
0xa5: {  	[tilespmem:s5], [sflag:$0x2] =	stream.indirect.gather [hbm4b:s1+s0], $0x80, s19, s0, $0xb8;
	[tilespmem:$0x1ED80] =	vst v63  }
0xa6: {  	s19 =	sadd.s32 $0x1400, s18  }
0xa7: {  	[spmem:s2] =	stream.indirect.scatter.add.f32 [tilespmem:s28], [sflag:$0x3], $0x80, s19, s0, $0xb8;
	[tilespmem:$0x1ED80] =	vst v63  }
0xa8: {  	_ = 	snop  }
0xa9: {  	[spmem:s3] =	stream.indirect.scatter.add.f32 [tilespmem:s4], [sflag:$0x5], $0x1, s19, s0, $0xb8;
	[tilespmem:$0x1ED80] =	vst v63  }
0xaa: {  	_ =	swait.ge [sflag:s8], $0x4000  }
0xab: {  	[sflag:s8] =	ssyncset.done $0x0  }
0xac: {  	[sflag:s8] =	ssyncadd.s32 $0xFFFFC000  }
0xad: {  	_ =	swait.ge [sflag:s9], $0x4000  }
0xae: {  	[sflag:s9] =	ssyncset.done $0x0  }
0xaf: {  	[sflag:s9] =	ssyncadd.s32 $0xFFFFC000  }
0xb0: {  	_ =	swait.ge [sflag:s10], $0x80  }
0xb1: {  	[sflag:s10] =	ssyncset.done $0x0  }
0xb2: {  	s19 =	sadd.s32 $0x100, s18;
	[sflag:s10] =	ssyncadd.s32 $0xFFFFFF80  }
0xb3: {  	[tilespmem:s28], [sflag:$0x1] =	stream.indirect.gather [hbm4b:s1+s0], $0x80, s19, s0, $0xb8;
	[tilespmem:$0x1ED80] =	vst v63  }
0xb4: {  	s18 =	sadd.s32 $0x1480, s18  }
0xb5: {  	[spmem:s2] =	stream.indirect.scatter.add.f32 [tilespmem:s5], [sflag:$0x4], $0x80, s18, s0, $0xb8;
	[tilespmem:$0x1ED80] =	vst v63  }
0xb6: {  	_ = 	snop  }
0xb7: {  	[spmem:s3] =	stream.indirect.scatter.add.f32 [tilespmem:s4], [sflag:$0x6], $0x1, s18, s0, $0xb8;
	[tilespmem:$0x1ED80] =	vst v63  }
.Ltmp1:
0xb8: {  	_ =	swait.ge [sflag:s11], $0x4000;
	(pc) =	sbr.rel @p0 .LBB2_4-.Ltmp1, $4  }
0xb9: {  	[sflag:s11] =	ssyncset.done $0x0  }
0xba: {  	[sflag:s11] =	ssyncadd.s32 $0xFFFFC000  }
0xbb: {  	_ =	swait.ge [sflag:s12], $0x80  }
0xbc: {  	[sflag:s12] =	ssyncset.done $0x0  }
0xbd: {  	[sflag:s12] =	ssyncadd.s32 $0xFFFFFF80  }
0xbe: {  	_ =	swait.ge [sflag:s30], $0x4000  }
0xbf: {  	[sflag:s30] =	ssyncset.done $0x0  }
0xc0: {  	[sflag:s30] =	ssyncadd.s32 $0xFFFFC000  }
0xc1: {  	[tilespmem:s5], [sflag:$0x2] =	stream.indirect.gather [hbm4b:s1+s0], $0x80, s13, s0, $0xb8;
	[tilespmem:$0x1ED80] =	vst v63  }
0xc2: {  	_ = 	snop  }
0xc3: {  	[spmem:s2] =	stream.indirect.scatter.add.f32 [tilespmem:s28], [sflag:$0x3], $0x80, s14, s0, $0xb8;
	[tilespmem:$0x1ED80] =	vst v63  }
0xc4: {  	_ = 	snop  }
0xc5: {  	[spmem:s3] =	stream.indirect.scatter.add.f32 [tilespmem:s4], [sflag:$0x5], $0x1, s14, s0, $0xb8;
	[tilespmem:$0x1ED80] =	vst v63  }
0xc6: {  	_ =	swait.ge [sflag:s8], $0x4000  }
0xc7: {  	[sflag:s8] =	ssyncset.done $0x0  }
0xc8: {  	[sflag:s8] =	ssyncadd.s32 $0xFFFFC000  }
0xc9: {  	_ =	swait.ge [sflag:s9], $0x4000  }
0xca: {  	[sflag:s9] =	ssyncset.done $0x0  }
0xcb: {  	[sflag:s9] =	ssyncadd.s32 $0xFFFFC000  }
0xcc: {  	_ =	swait.ge [sflag:s10], $0x80  }
0xcd: {  	[sflag:s10] =	ssyncset.done $0x0  }
0xce: {  	[sflag:s10] =	ssyncadd.s32 $0xFFFFFF80  }
0xcf: {  	[spmem:s2] =	stream.indirect.scatter.add.f32 [tilespmem:s5], [sflag:$0x4], $0x80, s15, s0, $0xb8;
	[tilespmem:$0x1ED80] =	vst v63  }
0xd0: {  	_ = 	snop  }
0xd1: {  	[spmem:s3] =	stream.indirect.scatter.add.f32 [tilespmem:s4], [sflag:$0x6], $0x1, s15, s0, $0xb8;
	[tilespmem:$0x1ED80] =	vst v63  }
0xd2: {  	_ =	swait.ge [sflag:s11], $0x4000  }
0xd3: {  	[sflag:s11] =	ssyncset.done $0x0  }
0xd4: {  	[sflag:s11] =	ssyncadd.s32 $0xFFFFC000  }
0xd5: {  	_ =	swait.ge [sflag:s12], $0x80  }
0xd6: {  	[sflag:s12] =	ssyncset.done $0x0  }
0xd7: {  	s17 =	simm.s32 $0x0;
	s18 =	rddreg [dreg:$0x8];
	[sflag:s12] =	ssyncadd.s32 $0xFFFFFF80  }
0xd8: {  	[tilespmem:s17], [sflag:$0x7] =	stream.linear.gather [hbm4b:s18+s17], $0x1400, $0x38;
	[tilespmem:$0x1ED80] =	vst v63  }
0xd9: {  	_ =	swait.ge [sflag:s29], $0x1400  }
0xda: {  	[sflag:s29] =	ssyncset.done $0x0  }
0xdb: {  	s19 =	rddreg [dreg:$0x9];
	[sflag:s29] =	ssyncadd.s32 $0xFFFFEC00  }
0xdc: {  	[tilespmem:s31], [sflag:$0x7] =	stream.linear.gather [hbm4b:s19+s17], $0x1400, $0x38;
	[tilespmem:$0x1ED80] =	vst v63  }
0xdd: {  	_ =	swait.ge [sflag:s29], $0x1400  }
0xde: {  	[sflag:s29] =	ssyncset.done $0x0  }
0xdf: {  	[sflag:s29] =	ssyncadd.s32 $0xFFFFEC00  }
0xe0: {  	[tilespmem:s28], [sflag:$0x1] =	stream.indirect.gather [hbm4b:s1+s0], $0x80, s17, s0, $0xb8;
	[tilespmem:$0x1ED80] =	vst v63  }
0xe1: {  	_ =	swait.ge [sflag:s30], $0x4000  }
0xe2: {  	[sflag:s30] =	ssyncset.done $0x0  }
0xe3: {  	s20 =	simm.s32 $0x80;
	[sflag:s30] =	ssyncadd.s32 $0xFFFFC000  }
0xe4: {  	[tilespmem:s5], [sflag:$0x2] =	stream.indirect.gather [hbm4b:s1+s0], $0x80, s20, s0, $0xb8;
	[tilespmem:$0x1ED80] =	vst v63  }
0xe5: {  	s18 =	simm.s32 $0x1400  }
0xe6: {  	[spmem:s2] =	stream.indirect.scatter.add.f32 [tilespmem:s28], [sflag:$0x3], $0x80, s18, s0, $0xb8;
	[tilespmem:$0x1ED80] =	vst v63  }
0xe7: {  	_ = 	snop  }
0xe8: {  	[spmem:s3] =	stream.indirect.scatter.add.f32 [tilespmem:s4], [sflag:$0x5], $0x1, s18, s0, $0xb8;
	[tilespmem:$0x1ED80] =	vst v63  }
0xe9: {  	_ =	swait.ge [sflag:s8], $0x4000  }
0xea: {  	[sflag:s8] =	ssyncset.done $0x0  }
0xeb: {  	[sflag:s8] =	ssyncadd.s32 $0xFFFFC000  }
0xec: {  	_ =	swait.ge [sflag:s9], $0x4000  }
0xed: {  	[sflag:s9] =	ssyncset.done $0x0  }
0xee: {  	[sflag:s9] =	ssyncadd.s32 $0xFFFFC000  }
0xef: {  	_ =	swait.ge [sflag:s10], $0x80  }
0xf0: {  	[sflag:s10] =	ssyncset.done $0x0  }
0xf1: {  	s19 =	simm.s32 $0x100;
	[sflag:s10] =	ssyncadd.s32 $0xFFFFFF80  }
0xf2: {  	[tilespmem:s28], [sflag:$0x1] =	stream.indirect.gather [hbm4b:s1+s0], $0x80, s19, s0, $0xb8;
	[tilespmem:$0x1ED80] =	vst v63  }
0xf3: {  	s20 =	simm.s32 $0x1480  }
0xf4: {  	[spmem:s2] =	stream.indirect.scatter.add.f32 [tilespmem:s5], [sflag:$0x4], $0x80, s20, s0, $0xb8;
	[tilespmem:$0x1ED80] =	vst v63  }
0xf5: {  	_ = 	snop  }
0xf6: {  	[spmem:s3] =	stream.indirect.scatter.add.f32 [tilespmem:s4], [sflag:$0x6], $0x1, s20, s0, $0xb8;
	[tilespmem:$0x1ED80] =	vst v63  }
0xf7: {  	_ =	swait.ge [sflag:s11], $0x4000  }
0xf8: {  	[sflag:s11] =	ssyncset.done $0x0  }
0xf9: {  	[sflag:s11] =	ssyncadd.s32 $0xFFFFC000  }
0xfa: {  	_ =	swait.ge [sflag:s12], $0x80  }
0xfb: {  	s17 =	simm.s32 $0x400;
	[sflag:s12] =	ssyncset.done $0x0  }
.LBB2_6:
0xfc: {  	p0 =	sne.s32 s17, $0x4800  }
0xfd: {  	[sflag:s12] =	ssyncadd.s32 $0xFFFFFF80;
	s18 =	smov.u32 s17;
	s17 =	sadd.s32 $0x400, s17  }
0xfe: {  	_ =	swait.ge [sflag:s30], $0x4000  }
0xff: {  	s18 =	sshra.s32 s18, $0x2;
	[sflag:s30] =	ssyncset.done $0x0  }
0x100: {  	s19 =	sadd.s32 $0x80, s18;
	[sflag:s30] =	ssyncadd.s32 $0xFFFFC000  }
0x101: {  	[tilespmem:s5], [sflag:$0x2] =	stream.indirect.gather [hbm4b:s1+s0], $0x80, s19, s0, $0xb8;
	[tilespmem:$0x1ED80] =	vst v63  }
0x102: {  	s19 =	sadd.s32 $0x1400, s18  }
0x103: {  	[spmem:s2] =	stream.indirect.scatter.add.f32 [tilespmem:s28], [sflag:$0x3], $0x80, s19, s0, $0xb8;
	[tilespmem:$0x1ED80] =	vst v63  }
0x104: {  	_ = 	snop  }
0x105: {  	[spmem:s3] =	stream.indirect.scatter.add.f32 [tilespmem:s4], [sflag:$0x5], $0x1, s19, s0, $0xb8;
	[tilespmem:$0x1ED80] =	vst v63  }
0x106: {  	_ =	swait.ge [sflag:s8], $0x4000  }
0x107: {  	[sflag:s8] =	ssyncset.done $0x0  }
0x108: {  	[sflag:s8] =	ssyncadd.s32 $0xFFFFC000  }
0x109: {  	_ =	swait.ge [sflag:s9], $0x4000  }
0x10a: {  	[sflag:s9] =	ssyncset.done $0x0  }
0x10b: {  	[sflag:s9] =	ssyncadd.s32 $0xFFFFC000  }
0x10c: {  	_ =	swait.ge [sflag:s10], $0x80  }
0x10d: {  	[sflag:s10] =	ssyncset.done $0x0  }
0x10e: {  	s19 =	sadd.s32 $0x100, s18;
	[sflag:s10] =	ssyncadd.s32 $0xFFFFFF80  }
0x10f: {  	[tilespmem:s28], [sflag:$0x1] =	stream.indirect.gather [hbm4b:s1+s0], $0x80, s19, s0, $0xb8;
	[tilespmem:$0x1ED80] =	vst v63  }
0x110: {  	s18 =	sadd.s32 $0x1480, s18  }
0x111: {  	[spmem:s2] =	stream.indirect.scatter.add.f32 [tilespmem:s5], [sflag:$0x4], $0x80, s18, s0, $0xb8;
	[tilespmem:$0x1ED80] =	vst v63  }
0x112: {  	_ = 	snop  }
0x113: {  	[spmem:s3] =	stream.indirect.scatter.add.f32 [tilespmem:s4], [sflag:$0x6], $0x1, s18, s0, $0xb8;
	[tilespmem:$0x1ED80] =	vst v63  }
.Ltmp2:
0x114: {  	_ =	swait.ge [sflag:s11], $0x4000;
	(pc) =	sbr.rel @p0 .LBB2_6-.Ltmp2, $4  }
0x115: {  	[sflag:s11] =	ssyncset.done $0x0  }
0x116: {  	[sflag:s11] =	ssyncadd.s32 $0xFFFFC000  }
0x117: {  	_ =	swait.ge [sflag:s12], $0x80  }
0x118: {  	[sflag:s12] =	ssyncset.done $0x0  }
0x119: {  	[sflag:s12] =	ssyncadd.s32 $0xFFFFFF80  }
0x11a: {  	_ =	swait.ge [sflag:s30], $0x4000  }
0x11b: {  	[sflag:s30] =	ssyncset.done $0x0  }
0x11c: {  	[sflag:s30] =	ssyncadd.s32 $0xFFFFC000  }
0x11d: {  	[tilespmem:s5], [sflag:$0x2] =	stream.indirect.gather [hbm4b:s1+s0], $0x80, s13, s0, $0xb8;
	[tilespmem:$0x1ED80] =	vst v63  }
0x11e: {  	_ = 	snop  }
0x11f: {  	[spmem:s2] =	stream.indirect.scatter.add.f32 [tilespmem:s28], [sflag:$0x3], $0x80, s14, s0, $0xb8;
	[tilespmem:$0x1ED80] =	vst v63  }
0x120: {  	_ = 	snop  }
0x121: {  	[spmem:s3] =	stream.indirect.scatter.add.f32 [tilespmem:s4], [sflag:$0x5], $0x1, s14, s0, $0xb8;
	[tilespmem:$0x1ED80] =	vst v63  }
0x122: {  	_ =	swait.ge [sflag:s8], $0x4000  }
0x123: {  	[sflag:s8] =	ssyncset.done $0x0  }
0x124: {  	[sflag:s8] =	ssyncadd.s32 $0xFFFFC000  }
0x125: {  	_ =	swait.ge [sflag:s9], $0x4000  }
0x126: {  	[sflag:s9] =	ssyncset.done $0x0  }
0x127: {  	[sflag:s9] =	ssyncadd.s32 $0xFFFFC000  }
0x128: {  	_ =	swait.ge [sflag:s10], $0x80  }
0x129: {  	[sflag:s10] =	ssyncset.done $0x0  }
0x12a: {  	[sflag:s10] =	ssyncadd.s32 $0xFFFFFF80  }
0x12b: {  	[spmem:s2] =	stream.indirect.scatter.add.f32 [tilespmem:s5], [sflag:$0x4], $0x80, s15, s0, $0xb8;
	[tilespmem:$0x1ED80] =	vst v63  }
0x12c: {  	_ = 	snop  }
0x12d: {  	[spmem:s3] =	stream.indirect.scatter.add.f32 [tilespmem:s4], [sflag:$0x6], $0x1, s15, s0, $0xb8;
	[tilespmem:$0x1ED80] =	vst v63  }
0x12e: {  	_ =	swait.ge [sflag:s11], $0x4000  }
0x12f: {  	[sflag:s11] =	ssyncset.done $0x0  }
0x130: {  	[sflag:s11] =	ssyncadd.s32 $0xFFFFC000  }
0x131: {  	_ =	swait.ge [sflag:s12], $0x80  }
0x132: {  	[sflag:s12] =	ssyncset.done $0x0  }
0x133: {  	s17 =	stileid.u32;
	[sflag:s12] =	ssyncadd.s32 $0xFFFFFF80  }
0x134: {  	s17 =	sshll.u32 s17, $0x6;
	[bflag:$0x0] =	sbarrier.arrive $0xFFFF  }
0x135: {  	s18 =	sshrl.u32 s6, $0x3;
	s17 =	sor.u32 $0x1C07, s17;
	s19 =	rddreg [dreg:$0xb]  }
0x136: {  	[hbm:s19], [sflag:s17] =	dma.local [spmem:s18], $0x800  }
0x137: {  	_ =	swait.ge [sflag:s29], $0x800  }
0x138: {  	[sflag:s29] =	ssyncset.done $0x0  }
0x139: {  	s20 =	rddreg [dreg:$0xf];
	[sflag:s29] =	ssyncadd.s32 $0xFFFFF800  }
0x13a: {  	[hbm:s20], [sflag:s17] =	dma.local [spmem:s22], $0x800  }
0x13b: {  	_ =	swait.ge [sflag:s29], $0x800  }
0x13c: {  	[sflag:s29] =	ssyncset.done $0x0  }
0x13d: {  	s19 =	rddreg [dreg:$0x10];
	[sflag:s29] =	ssyncadd.s32 $0xFFFFF800  }
0x13e: {  	[hbm:s19], [sflag:s17] =	dma.local [spmem:s23], $0x800  }
0x13f: {  	_ =	swait.ge [sflag:s29], $0x800  }
0x140: {  	[sflag:s29] =	ssyncset.done $0x0  }
0x141: {  	s20 =	rddreg [dreg:$0x11];
	[sflag:s29] =	ssyncadd.s32 $0xFFFFF800  }
0x142: {  	[hbm:s20], [sflag:s17] =	dma.local [spmem:s24], $0x800  }
0x143: {  	_ =	swait.ge [sflag:s29], $0x800  }
0x144: {  	[sflag:s29] =	ssyncset.done $0x0  }
0x145: {  	s19 =	rddreg [dreg:$0x12];
	[sflag:s29] =	ssyncadd.s32 $0xFFFFF800  }
0x146: {  	[hbm:s19], [sflag:s17] =	dma.local [spmem:s25], $0x800  }
0x147: {  	_ =	swait.ge [sflag:s29], $0x800  }
0x148: {  	s18 =	sshrl.u32 s7, $0x3;
	[sflag:s29] =	ssyncset.done $0x0  }
0x149: {  	s20 =	simm.s32 $0x20;
	s19 =	rddreg [dreg:$0xa];
	[sflag:s29] =	ssyncadd.s32 $0xFFFFF800  }
0x14a: {  	[hbm:s19@s20], [sflag:s17] =	dma.strided [spmem:s18@s21], $0x50, s30, $0x10   }
0x14b: {  	_ =	swait.ge [sflag:s29], $0x50  }
0x14c: {  	s16 =	sadd.s32 $0x1, s16;
	s20 =	rddreg [dreg:$0xc]  }
0x14d: {  	p0 =	sne.s32 s16, s20  }
.Ltmp3:
0x14e: {  	_ = 	snop;
	(pc) =	sbr.rel @p0 .LBB2_1-.Ltmp3, $3  }
0x14f: {  	_ =	sdelay $0x1  }
0x150: {  	[sflag:s29] =	ssyncset.done $0x0  }
0x151: {  	[sflag:s29] =	ssyncadd.s32 $0xFFFFFFB0  }
0x152: {  	_ =	sfence.sel $0x180000  }
0x153: {  	[bflag:$0x0] =	sbarrier.arrive $0xFFFF  }
0x154: {  	_ =	strace $0x90000047  }
0x155: {  	s0 =	stileid.u32;
	[bflag:$0x2] =	sbarrier.arrive $0xFFFF  }
0x156: {  	p0 =	sne.s32 s0, $0x0;
	s0 =	rddreg [dreg:$0x5]  }
0x157: {  	s0 =	sadd.s32 @!p0 $0x100000, s0  }
0x158: {  	[sflag:s0] =	ssyncadd.tile.s32 @!p0 $0x1;
	_ =	shalt  }
.Lfunc_end2:
_tile_overlayer_lowered:
.L_overlay_start_2:
0x159: {  	(tag) =	ssettag $0x2  }
0x15a: {  	s0 =	rddreg [dreg:$0x0];
	s2 =	stileid.u32  }
0x15b: {  	s1 =	rddreg [dreg:$0x1];
	p0 =	sne.s32 s2, $0x0  }
0x15c: {  	s3 =	rddreg [dreg:$0x2];
	[bflag:$0x3] =	sbarrier.arrive $0xFFFF;
	s2 =	simm.s32 @!p0 $0x1C07  }
0x15d: {  	[timem:s3], [sflag:s2] =	dma.local @!p0 [hbm:s0], s1  }
0x15e: {  	s0 =	simm.s32 @!p0 $0x7  }
0x15f: {  	_ =	swait.ge @!p0 [sflag:s0], s1  }
0x160: {  	s1 =	ssub.s32 @!p0 $0x0, s1;
	[sflag:s0] =	ssyncset.done @!p0 $0x0  }
0x161: {  	[sflag:s0] =	ssyncadd.s32 @!p0 s1  }
0x162: {  	[bflag:$0x3] =	sbarrier.arrive $0xFFFF  }
0x163: {  	_ =	shalt  }

</sc_bundles>
